<compile_context>
chip_gen: v7x
topology: tpu7x:2x2x1
jax: 0.10.2.dev20260603
libtpu: 0.0.44.dev20260713+nightly
codegen_flags: <defaults>
</compile_context>

<pallas_src>
import functools

import jax
import jax.numpy as jnp
from jax import lax
from jax.experimental import pallas as pl
from jax.experimental.pallas import tpu as pltpu
from jax.experimental.pallas import tpu_sc as plsc

EMBED = 1024
T_LEN = 2048
BATCH = 4
NUM_CORES = 2
NUM_SUBCORES = 16
NW = NUM_CORES * NUM_SUBCORES
T_PER_W = T_LEN // NW
CHUNK = 32
NCHUNK = T_PER_W // CHUNK
NSTEP = NCHUNK * BATCH
LANES = 16
VPR = EMBED // LANES


def _build_kernel():
  mesh = plsc.VectorSubcoreMesh(core_axis_name="c", subcore_axis_name="s")

  @functools.partial(
      pl.kernel,
      mesh=mesh,
      out_type=jax.ShapeDtypeStruct((BATCH * T_LEN, EMBED), jnp.float32),
      scratch_types=[
          pltpu.VMEM((BATCH * T_PER_W,), jnp.int32),
          pltpu.VMEM((CHUNK, EMBED), jnp.float32),
          pltpu.VMEM((CHUNK, EMBED), jnp.float32),
          pltpu.VMEM((CHUNK, EMBED), jnp.float32),
          pltpu.SemaphoreType.DMA,
          pltpu.SemaphoreType.DMA,
          pltpu.SemaphoreType.DMA,
          pltpu.SemaphoreType.DMA,
          pltpu.SemaphoreType.DMA,
          pltpu.SemaphoreType.DMA,
      ],
  )
  def k(idx_hbm, tok_hbm, pos_hbm, out_hbm, idx_v, tok0_v, tok1_v, pos_v,
        sem_i, sem_p, sem_g0, sem_g1, sem_s0, sem_s1):
    wid = lax.axis_index("s") * NUM_CORES + lax.axis_index("c")
    t_base = wid * T_PER_W

    def step_row0(k_):
      tc = k_ // BATCH
      b = k_ % BATCH
      return b * T_LEN + t_base + tc * CHUNK

    def idx_off(k_):
      tc = k_ // BATCH
      b = k_ % BATCH
      return b * T_PER_W + tc * CHUNK

    def idx_copy(b):
      return pltpu.async_copy(
          idx_hbm.at[pl.ds(b * T_LEN + t_base, T_PER_W)],
          idx_v.at[pl.ds(b * T_PER_W, T_PER_W)], sem_i)

    bufs = (tok0_v, tok1_v)
    gather_sems = (sem_g0, sem_g1)
    store_sems = (sem_s0, sem_s1)

    def start_gather(k_, p):
      return pltpu.async_copy(
          tok_hbm.at[idx_v.at[pl.ds(idx_off(k_), CHUNK)]],
          bufs[p], gather_sems[p])

    def pos_copy(tc):
      return pltpu.async_copy(
          pos_hbm.at[pl.ds(t_base + tc * CHUNK, CHUNK)], pos_v, sem_p)

    idx_copy(0).wait()
    start_gather(0, 0)
    pos_copy(0)
    for b in range(1, BATCH):
      idx_copy(b)
    pltpu.make_async_copy(
        idx_hbm.at[pl.ds(0, (BATCH - 1) * T_PER_W)],
        idx_v.at[pl.ds(T_PER_W, (BATCH - 1) * T_PER_W)], sem_i).wait()

    def pair_body(j, _):
      for p in range(2):
        k_ = 2 * j + p
        buf = bufs[p]

        @pl.when(k_ >= 1)
        def _():
          pltpu.make_async_copy(
              bufs[1 - p], out_hbm.at[pl.ds(step_row0(k_ - 1), CHUNK)],
              store_sems[1 - p]).wait()

        @pl.when(k_ + 1 < NSTEP)
        def _():
          start_gather(k_ + 1, 1 - p)

        pltpu.make_async_copy(
            tok_hbm.at[idx_v.at[pl.ds(idx_off(k_), CHUNK)]], buf,
            gather_sems[p]).wait()

        @pl.when(k_ % BATCH == 0)
        def _():
          pltpu.make_async_copy(
              pos_hbm.at[pl.ds(t_base, CHUNK)], pos_v, sem_p).wait()

        def add_row(r, _):
          for jj in range(VPR):
            d = jj * LANES
            plsc.addupdate(
                buf.at[r, pl.ds(d, LANES)], pos_v[r, pl.ds(d, LANES)])
          return 0

        lax.fori_loop(0, CHUNK, add_row, 0)
        pltpu.async_copy(
            buf, out_hbm.at[pl.ds(step_row0(k_), CHUNK)], store_sems[p])

        @pl.when(k_ == BATCH - 1)
        def _():
          pos_copy(1)
      return 0

    lax.fori_loop(0, NSTEP // 2, pair_body, 0)
    pltpu.make_async_copy(
        bufs[1], out_hbm.at[pl.ds(step_row0(NSTEP - 1), CHUNK)],
        store_sems[1]).wait()

  return k


_kernel = _build_kernel()


def kernel(idx, token_table, pos_table):
  b, t = idx.shape
  idx_flat = jnp.reshape(idx.astype(jnp.int32), (b * t,))
  out = _kernel(idx_flat, token_table, pos_table)
  return jnp.reshape(out, (b, t, token_table.shape[1]))

# --- scband reference (transcript-rebuilt; emitter-appended) ---
"""Pipeline reference for scband-gptembeddings-38319698215320 (READ-ONLY COPY).

The authoritative reference and input builder live on the scoring server;
editing this copy changes nothing except your own understanding.
"""

import jax, jax.numpy as jnp
import numpy as np

VOCAB = 50257
EMBED = 1024
BLOCK = 2048
B, T = 4, 2048

def setup_inputs(seed: int = 0) -> dict:
    key = jax.random.key(seed)
    k1, k2, k3 = jax.random.split(key, 3)
    idx = jax.random.randint(k1, (B, T), 0, VOCAB, dtype=jnp.int64 if jax.config.read('jax_enable_x64') else jnp.int32)
    token_table = jax.random.normal(k2, (VOCAB, EMBED), dtype=jnp.float32) * 0.02
    pos_table = jax.random.normal(k3, (BLOCK, EMBED), dtype=jnp.float32) * 0.02
    return {"idx": idx, "token_table": token_table, "pos_table": pos_table}

def reference(idx, token_table, pos_table):
    # token embedding lookup (gather)
    tok = jnp.take(token_table, idx, axis=0)            # [B, T, EMBED]
    # learned positional embedding (use_rope=False path)
    t = idx.shape[1]
    pos = jnp.take(pos_table, jnp.arange(t), axis=0)     # [T, EMBED]
    out = tok + pos[None, :, :]
    # dropout p=0.0 -> identity in eval
    return out

if __name__ == "__main__":
    import jax
    _d = setup_inputs()
    print(jax.jit(kernel)(*tuple(_d.values())))

</pallas_src>

<mosaic_0001>
#map = affine_map<(d0, d1) -> (0)>
#map1 = affine_map<(d0, d1) -> (0, 0)>
module attributes {stable_mosaic.version = 14 : i64} {
  func.func @k(%arg0: i32, %arg1: i32, %arg2: memref<8192xi32, #tpu.memory_space<hbm>>, %arg3: memref<50257x1024xf32, #tpu.memory_space<hbm>>, %arg4: memref<2048x1024xf32, #tpu.memory_space<hbm>>, %arg5: memref<8192x1024xf32, #tpu.memory_space<hbm>>, %arg6: memref<256xi32, #tpu.memory_space<vmem>>, %arg7: memref<32x1024xf32, #tpu.memory_space<vmem>>, %arg8: memref<32x1024xf32, #tpu.memory_space<vmem>>, %arg9: memref<32x1024xf32, #tpu.memory_space<vmem>>, %arg10: memref<!tpu.dma_semaphore, #tpu.memory_space<semaphore_mem>>, %arg11: memref<!tpu.dma_semaphore, #tpu.memory_space<semaphore_mem>>, %arg12: memref<!tpu.dma_semaphore, #tpu.memory_space<semaphore_mem>>, %arg13: memref<!tpu.dma_semaphore, #tpu.memory_space<semaphore_mem>>, %arg14: memref<!tpu.dma_semaphore, #tpu.memory_space<semaphore_mem>>, %arg15: memref<!tpu.dma_semaphore, #tpu.memory_space<semaphore_mem>>) attributes {dimension_semantics = [#tpu.dimension_semantics<core_parallel>, #tpu.dimension_semantics<subcore_parallel>], iteration_bounds = array<i64: 2, 16>, scalar_prefetch = 0 : i64, scratch_operands = 10 : i64, tpu.core_type = #tpu.core_type<sc_vector_subcore>, window_params = [{transform_indices = #map}, {transform_indices = #map1}, {transform_indices = #map1}, {transform_indices = #map1}]} {
    %mul3A = arith.constant 2 : i32
    %mul3A_0 = arith.muli %arg1, %mul3A : i32
    %add3A = arith.addi %mul3A_0, %arg0 : i32
    %mul3A_1 = arith.constant 64 : i32
    %mul3A_2 = arith.muli %add3A, %mul3A_1 : i32
    %add3A_3 = arith.constant 0 : i32
    %add3A_4 = arith.addi %add3A_3, %mul3A_2 : i32
    %dma_start3A = arith.constant 0 : i32
    %dma_start3A_5 = tpu.memref_slice %arg6[%dma_start3A] : memref<256xi32, #tpu.memory_space<vmem>> -> memref<64xi32, #tpu.memory_space<vmem>>
    %dma_start3A_6 = tpu.memref_slice %arg2[%add3A_4] : memref<8192xi32, #tpu.memory_space<hbm>> -> memref<64xi32, #tpu.memory_space<hbm>>
    %dma_start3A_7 = arith.constant 0 : i32
    %dma_start3A_8 = tpu.memref_slice %arg6[%dma_start3A_7] : memref<256xi32, #tpu.memory_space<vmem>> -> memref<64xi32, #tpu.memory_space<vmem>>
    %dma_start3A_9 = tpu.memref_slice %arg2[%add3A_4] : memref<8192xi32, #tpu.memory_space<hbm>> -> memref<64xi32, #tpu.memory_space<hbm>>
    tpu.enqueue_dma source(%dma_start3A_9 : memref<64xi32, #tpu.memory_space<hbm>>) target(%dma_start3A_8 : memref<64xi32, #tpu.memory_space<vmem>>) target_semaphore(%arg10 : memref<!tpu.dma_semaphore, #tpu.memory_space<semaphore_mem>>)
    %dma_wait3A = arith.constant 0 : i32
    %dma_wait3A_10 = tpu.memref_slice %arg6[%dma_wait3A] : memref<256xi32, #tpu.memory_space<vmem>> -> memref<64xi32, #tpu.memory_space<vmem>>
    %dma_wait3A_11 = tpu.memref_slice %arg2[%add3A_4] : memref<8192xi32, #tpu.memory_space<hbm>> -> memref<64xi32, #tpu.memory_space<hbm>>
    %dma_wait3A_12 = arith.constant 0 : i32
    %dma_wait3A_13 = tpu.memref_slice %arg6[%dma_wait3A_12] : memref<256xi32, #tpu.memory_space<vmem>> -> memref<64xi32, #tpu.memory_space<vmem>>
    %dma_wait3A_14 = tpu.memref_slice %arg2[%add3A_4] : memref<8192xi32, #tpu.memory_space<hbm>> -> memref<64xi32, #tpu.memory_space<hbm>>
    tpu.wait_dma2 semaphore(%arg10 : memref<!tpu.dma_semaphore, #tpu.memory_space<semaphore_mem>>) src(%dma_wait3A_14 : memref<64xi32, #tpu.memory_space<hbm>>) dst(%dma_wait3A_13 : memref<64xi32, #tpu.memory_space<vmem>>)
    %dma_start3A_15 = arith.constant 0 : i32
    %dma_start3A_16 = tpu.memref_slice %arg6[%dma_start3A_15] : memref<256xi32, #tpu.memory_space<vmem>> -> memref<32xi32, #tpu.memory_space<vmem>>
    %dma_start3A_17 = arith.constant 0 : i32
    %dma_start3A_18 = arith.constant 0 : i32
    %dma_start3A_19 = tpu.memref_slice %arg3[%dma_start3A_17, %dma_start3A_18] : memref<50257x1024xf32, #tpu.memory_space<hbm>> -> memref<50257x1024xf32, #tpu.memory_space<hbm>>
    tpu.enqueue_indirect_dma source(%dma_start3A_19 : memref<50257x1024xf32, #tpu.memory_space<hbm>>) target(%arg7 : memref<32x1024xf32, #tpu.memory_space<vmem>>) offsets(%dma_start3A_16 : memref<32xi32, #tpu.memory_space<vmem>>) semaphore(%arg12 : memref<!tpu.dma_semaphore, #tpu.memory_space<semaphore_mem>>)
    %add3A_20 = arith.constant 0 : i32
    %add3A_21 = arith.addi %mul3A_2, %add3A_20 : i32
    %dma_start3A_22 = arith.constant 0 : i32
    %dma_start3A_23 = tpu.memref_slice %arg4[%add3A_21, %dma_start3A_22] : memref<2048x1024xf32, #tpu.memory_space<hbm>> -> memref<32x1024xf32, #tpu.memory_space<hbm>>
    %dma_start3A_24 = arith.constant 0 : i32
    %dma_start3A_25 = tpu.memref_slice %arg4[%add3A_21, %dma_start3A_24] : memref<2048x1024xf32, #tpu.memory_space<hbm>> -> memref<32x1024xf32, #tpu.memory_space<hbm>>
    tpu.enqueue_dma source(%dma_start3A_25 : memref<32x1024xf32, #tpu.memory_space<hbm>>) target(%arg9 : memref<32x1024xf32, #tpu.memory_space<vmem>>) target_semaphore(%arg11 : memref<!tpu.dma_semaphore, #tpu.memory_space<semaphore_mem>>)
    %add3A_26 = arith.constant 2048 : i32
    %add3A_27 = arith.addi %add3A_26, %mul3A_2 : i32
    %dma_start3A_28 = arith.constant 64 : i32
    %dma_start3A_29 = tpu.memref_slice %arg6[%dma_start3A_28] : memref<256xi32, #tpu.memory_space<vmem>> -> memref<64xi32, #tpu.memory_space<vmem>>
    %dma_start3A_30 = tpu.memref_slice %arg2[%add3A_27] : memref<8192xi32, #tpu.memory_space<hbm>> -> memref<64xi32, #tpu.memory_space<hbm>>
    %dma_start3A_31 = arith.constant 64 : i32
    %dma_start3A_32 = tpu.memref_slice %arg6[%dma_start3A_31] : memref<256xi32, #tpu.memory_space<vmem>> -> memref<64xi32, #tpu.memory_space<vmem>>
    %dma_start3A_33 = tpu.memref_slice %arg2[%add3A_27] : memref<8192xi32, #tpu.memory_space<hbm>> -> memref<64xi32, #tpu.memory_space<hbm>>
    tpu.enqueue_dma source(%dma_start3A_33 : memref<64xi32, #tpu.memory_space<hbm>>) target(%dma_start3A_32 : memref<64xi32, #tpu.memory_space<vmem>>) target_semaphore(%arg10 : memref<!tpu.dma_semaphore, #tpu.memory_space<semaphore_mem>>)
    %add3A_34 = arith.constant 4096 : i32
    %add3A_35 = arith.addi %add3A_34, %mul3A_2 : i32
    %dma_start3A_36 = arith.constant 128 : i32
    %dma_start3A_37 = tpu.memref_slice %arg6[%dma_start3A_36] : memref<256xi32, #tpu.memory_space<vmem>> -> memref<64xi32, #tpu.memory_space<vmem>>
    %dma_start3A_38 = tpu.memref_slice %arg2[%add3A_35] : memref<8192xi32, #tpu.memory_space<hbm>> -> memref<64xi32, #tpu.memory_space<hbm>>
    %dma_start3A_39 = arith.constant 128 : i32
    %dma_start3A_40 = tpu.memref_slice %arg6[%dma_start3A_39] : memref<256xi32, #tpu.memory_space<vmem>> -> memref<64xi32, #tpu.memory_space<vmem>>
    %dma_start3A_41 = tpu.memref_slice %arg2[%add3A_35] : memref<8192xi32, #tpu.memory_space<hbm>> -> memref<64xi32, #tpu.memory_space<hbm>>
    tpu.enqueue_dma source(%dma_start3A_41 : memref<64xi32, #tpu.memory_space<hbm>>) target(%dma_start3A_40 : memref<64xi32, #tpu.memory_space<vmem>>) target_semaphore(%arg10 : memref<!tpu.dma_semaphore, #tpu.memory_space<semaphore_mem>>)
    %add3A_42 = arith.constant 6144 : i32
    %add3A_43 = arith.addi %add3A_42, %mul3A_2 : i32
    %dma_start3A_44 = arith.constant 192 : i32
    %dma_start3A_45 = tpu.memref_slice %arg6[%dma_start3A_44] : memref<256xi32, #tpu.memory_space<vmem>> -> memref<64xi32, #tpu.memory_space<vmem>>
    %dma_start3A_46 = tpu.memref_slice %arg2[%add3A_43] : memref<8192xi32, #tpu.memory_space<hbm>> -> memref<64xi32, #tpu.memory_space<hbm>>
    %dma_start3A_47 = arith.constant 192 : i32
    %dma_start3A_48 = tpu.memref_slice %arg6[%dma_start3A_47] : memref<256xi32, #tpu.memory_space<vmem>> -> memref<64xi32, #tpu.memory_space<vmem>>
    %dma_start3A_49 = tpu.memref_slice %arg2[%add3A_43] : memref<8192xi32, #tpu.memory_space<hbm>> -> memref<64xi32, #tpu.memory_space<hbm>>
    tpu.enqueue_dma source(%dma_start3A_49 : memref<64xi32, #tpu.memory_space<hbm>>) target(%dma_start3A_48 : memref<64xi32, #tpu.memory_space<vmem>>) target_semaphore(%arg10 : memref<!tpu.dma_semaphore, #tpu.memory_space<semaphore_mem>>)
    %dma_wait3A_50 = arith.constant 64 : i32
    %dma_wait3A_51 = tpu.memref_slice %arg6[%dma_wait3A_50] : memref<256xi32, #tpu.memory_space<vmem>> -> memref<192xi32, #tpu.memory_space<vmem>>
    %dma_wait3A_52 = arith.constant 0 : i32
    %dma_wait3A_53 = tpu.memref_slice %arg2[%dma_wait3A_52] : memref<8192xi32, #tpu.memory_space<hbm>> -> memref<192xi32, #tpu.memory_space<hbm>>
    %dma_wait3A_54 = arith.constant 64 : i32
    %dma_wait3A_55 = tpu.memref_slice %arg6[%dma_wait3A_54] : memref<256xi32, #tpu.memory_space<vmem>> -> memref<192xi32, #tpu.memory_space<vmem>>
    %dma_wait3A_56 = arith.constant 0 : i32
    %dma_wait3A_57 = tpu.memref_slice %arg2[%dma_wait3A_56] : memref<8192xi32, #tpu.memory_space<hbm>> -> memref<192xi32, #tpu.memory_space<hbm>>
    tpu.wait_dma2 semaphore(%arg10 : memref<!tpu.dma_semaphore, #tpu.memory_space<semaphore_mem>>) src(%dma_wait3A_57 : memref<192xi32, #tpu.memory_space<hbm>>) dst(%dma_wait3A_55 : memref<192xi32, #tpu.memory_space<vmem>>)
    %scan3A = arith.constant 0 : i32
    %scan3A_58 = arith.constant 0 : i32
    %scan3A_59 = arith.constant 4 : i32
    %scan3A_60 = arith.addi %scan3A_58, %scan3A_59 : i32
    %scan3A_61 = arith.constant 1 : i32
    %scan3A_62 = scf.for %scan3A_72 = %scan3A_58 to %scan3A_60 step %scan3A_61 iter_args(%scan3A_73 = %scan3A) -> (i32)  : i32 {
      %mul3A_74 = arith.constant 2 : i32
      %mul3A_75 = arith.muli %mul3A_74, %scan3A_72 : i32
      %add3A_76 = arith.constant 0 : i32
      %add3A_77 = arith.addi %mul3A_75, %add3A_76 : i32
      %ge3A = arith.constant 1 : i32
      %ge3A_78 = arith.cmpi sge, %add3A_77, %ge3A : i32
      %convert_element_type3A = arith.extui %ge3A_78 : i1 to i32
      %cond3A = arith.constant 0 : i32
      %cond3A_79 = arith.cmpi ne, %convert_element_type3A, %cond3A : i32
      scf.if %cond3A_79 {
        %sub3A_358 = arith.constant 1 : i32
        %sub3A_359 = arith.subi %add3A_77, %sub3A_358 : i32
        %jit3A_360 = arith.constant 4 : i32
        %div3A_361 = arith.divsi %sub3A_359, %jit3A_360 : i32
        %sign3A_362 = arith.constant 0 : i32
        %sign3A_363 = arith.cmpi sgt, %sub3A_359, %sign3A_362 : i32
        %sign3A_364 = arith.extui %sign3A_363 : i1 to i32
        %sign3A_365 = arith.constant 0 : i32
        %sign3A_366 = arith.cmpi slt, %sub3A_359, %sign3A_365 : i32
        %sign3A_367 = arith.extui %sign3A_366 : i1 to i32
        %sign3A_368 = arith.subi %sign3A_364, %sign3A_367 : i32
        %sign3A_369 = arith.constant 0 : i32
        %sign3A_370 = arith.cmpi sgt, %jit3A_360, %sign3A_369 : i32
        %sign3A_371 = arith.extui %sign3A_370 : i1 to i32
        %sign3A_372 = arith.constant 0 : i32
        %sign3A_373 = arith.cmpi slt, %jit3A_360, %sign3A_372 : i32
        %sign3A_374 = arith.extui %sign3A_373 : i1 to i32
        %sign3A_375 = arith.subi %sign3A_371, %sign3A_374 : i32
        %ne3A_376 = arith.cmpi ne, %sign3A_368, %sign3A_375 : i32
        %rem3A_377 = arith.remsi %sub3A_359, %jit3A_360 : i32
        %ne3A_378 = arith.constant 0 : i32
        %ne3A_379 = arith.cmpi ne, %rem3A_377, %ne3A_378 : i32
        %and3A_380 = arith.andi %ne3A_376, %ne3A_379 : i1
        %sub3A_381 = arith.constant 1 : i32
        %sub3A_382 = arith.subi %div3A_361, %sub3A_381 : i32
        %select_n3A_383 = arith.select %and3A_380, %sub3A_382, %div3A_361 : i32
        %jit3A_384 = arith.constant 4 : i32
        %eq3A_385 = arith.constant 0 : i32
        %eq3A_386 = arith.cmpi eq, %jit3A_384, %eq3A_385 : i32
        %jit3A_387 = arith.constant 1 : i32
        %select_n3A_388 = arith.select %eq3A_386, %jit3A_387, %jit3A_384 : i32
        %rem3A_389 = arith.remsi %sub3A_359, %select_n3A_388 : i32
        %ne3A_390 = arith.constant 0 : i32
        %ne3A_391 = arith.cmpi ne, %rem3A_389, %ne3A_390 : i32
        %lt3A_392 = arith.constant 0 : i32
        %lt3A_393 = arith.cmpi slt, %rem3A_389, %lt3A_392 : i32
        %lt3A_394 = arith.constant 0 : i32
        %lt3A_395 = arith.cmpi slt, %select_n3A_388, %lt3A_394 : i32
        %ne3A_396 = arith.xori %lt3A_393, %lt3A_395 : i1
        %and3A_397 = arith.andi %ne3A_396, %ne3A_391 : i1
        %add3A_398 = arith.addi %rem3A_389, %select_n3A_388 : i32
        %select_n3A_399 = arith.select %and3A_397, %add3A_398, %rem3A_389 : i32
        %mul3A_400 = arith.constant 2048 : i32
        %mul3A_401 = arith.muli %select_n3A_399, %mul3A_400 : i32
        %add3A_402 = arith.addi %mul3A_401, %mul3A_2 : i32
        %mul3A_403 = arith.constant 32 : i32
        %mul3A_404 = arith.muli %select_n3A_383, %mul3A_403 : i32
        %add3A_405 = arith.addi %add3A_402, %mul3A_404 : i32
        %dma_wait3A_406 = arith.constant 0 : i32
        %dma_wait3A_407 = tpu.memref_slice %arg5[%add3A_405, %dma_wait3A_406] : memref<8192x1024xf32, #tpu.memory_space<hbm>> -> memref<32x1024xf32, #tpu.memory_space<hbm>>
        %dma_wait3A_408 = arith.constant 0 : i32
        %dma_wait3A_409 = tpu.memref_slice %arg5[%add3A_405, %dma_wait3A_408] : memref<8192x1024xf32, #tpu.memory_space<hbm>> -> memref<32x1024xf32, #tpu.memory_space<hbm>>
        tpu.wait_dma2 semaphore(%arg15 : memref<!tpu.dma_semaphore, #tpu.memory_space<semaphore_mem>>) src(%arg8 : memref<32x1024xf32, #tpu.memory_space<vmem>>) dst(%dma_wait3A_409 : memref<32x1024xf32, #tpu.memory_space<hbm>>)
      } else {
      }
      %add3A_80 = arith.constant 1 : i32
      %add3A_81 = arith.addi %add3A_77, %add3A_80 : i32
      %lt3A = arith.constant 8 : i32
      %lt3A_82 = arith.cmpi slt, %add3A_81, %lt3A : i32
      %convert_element_type3A_83 = arith.extui %lt3A_82 : i1 to i32
      %cond3A_84 = arith.constant 0 : i32
      %cond3A_85 = arith.cmpi ne, %convert_element_type3A_83, %cond3A_84 : i32
      scf.if %cond3A_85 {
        %add3A_358 = arith.constant 1 : i32
        %add3A_359 = arith.addi %add3A_77, %add3A_358 : i32
        %jit3A_360 = arith.constant 4 : i32
        %div3A_361 = arith.divsi %add3A_359, %jit3A_360 : i32
        %sign3A_362 = arith.constant 0 : i32
        %sign3A_363 = arith.cmpi sgt, %add3A_359, %sign3A_362 : i32
        %sign3A_364 = arith.extui %sign3A_363 : i1 to i32
        %sign3A_365 = arith.constant 0 : i32
        %sign3A_366 = arith.cmpi slt, %add3A_359, %sign3A_365 : i32
        %sign3A_367 = arith.extui %sign3A_366 : i1 to i32
        %sign3A_368 = arith.subi %sign3A_364, %sign3A_367 : i32
        %sign3A_369 = arith.constant 0 : i32
        %sign3A_370 = arith.cmpi sgt, %jit3A_360, %sign3A_369 : i32
        %sign3A_371 = arith.extui %sign3A_370 : i1 to i32
        %sign3A_372 = arith.constant 0 : i32
        %sign3A_373 = arith.cmpi slt, %jit3A_360, %sign3A_372 : i32
        %sign3A_374 = arith.extui %sign3A_373 : i1 to i32
        %sign3A_375 = arith.subi %sign3A_371, %sign3A_374 : i32
        %ne3A_376 = arith.cmpi ne, %sign3A_368, %sign3A_375 : i32
        %rem3A_377 = arith.remsi %add3A_359, %jit3A_360 : i32
        %ne3A_378 = arith.constant 0 : i32
        %ne3A_379 = arith.cmpi ne, %rem3A_377, %ne3A_378 : i32
        %and3A_380 = arith.andi %ne3A_376, %ne3A_379 : i1
        %sub3A_381 = arith.constant 1 : i32
        %sub3A_382 = arith.subi %div3A_361, %sub3A_381 : i32
        %select_n3A_383 = arith.select %and3A_380, %sub3A_382, %div3A_361 : i32
        %jit3A_384 = arith.constant 4 : i32
        %eq3A_385 = arith.constant 0 : i32
        %eq3A_386 = arith.cmpi eq, %jit3A_384, %eq3A_385 : i32
        %jit3A_387 = arith.constant 1 : i32
        %select_n3A_388 = arith.select %eq3A_386, %jit3A_387, %jit3A_384 : i32
        %rem3A_389 = arith.remsi %add3A_359, %select_n3A_388 : i32
        %ne3A_390 = arith.constant 0 : i32
        %ne3A_391 = arith.cmpi ne, %rem3A_389, %ne3A_390 : i32
        %lt3A_392 = arith.constant 0 : i32
        %lt3A_393 = arith.cmpi slt, %rem3A_389, %lt3A_392 : i32
        %lt3A_394 = arith.constant 0 : i32
        %lt3A_395 = arith.cmpi slt, %select_n3A_388, %lt3A_394 : i32
        %ne3A_396 = arith.xori %lt3A_393, %lt3A_395 : i1
        %and3A_397 = arith.andi %ne3A_396, %ne3A_391 : i1
        %add3A_398 = arith.addi %rem3A_389, %select_n3A_388 : i32
        %select_n3A_399 = arith.select %and3A_397, %add3A_398, %rem3A_389 : i32
        %mul3A_400 = arith.constant 64 : i32
        %mul3A_401 = arith.muli %select_n3A_399, %mul3A_400 : i32
        %mul3A_402 = arith.constant 32 : i32
        %mul3A_403 = arith.muli %select_n3A_383, %mul3A_402 : i32
        %add3A_404 = arith.addi %mul3A_401, %mul3A_403 : i32
        %dma_start3A_405 = tpu.memref_slice %arg6[%add3A_404] : memref<256xi32, #tpu.memory_space<vmem>> -> memref<32xi32, #tpu.memory_space<vmem>>
        %dma_start3A_406 = arith.constant 0 : i32
        %dma_start3A_407 = arith.constant 0 : i32
        %dma_start3A_408 = tpu.memref_slice %arg3[%dma_start3A_406, %dma_start3A_407] : memref<50257x1024xf32, #tpu.memory_space<hbm>> -> memref<50257x1024xf32, #tpu.memory_space<hbm>>
        tpu.enqueue_indirect_dma source(%dma_start3A_408 : memref<50257x1024xf32, #tpu.memory_space<hbm>>) target(%arg8 : memref<32x1024xf32, #tpu.memory_space<vmem>>) offsets(%dma_start3A_405 : memref<32xi32, #tpu.memory_space<vmem>>) semaphore(%arg13 : memref<!tpu.dma_semaphore, #tpu.memory_space<semaphore_mem>>)
      } else {
      }
      %jit3A = arith.constant 4 : i32
      %div3A = arith.divsi %add3A_77, %jit3A : i32
      %sign3A = arith.constant 0 : i32
      %sign3A_86 = arith.cmpi sgt, %add3A_77, %sign3A : i32
      %sign3A_87 = arith.extui %sign3A_86 : i1 to i32
      %sign3A_88 = arith.constant 0 : i32
      %sign3A_89 = arith.cmpi slt, %add3A_77, %sign3A_88 : i32
      %sign3A_90 = arith.extui %sign3A_89 : i1 to i32
      %sign3A_91 = arith.subi %sign3A_87, %sign3A_90 : i32
      %sign3A_92 = arith.constant 0 : i32
      %sign3A_93 = arith.cmpi sgt, %jit3A, %sign3A_92 : i32
      %sign3A_94 = arith.extui %sign3A_93 : i1 to i32
      %sign3A_95 = arith.constant 0 : i32
      %sign3A_96 = arith.cmpi slt, %jit3A, %sign3A_95 : i32
      %sign3A_97 = arith.extui %sign3A_96 : i1 to i32
      %sign3A_98 = arith.subi %sign3A_94, %sign3A_97 : i32
      %ne3A = arith.cmpi ne, %sign3A_91, %sign3A_98 : i32
      %rem3A = arith.remsi %add3A_77, %jit3A : i32
      %ne3A_99 = arith.constant 0 : i32
      %ne3A_100 = arith.cmpi ne, %rem3A, %ne3A_99 : i32
      %and3A = arith.andi %ne3A, %ne3A_100 : i1
      %sub3A = arith.constant 1 : i32
      %sub3A_101 = arith.subi %div3A, %sub3A : i32
      %select_n3A = arith.select %and3A, %sub3A_101, %div3A : i32
      %jit3A_102 = arith.constant 4 : i32
      %eq3A = arith.constant 0 : i32
      %eq3A_103 = arith.cmpi eq, %jit3A_102, %eq3A : i32
      %jit3A_104 = arith.constant 1 : i32
      %select_n3A_105 = arith.select %eq3A_103, %jit3A_104, %jit3A_102 : i32
      %rem3A_106 = arith.remsi %add3A_77, %select_n3A_105 : i32
      %ne3A_107 = arith.constant 0 : i32
      %ne3A_108 = arith.cmpi ne, %rem3A_106, %ne3A_107 : i32
      %lt3A_109 = arith.constant 0 : i32
      %lt3A_110 = arith.cmpi slt, %rem3A_106, %lt3A_109 : i32
      %lt3A_111 = arith.constant 0 : i32
      %lt3A_112 = arith.cmpi slt, %select_n3A_105, %lt3A_111 : i32
      %ne3A_113 = arith.xori %lt3A_110, %lt3A_112 : i1
      %and3A_114 = arith.andi %ne3A_113, %ne3A_108 : i1
      %add3A_115 = arith.addi %rem3A_106, %select_n3A_105 : i32
      %select_n3A_116 = arith.select %and3A_114, %add3A_115, %rem3A_106 : i32
      %mul3A_117 = arith.constant 64 : i32
      %mul3A_118 = arith.muli %select_n3A_116, %mul3A_117 : i32
      %mul3A_119 = arith.constant 32 : i32
      %mul3A_120 = arith.muli %select_n3A, %mul3A_119 : i32
      %add3A_121 = arith.addi %mul3A_118, %mul3A_120 : i32
      %dma_wait3A_122 = tpu.memref_slice %arg6[%add3A_121] : memref<256xi32, #tpu.memory_space<vmem>> -> memref<32xi32, #tpu.memory_space<vmem>>
      %dma_wait3A_123 = arith.constant 0 : i32
      %dma_wait3A_124 = arith.constant 0 : i32
      %dma_wait3A_125 = tpu.memref_slice %arg3[%dma_wait3A_123, %dma_wait3A_124] : memref<50257x1024xf32, #tpu.memory_space<hbm>> -> memref<50257x1024xf32, #tpu.memory_space<hbm>>
      tpu.wait_indirect_dma semaphore(%arg12 : memref<!tpu.dma_semaphore, #tpu.memory_space<semaphore_mem>>) src(%dma_wait3A_125 : memref<50257x1024xf32, #tpu.memory_space<hbm>>) dst(%arg7 : memref<32x1024xf32, #tpu.memory_space<vmem>>)
      %jit3A_126 = arith.constant 4 : i32
      %eq3A_127 = arith.constant 0 : i32
      %eq3A_128 = arith.cmpi eq, %jit3A_126, %eq3A_127 : i32
      %jit3A_129 = arith.constant 1 : i32
      %select_n3A_130 = arith.select %eq3A_128, %jit3A_129, %jit3A_126 : i32
      %rem3A_131 = arith.remsi %add3A_77, %select_n3A_130 : i32
      %ne3A_132 = arith.constant 0 : i32
      %ne3A_133 = arith.cmpi ne, %rem3A_131, %ne3A_132 : i32
      %lt3A_134 = arith.constant 0 : i32
      %lt3A_135 = arith.cmpi slt, %rem3A_131, %lt3A_134 : i32
      %lt3A_136 = arith.constant 0 : i32
      %lt3A_137 = arith.cmpi slt, %select_n3A_130, %lt3A_136 : i32
      %ne3A_138 = arith.xori %lt3A_135, %lt3A_137 : i1
      %and3A_139 = arith.andi %ne3A_138, %ne3A_133 : i1
      %add3A_140 = arith.addi %rem3A_131, %select_n3A_130 : i32
      %select_n3A_141 = arith.select %and3A_139, %add3A_140, %rem3A_131 : i32
      %eq3A_142 = arith.constant 0 : i32
      %eq3A_143 = arith.cmpi eq, %select_n3A_141, %eq3A_142 : i32
      %convert_element_type3A_144 = arith.extui %eq3A_143 : i1 to i32
      %cond3A_145 = arith.constant 0 : i32
      %cond3A_146 = arith.cmpi ne, %convert_element_type3A_144, %cond3A_145 : i32
      scf.if %cond3A_146 {
        %dma_wait3A_358 = arith.constant 0 : i32
        %dma_wait3A_359 = tpu.memref_slice %arg4[%mul3A_2, %dma_wait3A_358] : memref<2048x1024xf32, #tpu.memory_space<hbm>> -> memref<32x1024xf32, #tpu.memory_space<hbm>>
        %dma_wait3A_360 = arith.constant 0 : i32
        %dma_wait3A_361 = tpu.memref_slice %arg4[%mul3A_2, %dma_wait3A_360] : memref<2048x1024xf32, #tpu.memory_space<hbm>> -> memref<32x1024xf32, #tpu.memory_space<hbm>>
        tpu.wait_dma2 semaphore(%arg11 : memref<!tpu.dma_semaphore, #tpu.memory_space<semaphore_mem>>) src(%dma_wait3A_361 : memref<32x1024xf32, #tpu.memory_space<hbm>>) dst(%arg9 : memref<32x1024xf32, #tpu.memory_space<vmem>>)
      } else {
      }
      %scan3A_147 = arith.constant 0 : i32
      %scan3A_148 = arith.constant 0 : i32
      %scan3A_149 = arith.constant 32 : i32
      %scan3A_150 = arith.addi %scan3A_148, %scan3A_149 : i32
      %scan3A_151 = arith.constant 1 : i32
      %scan3A_152 = scf.for %scan3A_358 = %scan3A_148 to %scan3A_150 step %scan3A_151 iter_args(%scan3A_359 = %scan3A_147) -> (i32)  : i32 {
        %get3A = arith.index_cast %scan3A_358 : i32 to index
        %get3A_360 = arith.constant 0 : index
        %get3A_361 = tpu.vector_load %arg9[%get3A, %get3A_360] {strides = array<i32>} : memref<32x1024xf32, #tpu.memory_space<vmem>>, vector<1x16xf32>,
        %get3A_362 = vector.shape_cast %get3A_361 : vector<1x16xf32> to vector<16xf32>
        %swap3A = arith.index_cast %scan3A_358 : i32 to index
        %swap3A_363 = arith.constant 0 : index
        %swap3A_364 = tpu.vector_load %arg7[%swap3A, %swap3A_363] {strides = array<i32>} : memref<32x1024xf32, #tpu.memory_space<vmem>>, vector<1x16xf32>,
        %swap3A_365 = vector.shape_cast %swap3A_364 : vector<1x16xf32> to vector<16xf32>
        %swap3A_366 = vector.shape_cast %get3A_362 : vector<16xf32> to vector<1x16xf32>
        tpu.vector_store %arg7[%swap3A, %swap3A_363], %swap3A_366 {add = true, strides = array<i32>} : memref<32x1024xf32, #tpu.memory_space<vmem>>, vector<1x16xf32>,
        %get3A_367 = arith.index_cast %scan3A_358 : i32 to index
        %get3A_368 = arith.constant 16 : index
        %get3A_369 = tpu.vector_load %arg9[%get3A_367, %get3A_368] {strides = array<i32>} : memref<32x1024xf32, #tpu.memory_space<vmem>>, vector<1x16xf32>,
        %get3A_370 = vector.shape_cast %get3A_369 : vector<1x16xf32> to vector<16xf32>
        %swap3A_371 = arith.index_cast %scan3A_358 : i32 to index
        %swap3A_372 = arith.constant 16 : index
        %swap3A_373 = tpu.vector_load %arg7[%swap3A_371, %swap3A_372] {strides = array<i32>} : memref<32x1024xf32, #tpu.memory_space<vmem>>, vector<1x16xf32>,
        %swap3A_374 = vector.shape_cast %swap3A_373 : vector<1x16xf32> to vector<16xf32>
        %swap3A_375 = vector.shape_cast %get3A_370 : vector<16xf32> to vector<1x16xf32>
        tpu.vector_store %arg7[%swap3A_371, %swap3A_372], %swap3A_375 {add = true, strides = array<i32>} : memref<32x1024xf32, #tpu.memory_space<vmem>>, vector<1x16xf32>,
        %get3A_376 = arith.index_cast %scan3A_358 : i32 to index
        %get3A_377 = arith.constant 32 : index
        %get3A_378 = tpu.vector_load %arg9[%get3A_376, %get3A_377] {strides = array<i32>} : memref<32x1024xf32, #tpu.memory_space<vmem>>, vector<1x16xf32>,
        %get3A_379 = vector.shape_cast %get3A_378 : vector<1x16xf32> to vector<16xf32>
        %swap3A_380 = arith.index_cast %scan3A_358 : i32 to index
        %swap3A_381 = arith.constant 32 : index
        %swap3A_382 = tpu.vector_load %arg7[%swap3A_380, %swap3A_381] {strides = array<i32>} : memref<32x1024xf32, #tpu.memory_space<vmem>>, vector<1x16xf32>,
        %swap3A_383 = vector.shape_cast %swap3A_382 : vector<1x16xf32> to vector<16xf32>
        %swap3A_384 = vector.shape_cast %get3A_379 : vector<16xf32> to vector<1x16xf32>
        tpu.vector_store %arg7[%swap3A_380, %swap3A_381], %swap3A_384 {add = true, strides = array<i32>} : memref<32x1024xf32, #tpu.memory_space<vmem>>, vector<1x16xf32>,
        %get3A_385 = arith.index_cast %scan3A_358 : i32 to index
        %get3A_386 = arith.constant 48 : index
        %get3A_387 = tpu.vector_load %arg9[%get3A_385, %get3A_386] {strides = array<i32>} : memref<32x1024xf32, #tpu.memory_space<vmem>>, vector<1x16xf32>,
        %get3A_388 = vector.shape_cast %get3A_387 : vector<1x16xf32> to vector<16xf32>
        %swap3A_389 = arith.index_cast %scan3A_358 : i32 to index
        %swap3A_390 = arith.constant 48 : index
        %swap3A_391 = tpu.vector_load %arg7[%swap3A_389, %swap3A_390] {strides = array<i32>} : memref<32x1024xf32, #tpu.memory_space<vmem>>, vector<1x16xf32>,
        %swap3A_392 = vector.shape_cast %swap3A_391 : vector<1x16xf32> to vector<16xf32>
        %swap3A_393 = vector.shape_cast %get3A_388 : vector<16xf32> to vector<1x16xf32>
        tpu.vector_store %arg7[%swap3A_389, %swap3A_390], %swap3A_393 {add = true, strides = array<i32>} : memref<32x1024xf32, #tpu.memory_space<vmem>>, vector<1x16xf32>,
        %get3A_394 = arith.index_cast %scan3A_358 : i32 to index
        %get3A_395 = arith.constant 64 : index
        %get3A_396 = tpu.vector_load %arg9[%get3A_394, %get3A_395] {strides = array<i32>} : memref<32x1024xf32, #tpu.memory_space<vmem>>, vector<1x16xf32>,
        %get3A_397 = vector.shape_cast %get3A_396 : vector<1x16xf32> to vector<16xf32>
        %swap3A_398 = arith.index_cast %scan3A_358 : i32 to index
        %swap3A_399 = arith.constant 64 : index
        %swap3A_400 = tpu.vector_load %arg7[%swap3A_398, %swap3A_399] {strides = array<i32>} : memref<32x1024xf32, #tpu.memory_space<vmem>>, vector<1x16xf32>,
        %swap3A_401 = vector.shape_cast %swap3A_400 : vector<1x16xf32> to vector<16xf32>
        %swap3A_402 = vector.shape_cast %get3A_397 : vector<16xf32> to vector<1x16xf32>
        tpu.vector_store %arg7[%swap3A_398, %swap3A_399], %swap3A_402 {add = true, strides = array<i32>} : memref<32x1024xf32, #tpu.memory_space<vmem>>, vector<1x16xf32>,
        %get3A_403 = arith.index_cast %scan3A_358 : i32 to index
        %get3A_404 = arith.constant 80 : index
        %get3A_405 = tpu.vector_load %arg9[%get3A_403, %get3A_404] {strides = array<i32>} : memref<32x1024xf32, #tpu.memory_space<vmem>>, vector<1x16xf32>,
        %get3A_406 = vector.shape_cast %get3A_405 : vector<1x16xf32> to vector<16xf32>
        %swap3A_407 = arith.index_cast %scan3A_358 : i32 to index
        %swap3A_408 = arith.constant 80 : index
        %swap3A_409 = tpu.vector_load %arg7[%swap3A_407, %swap3A_408] {strides = array<i32>} : memref<32x1024xf32, #tpu.memory_space<vmem>>, vector<1x16xf32>,
        %swap3A_410 = vector.shape_cast %swap3A_409 : vector<1x16xf32> to vector<16xf32>
        %swap3A_411 = vector.shape_cast %get3A_406 : vector<16xf32> to vector<1x16xf32>
        tpu.vector_store %arg7[%swap3A_407, %swap3A_408], %swap3A_411 {add = true, strides = array<i32>} : memref<32x1024xf32, #tpu.memory_space<vmem>>, vector<1x16xf32>,
        %get3A_412 = arith.index_cast %scan3A_358 : i32 to index
        %get3A_413 = arith.constant 96 : index
        %get3A_414 = tpu.vector_load %arg9[%get3A_412, %get3A_413] {strides = array<i32>} : memref<32x1024xf32, #tpu.memory_space<vmem>>, vector<1x16xf32>,
        %get3A_415 = vector.shape_cast %get3A_414 : vector<1x16xf32> to vector<16xf32>
        %swap3A_416 = arith.index_cast %scan3A_358 : i32 to index
        %swap3A_417 = arith.constant 96 : index
        %swap3A_418 = tpu.vector_load %arg7[%swap3A_416, %swap3A_417] {strides = array<i32>} : memref<32x1024xf32, #tpu.memory_space<vmem>>, vector<1x16xf32>,
        %swap3A_419 = vector.shape_cast %swap3A_418 : vector<1x16xf32> to vector<16xf32>
        %swap3A_420 = vector.shape_cast %get3A_415 : vector<16xf32> to vector<1x16xf32>
        tpu.vector_store %arg7[%swap3A_416, %swap3A_417], %swap3A_420 {add = true, strides = array<i32>} : memref<32x1024xf32, #tpu.memory_space<vmem>>, vector<1x16xf32>,
        %get3A_421 = arith.index_cast %scan3A_358 : i32 to index
        %get3A_422 = arith.constant 112 : index
        %get3A_423 = tpu.vector_load %arg9[%get3A_421, %get3A_422] {strides = array<i32>} : memref<32x1024xf32, #tpu.memory_space<vmem>>, vector<1x16xf32>,
        %get3A_424 = vector.shape_cast %get3A_423 : vector<1x16xf32> to vector<16xf32>
        %swap3A_425 = arith.index_cast %scan3A_358 : i32 to index
        %swap3A_426 = arith.constant 112 : index
        %swap3A_427 = tpu.vector_load %arg7[%swap3A_425, %swap3A_426] {strides = array<i32>} : memref<32x1024xf32, #tpu.memory_space<vmem>>, vector<1x16xf32>,
        %swap3A_428 = vector.shape_cast %swap3A_427 : vector<1x16xf32> to vector<16xf32>
        %swap3A_429 = vector.shape_cast %get3A_424 : vector<16xf32> to vector<1x16xf32>
        tpu.vector_store %arg7[%swap3A_425, %swap3A_426], %swap3A_429 {add = true, strides = array<i32>} : memref<32x1024xf32, #tpu.memory_space<vmem>>, vector<1x16xf32>,
        %get3A_430 = arith.index_cast %scan3A_358 : i32 to index
        %get3A_431 = arith.constant 128 : index
        %get3A_432 = tpu.vector_load %arg9[%get3A_430, %get3A_431] {strides = array<i32>} : memref<32x1024xf32, #tpu.memory_space<vmem>>, vector<1x16xf32>,
        %get3A_433 = vector.shape_cast %get3A_432 : vector<1x16xf32> to vector<16xf32>
        %swap3A_434 = arith.index_cast %scan3A_358 : i32 to index
        %swap3A_435 = arith.constant 128 : index
        %swap3A_436 = tpu.vector_load %arg7[%swap3A_434, %swap3A_435] {strides = array<i32>} : memref<32x1024xf32, #tpu.memory_space<vmem>>, vector<1x16xf32>,
        %swap3A_437 = vector.shape_cast %swap3A_436 : vector<1x16xf32> to vector<16xf32>
        %swap3A_438 = vector.shape_cast %get3A_433 : vector<16xf32> to vector<1x16xf32>
        tpu.vector_store %arg7[%swap3A_434, %swap3A_435], %swap3A_438 {add = true, strides = array<i32>} : memref<32x1024xf32, #tpu.memory_space<vmem>>, vector<1x16xf32>,
        %get3A_439 = arith.index_cast %scan3A_358 : i32 to index
        %get3A_440 = arith.constant 144 : index
        %get3A_441 = tpu.vector_load %arg9[%get3A_439, %get3A_440] {strides = array<i32>} : memref<32x1024xf32, #tpu.memory_space<vmem>>, vector<1x16xf32>,
        %get3A_442 = vector.shape_cast %get3A_441 : vector<1x16xf32> to vector<16xf32>
        %swap3A_443 = arith.index_cast %scan3A_358 : i32 to index
        %swap3A_444 = arith.constant 144 : index
        %swap3A_445 = tpu.vector_load %arg7[%swap3A_443, %swap3A_444] {strides = array<i32>} : memref<32x1024xf32, #tpu.memory_space<vmem>>, vector<1x16xf32>,
        %swap3A_446 = vector.shape_cast %swap3A_445 : vector<1x16xf32> to vector<16xf32>
        %swap3A_447 = vector.shape_cast %get3A_442 : vector<16xf32> to vector<1x16xf32>
        tpu.vector_store %arg7[%swap3A_443, %swap3A_444], %swap3A_447 {add = true, strides = array<i32>} : memref<32x1024xf32, #tpu.memory_space<vmem>>, vector<1x16xf32>,
        %get3A_448 = arith.index_cast %scan3A_358 : i32 to index
        %get3A_449 = arith.constant 160 : index
        %get3A_450 = tpu.vector_load %arg9[%get3A_448, %get3A_449] {strides = array<i32>} : memref<32x1024xf32, #tpu.memory_space<vmem>>, vector<1x16xf32>,
        %get3A_451 = vector.shape_cast %get3A_450 : vector<1x16xf32> to vector<16xf32>
        %swap3A_452 = arith.index_cast %scan3A_358 : i32 to index
        %swap3A_453 = arith.constant 160 : index
        %swap3A_454 = tpu.vector_load %arg7[%swap3A_452, %swap3A_453] {strides = array<i32>} : memref<32x1024xf32, #tpu.memory_space<vmem>>, vector<1x16xf32>,
        %swap3A_455 = vector.shape_cast %swap3A_454 : vector<1x16xf32> to vector<16xf32>
        %swap3A_456 = vector.shape_cast %get3A_451 : vector<16xf32> to vector<1x16xf32>
        tpu.vector_store %arg7[%swap3A_452, %swap3A_453], %swap3A_456 {add = true, strides = array<i32>} : memref<32x1024xf32, #tpu.memory_space<vmem>>, vector<1x16xf32>,
        %get3A_457 = arith.index_cast %scan3A_358 : i32 to index
        %get3A_458 = arith.constant 176 : index
        %get3A_459 = tpu.vector_load %arg9[%get3A_457, %get3A_458] {strides = array<i32>} : memref<32x1024xf32, #tpu.memory_space<vmem>>, vector<1x16xf32>,
        %get3A_460 = vector.shape_cast %get3A_459 : vector<1x16xf32> to vector<16xf32>
        %swap3A_461 = arith.index_cast %scan3A_358 : i32 to index
        %swap3A_462 = arith.constant 176 : index
        %swap3A_463 = tpu.vector_load %arg7[%swap3A_461, %swap3A_462] {strides = array<i32>} : memref<32x1024xf32, #tpu.memory_space<vmem>>, vector<1x16xf32>,
        %swap3A_464 = vector.shape_cast %swap3A_463 : vector<1x16xf32> to vector<16xf32>
        %swap3A_465 = vector.shape_cast %get3A_460 : vector<16xf32> to vector<1x16xf32>
        tpu.vector_store %arg7[%swap3A_461, %swap3A_462], %swap3A_465 {add = true, strides = array<i32>} : memref<32x1024xf32, #tpu.memory_space<vmem>>, vector<1x16xf32>,
        %get3A_466 = arith.index_cast %scan3A_358 : i32 to index
        %get3A_467 = arith.constant 192 : index
        %get3A_468 = tpu.vector_load %arg9[%get3A_466, %get3A_467] {strides = array<i32>} : memref<32x1024xf32, #tpu.memory_space<vmem>>, vector<1x16xf32>,
        %get3A_469 = vector.shape_cast %get3A_468 : vector<1x16xf32> to vector<16xf32>
        %swap3A_470 = arith.index_cast %scan3A_358 : i32 to index
        %swap3A_471 = arith.constant 192 : index
        %swap3A_472 = tpu.vector_load %arg7[%swap3A_470, %swap3A_471] {strides = array<i32>} : memref<32x1024xf32, #tpu.memory_space<vmem>>, vector<1x16xf32>,
        %swap3A_473 = vector.shape_cast %swap3A_472 : vector<1x16xf32> to vector<16xf32>
        %swap3A_474 = vector.shape_cast %get3A_469 : vector<16xf32> to vector<1x16xf32>
        tpu.vector_store %arg7[%swap3A_470, %swap3A_471], %swap3A_474 {add = true, strides = array<i32>} : memref<32x1024xf32, #tpu.memory_space<vmem>>, vector<1x16xf32>,
        %get3A_475 = arith.index_cast %scan3A_358 : i32 to index
        %get3A_476 = arith.constant 208 : index
        %get3A_477 = tpu.vector_load %arg9[%get3A_475, %get3A_476] {strides = array<i32>} : memref<32x1024xf32, #tpu.memory_space<vmem>>, vector<1x16xf32>,
        %get3A_478 = vector.shape_cast %get3A_477 : vector<1x16xf32> to vector<16xf32>
        %swap3A_479 = arith.index_cast %scan3A_358 : i32 to index
        %swap3A_480 = arith.constant 208 : index
        %swap3A_481 = tpu.vector_load %arg7[%swap3A_479, %swap3A_480] {strides = array<i32>} : memref<32x1024xf32, #tpu.memory_space<vmem>>, vector<1x16xf32>,
        %swap3A_482 = vector.shape_cast %swap3A_481 : vector<1x16xf32> to vector<16xf32>
        %swap3A_483 = vector.shape_cast %get3A_478 : vector<16xf32> to vector<1x16xf32>
        tpu.vector_store %arg7[%swap3A_479, %swap3A_480], %swap3A_483 {add = true, strides = array<i32>} : memref<32x1024xf32, #tpu.memory_space<vmem>>, vector<1x16xf32>,
        %get3A_484 = arith.index_cast %scan3A_358 : i32 to index
        %get3A_485 = arith.constant 224 : index
        %get3A_486 = tpu.vector_load %arg9[%get3A_484, %get3A_485] {strides = array<i32>} : memref<32x1024xf32, #tpu.memory_space<vmem>>, vector<1x16xf32>,
        %get3A_487 = vector.shape_cast %get3A_486 : vector<1x16xf32> to vector<16xf32>
        %swap3A_488 = arith.index_cast %scan3A_358 : i32 to index
        %swap3A_489 = arith.constant 224 : index
        %swap3A_490 = tpu.vector_load %arg7[%swap3A_488, %swap3A_489] {strides = array<i32>} : memref<32x1024xf32, #tpu.memory_space<vmem>>, vector<1x16xf32>,
        %swap3A_491 = vector.shape_cast %swap3A_490 : vector<1x16xf32> to vector<16xf32>
        %swap3A_492 = vector.shape_cast %get3A_487 : vector<16xf32> to vector<1x16xf32>
        tpu.vector_store %arg7[%swap3A_488, %swap3A_489], %swap3A_492 {add = true, strides = array<i32>} : memref<32x1024xf32, #tpu.memory_space<vmem>>, vector<1x16xf32>,
        %get3A_493 = arith.index_cast %scan3A_358 : i32 to index
        %get3A_494 = arith.constant 240 : index
        %get3A_495 = tpu.vector_load %arg9[%get3A_493, %get3A_494] {strides = array<i32>} : memref<32x1024xf32, #tpu.memory_space<vmem>>, vector<1x16xf32>,
        %get3A_496 = vector.shape_cast %get3A_495 : vector<1x16xf32> to vector<16xf32>
        %swap3A_497 = arith.index_cast %scan3A_358 : i32 to index
        %swap3A_498 = arith.constant 240 : index
        %swap3A_499 = tpu.vector_load %arg7[%swap3A_497, %swap3A_498] {strides = array<i32>} : memref<32x1024xf32, #tpu.memory_space<vmem>>, vector<1x16xf32>,
        %swap3A_500 = vector.shape_cast %swap3A_499 : vector<1x16xf32> to vector<16xf32>
        %swap3A_501 = vector.shape_cast %get3A_496 : vector<16xf32> to vector<1x16xf32>
        tpu.vector_store %arg7[%swap3A_497, %swap3A_498], %swap3A_501 {add = true, strides = array<i32>} : memref<32x1024xf32, #tpu.memory_space<vmem>>, vector<1x16xf32>,
        %get3A_502 = arith.index_cast %scan3A_358 : i32 to index
        %get3A_503 = arith.constant 256 : index
        %get3A_504 = tpu.vector_load %arg9[%get3A_502, %get3A_503] {strides = array<i32>} : memref<32x1024xf32, #tpu.memory_space<vmem>>, vector<1x16xf32>,
        %get3A_505 = vector.shape_cast %get3A_504 : vector<1x16xf32> to vector<16xf32>
        %swap3A_506 = arith.index_cast %scan3A_358 : i32 to index
        %swap3A_507 = arith.constant 256 : index
        %swap3A_508 = tpu.vector_load %arg7[%swap3A_506, %swap3A_507] {strides = array<i32>} : memref<32x1024xf32, #tpu.memory_space<vmem>>, vector<1x16xf32>,
        %swap3A_509 = vector.shape_cast %swap3A_508 : vector<1x16xf32> to vector<16xf32>
        %swap3A_510 = vector.shape_cast %get3A_505 : vector<16xf32> to vector<1x16xf32>
        tpu.vector_store %arg7[%swap3A_506, %swap3A_507], %swap3A_510 {add = true, strides = array<i32>} : memref<32x1024xf32, #tpu.memory_space<vmem>>, vector<1x16xf32>,
        %get3A_511 = arith.index_cast %scan3A_358 : i32 to index
        %get3A_512 = arith.constant 272 : index
        %get3A_513 = tpu.vector_load %arg9[%get3A_511, %get3A_512] {strides = array<i32>} : memref<32x1024xf32, #tpu.memory_space<vmem>>, vector<1x16xf32>,
        %get3A_514 = vector.shape_cast %get3A_513 : vector<1x16xf32> to vector<16xf32>
        %swap3A_515 = arith.index_cast %scan3A_358 : i32 to index
        %swap3A_516 = arith.constant 272 : index
        %swap3A_517 = tpu.vector_load %arg7[%swap3A_515, %swap3A_516] {strides = array<i32>} : memref<32x1024xf32, #tpu.memory_space<vmem>>, vector<1x16xf32>,
        %swap3A_518 = vector.shape_cast %swap3A_517 : vector<1x16xf32> to vector<16xf32>
        %swap3A_519 = vector.shape_cast %get3A_514 : vector<16xf32> to vector<1x16xf32>
        tpu.vector_store %arg7[%swap3A_515, %swap3A_516], %swap3A_519 {add = true, strides = array<i32>} : memref<32x1024xf32, #tpu.memory_space<vmem>>, vector<1x16xf32>,
        %get3A_520 = arith.index_cast %scan3A_358 : i32 to index
        %get3A_521 = arith.constant 288 : index
        %get3A_522 = tpu.vector_load %arg9[%get3A_520, %get3A_521] {strides = array<i32>} : memref<32x1024xf32, #tpu.memory_space<vmem>>, vector<1x16xf32>,
        %get3A_523 = vector.shape_cast %get3A_522 : vector<1x16xf32> to vector<16xf32>
        %swap3A_524 = arith.index_cast %scan3A_358 : i32 to index
        %swap3A_525 = arith.constant 288 : index
        %swap3A_526 = tpu.vector_load %arg7[%swap3A_524, %swap3A_525] {strides = array<i32>} : memref<32x1024xf32, #tpu.memory_space<vmem>>, vector<1x16xf32>,
        %swap3A_527 = vector.shape_cast %swap3A_526 : vector<1x16xf32> to vector<16xf32>
        %swap3A_528 = vector.shape_cast %get3A_523 : vector<16xf32> to vector<1x16xf32>
        tpu.vector_store %arg7[%swap3A_524, %swap3A_525], %swap3A_528 {add = true, strides = array<i32>} : memref<32x1024xf32, #tpu.memory_space<vmem>>, vector<1x16xf32>,
        %get3A_529 = arith.index_cast %scan3A_358 : i32 to index
        %get3A_530 = arith.constant 304 : index
        %get3A_531 = tpu.vector_load %arg9[%get3A_529, %get3A_530] {strides = array<i32>} : memref<32x1024xf32, #tpu.memory_space<vmem>>, vector<1x16xf32>,
        %get3A_532 = vector.shape_cast %get3A_531 : vector<1x16xf32> to vector<16xf32>
        %swap3A_533 = arith.index_cast %scan3A_358 : i32 to index
        %swap3A_534 = arith.constant 304 : index
        %swap3A_535 = tpu.vector_load %arg7[%swap3A_533, %swap3A_534] {strides = array<i32>} : memref<32x1024xf32, #tpu.memory_space<vmem>>, vector<1x16xf32>,
        %swap3A_536 = vector.shape_cast %swap3A_535 : vector<1x16xf32> to vector<16xf32>
        %swap3A_537 = vector.shape_cast %get3A_532 : vector<16xf32> to vector<1x16xf32>
        tpu.vector_store %arg7[%swap3A_533, %swap3A_534], %swap3A_537 {add = true, strides = array<i32>} : memref<32x1024xf32, #tpu.memory_space<vmem>>, vector<1x16xf32>,
        %get3A_538 = arith.index_cast %scan3A_358 : i32 to index
        %get3A_539 = arith.constant 320 : index
        %get3A_540 = tpu.vector_load %arg9[%get3A_538, %get3A_539] {strides = array<i32>} : memref<32x1024xf32, #tpu.memory_space<vmem>>, vector<1x16xf32>,
        %get3A_541 = vector.shape_cast %get3A_540 : vector<1x16xf32> to vector<16xf32>
        %swap3A_542 = arith.index_cast %scan3A_358 : i32 to index
        %swap3A_543 = arith.constant 320 : index
        %swap3A_544 = tpu.vector_load %arg7[%swap3A_542, %swap3A_543] {strides = array<i32>} : memref<32x1024xf32, #tpu.memory_space<vmem>>, vector<1x16xf32>,
        %swap3A_545 = vector.shape_cast %swap3A_544 : vector<1x16xf32> to vector<16xf32>
        %swap3A_546 = vector.shape_cast %get3A_541 : vector<16xf32> to vector<1x16xf32>
        tpu.vector_store %arg7[%swap3A_542, %swap3A_543], %swap3A_546 {add = true, strides = array<i32>} : memref<32x1024xf32, #tpu.memory_space<vmem>>, vector<1x16xf32>,
        %get3A_547 = arith.index_cast %scan3A_358 : i32 to index
        %get3A_548 = arith.constant 336 : index
        %get3A_549 = tpu.vector_load %arg9[%get3A_547, %get3A_548] {strides = array<i32>} : memref<32x1024xf32, #tpu.memory_space<vmem>>, vector<1x16xf32>,
        %get3A_550 = vector.shape_cast %get3A_549 : vector<1x16xf32> to vector<16xf32>
        %swap3A_551 = arith.index_cast %scan3A_358 : i32 to index
        %swap3A_552 = arith.constant 336 : index
        %swap3A_553 = tpu.vector_load %arg7[%swap3A_551, %swap3A_552] {strides = array<i32>} : memref<32x1024xf32, #tpu.memory_space<vmem>>, vector<1x16xf32>,
        %swap3A_554 = vector.shape_cast %swap3A_553 : vector<1x16xf32> to vector<16xf32>
        %swap3A_555 = vector.shape_cast %get3A_550 : vector<16xf32> to vector<1x16xf32>
        tpu.vector_store %arg7[%swap3A_551, %swap3A_552], %swap3A_555 {add = true, strides = array<i32>} : memref<32x1024xf32, #tpu.memory_space<vmem>>, vector<1x16xf32>,
        %get3A_556 = arith.index_cast %scan3A_358 : i32 to index
        %get3A_557 = arith.constant 352 : index
        %get3A_558 = tpu.vector_load %arg9[%get3A_556, %get3A_557] {strides = array<i32>} : memref<32x1024xf32, #tpu.memory_space<vmem>>, vector<1x16xf32>,
        %get3A_559 = vector.shape_cast %get3A_558 : vector<1x16xf32> to vector<16xf32>
        %swap3A_560 = arith.index_cast %scan3A_358 : i32 to index
        %swap3A_561 = arith.constant 352 : index
        %swap3A_562 = tpu.vector_load %arg7[%swap3A_560, %swap3A_561] {strides = array<i32>} : memref<32x1024xf32, #tpu.memory_space<vmem>>, vector<1x16xf32>,
        %swap3A_563 = vector.shape_cast %swap3A_562 : vector<1x16xf32> to vector<16xf32>
        %swap3A_564 = vector.shape_cast %get3A_559 : vector<16xf32> to vector<1x16xf32>
        tpu.vector_store %arg7[%swap3A_560, %swap3A_561], %swap3A_564 {add = true, strides = array<i32>} : memref<32x1024xf32, #tpu.memory_space<vmem>>, vector<1x16xf32>,
        %get3A_565 = arith.index_cast %scan3A_358 : i32 to index
        %get3A_566 = arith.constant 368 : index
        %get3A_567 = tpu.vector_load %arg9[%get3A_565, %get3A_566] {strides = array<i32>} : memref<32x1024xf32, #tpu.memory_space<vmem>>, vector<1x16xf32>,
        %get3A_568 = vector.shape_cast %get3A_567 : vector<1x16xf32> to vector<16xf32>
        %swap3A_569 = arith.index_cast %scan3A_358 : i32 to index
        %swap3A_570 = arith.constant 368 : index
        %swap3A_571 = tpu.vector_load %arg7[%swap3A_569, %swap3A_570] {strides = array<i32>} : memref<32x1024xf32, #tpu.memory_space<vmem>>, vector<1x16xf32>,
        %swap3A_572 = vector.shape_cast %swap3A_571 : vector<1x16xf32> to vector<16xf32>
        %swap3A_573 = vector.shape_cast %get3A_568 : vector<16xf32> to vector<1x16xf32>
        tpu.vector_store %arg7[%swap3A_569, %swap3A_570], %swap3A_573 {add = true, strides = array<i32>} : memref<32x1024xf32, #tpu.memory_space<vmem>>, vector<1x16xf32>,
        %get3A_574 = arith.index_cast %scan3A_358 : i32 to index
        %get3A_575 = arith.constant 384 : index
        %get3A_576 = tpu.vector_load %arg9[%get3A_574, %get3A_575] {strides = array<i32>} : memref<32x1024xf32, #tpu.memory_space<vmem>>, vector<1x16xf32>,
        %get3A_577 = vector.shape_cast %get3A_576 : vector<1x16xf32> to vector<16xf32>
        %swap3A_578 = arith.index_cast %scan3A_358 : i32 to index
        %swap3A_579 = arith.constant 384 : index
        %swap3A_580 = tpu.vector_load %arg7[%swap3A_578, %swap3A_579] {strides = array<i32>} : memref<32x1024xf32, #tpu.memory_space<vmem>>, vector<1x16xf32>,
        %swap3A_581 = vector.shape_cast %swap3A_580 : vector<1x16xf32> to vector<16xf32>
        %swap3A_582 = vector.shape_cast %get3A_577 : vector<16xf32> to vector<1x16xf32>
        tpu.vector_store %arg7[%swap3A_578, %swap3A_579], %swap3A_582 {add = true, strides = array<i32>} : memref<32x1024xf32, #tpu.memory_space<vmem>>, vector<1x16xf32>,
        %get3A_583 = arith.index_cast %scan3A_358 : i32 to index
        %get3A_584 = arith.constant 400 : index
        %get3A_585 = tpu.vector_load %arg9[%get3A_583, %get3A_584] {strides = array<i32>} : memref<32x1024xf32, #tpu.memory_space<vmem>>, vector<1x16xf32>,
        %get3A_586 = vector.shape_cast %get3A_585 : vector<1x16xf32> to vector<16xf32>
        %swap3A_587 = arith.index_cast %scan3A_358 : i32 to index
        %swap3A_588 = arith.constant 400 : index
        %swap3A_589 = tpu.vector_load %arg7[%swap3A_587, %swap3A_588] {strides = array<i32>} : memref<32x1024xf32, #tpu.memory_space<vmem>>, vector<1x16xf32>,
        %swap3A_590 = vector.shape_cast %swap3A_589 : vector<1x16xf32> to vector<16xf32>
        %swap3A_591 = vector.shape_cast %get3A_586 : vector<16xf32> to vector<1x16xf32>
        tpu.vector_store %arg7[%swap3A_587, %swap3A_588], %swap3A_591 {add = true, strides = array<i32>} : memref<32x1024xf32, #tpu.memory_space<vmem>>, vector<1x16xf32>,
        %get3A_592 = arith.index_cast %scan3A_358 : i32 to index
        %get3A_593 = arith.constant 416 : index
        %get3A_594 = tpu.vector_load %arg9[%get3A_592, %get3A_593] {strides = array<i32>} : memref<32x1024xf32, #tpu.memory_space<vmem>>, vector<1x16xf32>,
        %get3A_595 = vector.shape_cast %get3A_594 : vector<1x16xf32> to vector<16xf32>
        %swap3A_596 = arith.index_cast %scan3A_358 : i32 to index
        %swap3A_597 = arith.constant 416 : index
        %swap3A_598 = tpu.vector_load %arg7[%swap3A_596, %swap3A_597] {strides = array<i32>} : memref<32x1024xf32, #tpu.memory_space<vmem>>, vector<1x16xf32>,
        %swap3A_599 = vector.shape_cast %swap3A_598 : vector<1x16xf32> to vector<16xf32>
        %swap3A_600 = vector.shape_cast %get3A_595 : vector<16xf32> to vector<1x16xf32>
        tpu.vector_store %arg7[%swap3A_596, %swap3A_597], %swap3A_600 {add = true, strides = array<i32>} : memref<32x1024xf32, #tpu.memory_space<vmem>>, vector<1x16xf32>,
        %get3A_601 = arith.index_cast %scan3A_358 : i32 to index
        %get3A_602 = arith.constant 432 : index
        %get3A_603 = tpu.vector_load %arg9[%get3A_601, %get3A_602] {strides = array<i32>} : memref<32x1024xf32, #tpu.memory_space<vmem>>, vector<1x16xf32>,
        %get3A_604 = vector.shape_cast %get3A_603 : vector<1x16xf32> to vector<16xf32>
        %swap3A_605 = arith.index_cast %scan3A_358 : i32 to index
        %swap3A_606 = arith.constant 432 : index
        %swap3A_607 = tpu.vector_load %arg7[%swap3A_605, %swap3A_606] {strides = array<i32>} : memref<32x1024xf32, #tpu.memory_space<vmem>>, vector<1x16xf32>,
        %swap3A_608 = vector.shape_cast %swap3A_607 : vector<1x16xf32> to vector<16xf32>
        %swap3A_609 = vector.shape_cast %get3A_604 : vector<16xf32> to vector<1x16xf32>
        tpu.vector_store %arg7[%swap3A_605, %swap3A_606], %swap3A_609 {add = true, strides = array<i32>} : memref<32x1024xf32, #tpu.memory_space<vmem>>, vector<1x16xf32>,
        %get3A_610 = arith.index_cast %scan3A_358 : i32 to index
        %get3A_611 = arith.constant 448 : index
        %get3A_612 = tpu.vector_load %arg9[%get3A_610, %get3A_611] {strides = array<i32>} : memref<32x1024xf32, #tpu.memory_space<vmem>>, vector<1x16xf32>,
        %get3A_613 = vector.shape_cast %get3A_612 : vector<1x16xf32> to vector<16xf32>
        %swap3A_614 = arith.index_cast %scan3A_358 : i32 to index
        %swap3A_615 = arith.constant 448 : index
        %swap3A_616 = tpu.vector_load %arg7[%swap3A_614, %swap3A_615] {strides = array<i32>} : memref<32x1024xf32, #tpu.memory_space<vmem>>, vector<1x16xf32>,
        %swap3A_617 = vector.shape_cast %swap3A_616 : vector<1x16xf32> to vector<16xf32>
        %swap3A_618 = vector.shape_cast %get3A_613 : vector<16xf32> to vector<1x16xf32>
        tpu.vector_store %arg7[%swap3A_614, %swap3A_615], %swap3A_618 {add = true, strides = array<i32>} : memref<32x1024xf32, #tpu.memory_space<vmem>>, vector<1x16xf32>,
        %get3A_619 = arith.index_cast %scan3A_358 : i32 to index
        %get3A_620 = arith.constant 464 : index
        %get3A_621 = tpu.vector_load %arg9[%get3A_619, %get3A_620] {strides = array<i32>} : memref<32x1024xf32, #tpu.memory_space<vmem>>, vector<1x16xf32>,
        %get3A_622 = vector.shape_cast %get3A_621 : vector<1x16xf32> to vector<16xf32>
        %swap3A_623 = arith.index_cast %scan3A_358 : i32 to index
        %swap3A_624 = arith.constant 464 : index
        %swap3A_625 = tpu.vector_load %arg7[%swap3A_623, %swap3A_624] {strides = array<i32>} : memref<32x1024xf32, #tpu.memory_space<vmem>>, vector<1x16xf32>,
        %swap3A_626 = vector.shape_cast %swap3A_625 : vector<1x16xf32> to vector<16xf32>
        %swap3A_627 = vector.shape_cast %get3A_622 : vector<16xf32> to vector<1x16xf32>
        tpu.vector_store %arg7[%swap3A_623, %swap3A_624], %swap3A_627 {add = true, strides = array<i32>} : memref<32x1024xf32, #tpu.memory_space<vmem>>, vector<1x16xf32>,
        %get3A_628 = arith.index_cast %scan3A_358 : i32 to index
        %get3A_629 = arith.constant 480 : index
        %get3A_630 = tpu.vector_load %arg9[%get3A_628, %get3A_629] {strides = array<i32>} : memref<32x1024xf32, #tpu.memory_space<vmem>>, vector<1x16xf32>,
        %get3A_631 = vector.shape_cast %get3A_630 : vector<1x16xf32> to vector<16xf32>
        %swap3A_632 = arith.index_cast %scan3A_358 : i32 to index
        %swap3A_633 = arith.constant 480 : index
        %swap3A_634 = tpu.vector_load %arg7[%swap3A_632, %swap3A_633] {strides = array<i32>} : memref<32x1024xf32, #tpu.memory_space<vmem>>, vector<1x16xf32>,
        %swap3A_635 = vector.shape_cast %swap3A_634 : vector<1x16xf32> to vector<16xf32>
        %swap3A_636 = vector.shape_cast %get3A_631 : vector<16xf32> to vector<1x16xf32>
        tpu.vector_store %arg7[%swap3A_632, %swap3A_633], %swap3A_636 {add = true, strides = array<i32>} : memref<32x1024xf32, #tpu.memory_space<vmem>>, vector<1x16xf32>,
        %get3A_637 = arith.index_cast %scan3A_358 : i32 to index
        %get3A_638 = arith.constant 496 : index
        %get3A_639 = tpu.vector_load %arg9[%get3A_637, %get3A_638] {strides = array<i32>} : memref<32x1024xf32, #tpu.memory_space<vmem>>, vector<1x16xf32>,
        %get3A_640 = vector.shape_cast %get3A_639 : vector<1x16xf32> to vector<16xf32>
        %swap3A_641 = arith.index_cast %scan3A_358 : i32 to index
        %swap3A_642 = arith.constant 496 : index
        %swap3A_643 = tpu.vector_load %arg7[%swap3A_641, %swap3A_642] {strides = array<i32>} : memref<32x1024xf32, #tpu.memory_space<vmem>>, vector<1x16xf32>,
        %swap3A_644 = vector.shape_cast %swap3A_643 : vector<1x16xf32> to vector<16xf32>
        %swap3A_645 = vector.shape_cast %get3A_640 : vector<16xf32> to vector<1x16xf32>
        tpu.vector_store %arg7[%swap3A_641, %swap3A_642], %swap3A_645 {add = true, strides = array<i32>} : memref<32x1024xf32, #tpu.memory_space<vmem>>, vector<1x16xf32>,
        %get3A_646 = arith.index_cast %scan3A_358 : i32 to index
        %get3A_647 = arith.constant 512 : index
        %get3A_648 = tpu.vector_load %arg9[%get3A_646, %get3A_647] {strides = array<i32>} : memref<32x1024xf32, #tpu.memory_space<vmem>>, vector<1x16xf32>,
        %get3A_649 = vector.shape_cast %get3A_648 : vector<1x16xf32> to vector<16xf32>
        %swap3A_650 = arith.index_cast %scan3A_358 : i32 to index
        %swap3A_651 = arith.constant 512 : index
        %swap3A_652 = tpu.vector_load %arg7[%swap3A_650, %swap3A_651] {strides = array<i32>} : memref<32x1024xf32, #tpu.memory_space<vmem>>, vector<1x16xf32>,
        %swap3A_653 = vector.shape_cast %swap3A_652 : vector<1x16xf32> to vector<16xf32>
        %swap3A_654 = vector.shape_cast %get3A_649 : vector<16xf32> to vector<1x16xf32>
        tpu.vector_store %arg7[%swap3A_650, %swap3A_651], %swap3A_654 {add = true, strides = array<i32>} : memref<32x1024xf32, #tpu.memory_space<vmem>>, vector<1x16xf32>,
        %get3A_655 = arith.index_cast %scan3A_358 : i32 to index
        %get3A_656 = arith.constant 528 : index
        %get3A_657 = tpu.vector_load %arg9[%get3A_655, %get3A_656] {strides = array<i32>} : memref<32x1024xf32, #tpu.memory_space<vmem>>, vector<1x16xf32>,
        %get3A_658 = vector.shape_cast %get3A_657 : vector<1x16xf32> to vector<16xf32>
        %swap3A_659 = arith.index_cast %scan3A_358 : i32 to index
        %swap3A_660 = arith.constant 528 : index
        %swap3A_661 = tpu.vector_load %arg7[%swap3A_659, %swap3A_660] {strides = array<i32>} : memref<32x1024xf32, #tpu.memory_space<vmem>>, vector<1x16xf32>,
        %swap3A_662 = vector.shape_cast %swap3A_661 : vector<1x16xf32> to vector<16xf32>
        %swap3A_663 = vector.shape_cast %get3A_658 : vector<16xf32> to vector<1x16xf32>
        tpu.vector_store %arg7[%swap3A_659, %swap3A_660], %swap3A_663 {add = true, strides = array<i32>} : memref<32x1024xf32, #tpu.memory_space<vmem>>, vector<1x16xf32>,
        %get3A_664 = arith.index_cast %scan3A_358 : i32 to index
        %get3A_665 = arith.constant 544 : index
        %get3A_666 = tpu.vector_load %arg9[%get3A_664, %get3A_665] {strides = array<i32>} : memref<32x1024xf32, #tpu.memory_space<vmem>>, vector<1x16xf32>,
        %get3A_667 = vector.shape_cast %get3A_666 : vector<1x16xf32> to vector<16xf32>
        %swap3A_668 = arith.index_cast %scan3A_358 : i32 to index
        %swap3A_669 = arith.constant 544 : index
        %swap3A_670 = tpu.vector_load %arg7[%swap3A_668, %swap3A_669] {strides = array<i32>} : memref<32x1024xf32, #tpu.memory_space<vmem>>, vector<1x16xf32>,
        %swap3A_671 = vector.shape_cast %swap3A_670 : vector<1x16xf32> to vector<16xf32>
        %swap3A_672 = vector.shape_cast %get3A_667 : vector<16xf32> to vector<1x16xf32>
        tpu.vector_store %arg7[%swap3A_668, %swap3A_669], %swap3A_672 {add = true, strides = array<i32>} : memref<32x1024xf32, #tpu.memory_space<vmem>>, vector<1x16xf32>,
        %get3A_673 = arith.index_cast %scan3A_358 : i32 to index
        %get3A_674 = arith.constant 560 : index
        %get3A_675 = tpu.vector_load %arg9[%get3A_673, %get3A_674] {strides = array<i32>} : memref<32x1024xf32, #tpu.memory_space<vmem>>, vector<1x16xf32>,
        %get3A_676 = vector.shape_cast %get3A_675 : vector<1x16xf32> to vector<16xf32>
        %swap3A_677 = arith.index_cast %scan3A_358 : i32 to index
        %swap3A_678 = arith.constant 560 : index
        %swap3A_679 = tpu.vector_load %arg7[%swap3A_677, %swap3A_678] {strides = array<i32>} : memref<32x1024xf32, #tpu.memory_space<vmem>>, vector<1x16xf32>,
        %swap3A_680 = vector.shape_cast %swap3A_679 : vector<1x16xf32> to vector<16xf32>
        %swap3A_681 = vector.shape_cast %get3A_676 : vector<16xf32> to vector<1x16xf32>
        tpu.vector_store %arg7[%swap3A_677, %swap3A_678], %swap3A_681 {add = true, strides = array<i32>} : memref<32x1024xf32, #tpu.memory_space<vmem>>, vector<1x16xf32>,
        %get3A_682 = arith.index_cast %scan3A_358 : i32 to index
        %get3A_683 = arith.constant 576 : index
        %get3A_684 = tpu.vector_load %arg9[%get3A_682, %get3A_683] {strides = array<i32>} : memref<32x1024xf32, #tpu.memory_space<vmem>>, vector<1x16xf32>,
        %get3A_685 = vector.shape_cast %get3A_684 : vector<1x16xf32> to vector<16xf32>
        %swap3A_686 = arith.index_cast %scan3A_358 : i32 to index
        %swap3A_687 = arith.constant 576 : index
        %swap3A_688 = tpu.vector_load %arg7[%swap3A_686, %swap3A_687] {strides = array<i32>} : memref<32x1024xf32, #tpu.memory_space<vmem>>, vector<1x16xf32>,
        %swap3A_689 = vector.shape_cast %swap3A_688 : vector<1x16xf32> to vector<16xf32>
        %swap3A_690 = vector.shape_cast %get3A_685 : vector<16xf32> to vector<1x16xf32>
        tpu.vector_store %arg7[%swap3A_686, %swap3A_687], %swap3A_690 {add = true, strides = array<i32>} : memref<32x1024xf32, #tpu.memory_space<vmem>>, vector<1x16xf32>,
        %get3A_691 = arith.index_cast %scan3A_358 : i32 to index
        %get3A_692 = arith.constant 592 : index
        %get3A_693 = tpu.vector_load %arg9[%get3A_691, %get3A_692] {strides = array<i32>} : memref<32x1024xf32, #tpu.memory_space<vmem>>, vector<1x16xf32>,
        %get3A_694 = vector.shape_cast %get3A_693 : vector<1x16xf32> to vector<16xf32>
        %swap3A_695 = arith.index_cast %scan3A_358 : i32 to index
        %swap3A_696 = arith.constant 592 : index
        %swap3A_697 = tpu.vector_load %arg7[%swap3A_695, %swap3A_696] {strides = array<i32>} : memref<32x1024xf32, #tpu.memory_space<vmem>>, vector<1x16xf32>,
        %swap3A_698 = vector.shape_cast %swap3A_697 : vector<1x16xf32> to vector<16xf32>
        %swap3A_699 = vector.shape_cast %get3A_694 : vector<16xf32> to vector<1x16xf32>
        tpu.vector_store %arg7[%swap3A_695, %swap3A_696], %swap3A_699 {add = true, strides = array<i32>} : memref<32x1024xf32, #tpu.memory_space<vmem>>, vector<1x16xf32>,
        %get3A_700 = arith.index_cast %scan3A_358 : i32 to index
        %get3A_701 = arith.constant 608 : index
        %get3A_702 = tpu.vector_load %arg9[%get3A_700, %get3A_701] {strides = array<i32>} : memref<32x1024xf32, #tpu.memory_space<vmem>>, vector<1x16xf32>,
        %get3A_703 = vector.shape_cast %get3A_702 : vector<1x16xf32> to vector<16xf32>
        %swap3A_704 = arith.index_cast %scan3A_358 : i32 to index
        %swap3A_705 = arith.constant 608 : index
        %swap3A_706 = tpu.vector_load %arg7[%swap3A_704, %swap3A_705] {strides = array<i32>} : memref<32x1024xf32, #tpu.memory_space<vmem>>, vector<1x16xf32>,
        %swap3A_707 = vector.shape_cast %swap3A_706 : vector<1x16xf32> to vector<16xf32>
        %swap3A_708 = vector.shape_cast %get3A_703 : vector<16xf32> to vector<1x16xf32>
        tpu.vector_store %arg7[%swap3A_704, %swap3A_705], %swap3A_708 {add = true, strides = array<i32>} : memref<32x1024xf32, #tpu.memory_space<vmem>>, vector<1x16xf32>,
        %get3A_709 = arith.index_cast %scan3A_358 : i32 to index
        %get3A_710 = arith.constant 624 : index
        %get3A_711 = tpu.vector_load %arg9[%get3A_709, %get3A_710] {strides = array<i32>} : memref<32x1024xf32, #tpu.memory_space<vmem>>, vector<1x16xf32>,
        %get3A_712 = vector.shape_cast %get3A_711 : vector<1x16xf32> to vector<16xf32>
        %swap3A_713 = arith.index_cast %scan3A_358 : i32 to index
        %swap3A_714 = arith.constant 624 : index
        %swap3A_715 = tpu.vector_load %arg7[%swap3A_713, %swap3A_714] {strides = array<i32>} : memref<32x1024xf32, #tpu.memory_space<vmem>>, vector<1x16xf32>,
        %swap3A_716 = vector.shape_cast %swap3A_715 : vector<1x16xf32> to vector<16xf32>
        %swap3A_717 = vector.shape_cast %get3A_712 : vector<16xf32> to vector<1x16xf32>
        tpu.vector_store %arg7[%swap3A_713, %swap3A_714], %swap3A_717 {add = true, strides = array<i32>} : memref<32x1024xf32, #tpu.memory_space<vmem>>, vector<1x16xf32>,
        %get3A_718 = arith.index_cast %scan3A_358 : i32 to index
        %get3A_719 = arith.constant 640 : index
        %get3A_720 = tpu.vector_load %arg9[%get3A_718, %get3A_719] {strides = array<i32>} : memref<32x1024xf32, #tpu.memory_space<vmem>>, vector<1x16xf32>,
        %get3A_721 = vector.shape_cast %get3A_720 : vector<1x16xf32> to vector<16xf32>
        %swap3A_722 = arith.index_cast %scan3A_358 : i32 to index
        %swap3A_723 = arith.constant 640 : index
        %swap3A_724 = tpu.vector_load %arg7[%swap3A_722, %swap3A_723] {strides = array<i32>} : memref<32x1024xf32, #tpu.memory_space<vmem>>, vector<1x16xf32>,
        %swap3A_725 = vector.shape_cast %swap3A_724 : vector<1x16xf32> to vector<16xf32>
        %swap3A_726 = vector.shape_cast %get3A_721 : vector<16xf32> to vector<1x16xf32>
        tpu.vector_store %arg7[%swap3A_722, %swap3A_723], %swap3A_726 {add = true, strides = array<i32>} : memref<32x1024xf32, #tpu.memory_space<vmem>>, vector<1x16xf32>,
        %get3A_727 = arith.index_cast %scan3A_358 : i32 to index
        %get3A_728 = arith.constant 656 : index
        %get3A_729 = tpu.vector_load %arg9[%get3A_727, %get3A_728] {strides = array<i32>} : memref<32x1024xf32, #tpu.memory_space<vmem>>, vector<1x16xf32>,
        %get3A_730 = vector.shape_cast %get3A_729 : vector<1x16xf32> to vector<16xf32>
        %swap3A_731 = arith.index_cast %scan3A_358 : i32 to index
        %swap3A_732 = arith.constant 656 : index
        %swap3A_733 = tpu.vector_load %arg7[%swap3A_731, %swap3A_732] {strides = array<i32>} : memref<32x1024xf32, #tpu.memory_space<vmem>>, vector<1x16xf32>,
        %swap3A_734 = vector.shape_cast %swap3A_733 : vector<1x16xf32> to vector<16xf32>
        %swap3A_735 = vector.shape_cast %get3A_730 : vector<16xf32> to vector<1x16xf32>
        tpu.vector_store %arg7[%swap3A_731, %swap3A_732], %swap3A_735 {add = true, strides = array<i32>} : memref<32x1024xf32, #tpu.memory_space<vmem>>, vector<1x16xf32>,
        %get3A_736 = arith.index_cast %scan3A_358 : i32 to index
        %get3A_737 = arith.constant 672 : index
        %get3A_738 = tpu.vector_load %arg9[%get3A_736, %get3A_737] {strides = array<i32>} : memref<32x1024xf32, #tpu.memory_space<vmem>>, vector<1x16xf32>,
        %get3A_739 = vector.shape_cast %get3A_738 : vector<1x16xf32> to vector<16xf32>
        %swap3A_740 = arith.index_cast %scan3A_358 : i32 to index
        %swap3A_741 = arith.constant 672 : index
        %swap3A_742 = tpu.vector_load %arg7[%swap3A_740, %swap3A_741] {strides = array<i32>} : memref<32x1024xf32, #tpu.memory_space<vmem>>, vector<1x16xf32>,
        %swap3A_743 = vector.shape_cast %swap3A_742 : vector<1x16xf32> to vector<16xf32>
        %swap3A_744 = vector.shape_cast %get3A_739 : vector<16xf32> to vector<1x16xf32>
        tpu.vector_store %arg7[%swap3A_740, %swap3A_741], %swap3A_744 {add = true, strides = array<i32>} : memref<32x1024xf32, #tpu.memory_space<vmem>>, vector<1x16xf32>,
        %get3A_745 = arith.index_cast %scan3A_358 : i32 to index
        %get3A_746 = arith.constant 688 : index
        %get3A_747 = tpu.vector_load %arg9[%get3A_745, %get3A_746] {strides = array<i32>} : memref<32x1024xf32, #tpu.memory_space<vmem>>, vector<1x16xf32>,
        %get3A_748 = vector.shape_cast %get3A_747 : vector<1x16xf32> to vector<16xf32>
        %swap3A_749 = arith.index_cast %scan3A_358 : i32 to index
        %swap3A_750 = arith.constant 688 : index
        %swap3A_751 = tpu.vector_load %arg7[%swap3A_749, %swap3A_750] {strides = array<i32>} : memref<32x1024xf32, #tpu.memory_space<vmem>>, vector<1x16xf32>,
        %swap3A_752 = vector.shape_cast %swap3A_751 : vector<1x16xf32> to vector<16xf32>
        %swap3A_753 = vector.shape_cast %get3A_748 : vector<16xf32> to vector<1x16xf32>
        tpu.vector_store %arg7[%swap3A_749, %swap3A_750], %swap3A_753 {add = true, strides = array<i32>} : memref<32x1024xf32, #tpu.memory_space<vmem>>, vector<1x16xf32>,
        %get3A_754 = arith.index_cast %scan3A_358 : i32 to index
        %get3A_755 = arith.constant 704 : index
        %get3A_756 = tpu.vector_load %arg9[%get3A_754, %get3A_755] {strides = array<i32>} : memref<32x1024xf32, #tpu.memory_space<vmem>>, vector<1x16xf32>,
        %get3A_757 = vector.shape_cast %get3A_756 : vector<1x16xf32> to vector<16xf32>
        %swap3A_758 = arith.index_cast %scan3A_358 : i32 to index
        %swap3A_759 = arith.constant 704 : index
        %swap3A_760 = tpu.vector_load %arg7[%swap3A_758, %swap3A_759] {strides = array<i32>} : memref<32x1024xf32, #tpu.memory_space<vmem>>, vector<1x16xf32>,
        %swap3A_761 = vector.shape_cast %swap3A_760 : vector<1x16xf32> to vector<16xf32>
        %swap3A_762 = vector.shape_cast %get3A_757 : vector<16xf32> to vector<1x16xf32>
        tpu.vector_store %arg7[%swap3A_758, %swap3A_759], %swap3A_762 {add = true, strides = array<i32>} : memref<32x1024xf32, #tpu.memory_space<vmem>>, vector<1x16xf32>,
        %get3A_763 = arith.index_cast %scan3A_358 : i32 to index
        %get3A_764 = arith.constant 720 : index
        %get3A_765 = tpu.vector_load %arg9[%get3A_763, %get3A_764] {strides = array<i32>} : memref<32x1024xf32, #tpu.memory_space<vmem>>, vector<1x16xf32>,
        %get3A_766 = vector.shape_cast %get3A_765 : vector<1x16xf32> to vector<16xf32>
        %swap3A_767 = arith.index_cast %scan3A_358 : i32 to index
        %swap3A_768 = arith.constant 720 : index
        %swap3A_769 = tpu.vector_load %arg7[%swap3A_767, %swap3A_768] {strides = array<i32>} : memref<32x1024xf32, #tpu.memory_space<vmem>>, vector<1x16xf32>,
        %swap3A_770 = vector.shape_cast %swap3A_769 : vector<1x16xf32> to vector<16xf32>
        %swap3A_771 = vector.shape_cast %get3A_766 : vector<16xf32> to vector<1x16xf32>
        tpu.vector_store %arg7[%swap3A_767, %swap3A_768], %swap3A_771 {add = true, strides = array<i32>} : memref<32x1024xf32, #tpu.memory_space<vmem>>, vector<1x16xf32>,
        %get3A_772 = arith.index_cast %scan3A_358 : i32 to index
        %get3A_773 = arith.constant 736 : index
        %get3A_774 = tpu.vector_load %arg9[%get3A_772, %get3A_773] {strides = array<i32>} : memref<32x1024xf32, #tpu.memory_space<vmem>>, vector<1x16xf32>,
        %get3A_775 = vector.shape_cast %get3A_774 : vector<1x16xf32> to vector<16xf32>
        %swap3A_776 = arith.index_cast %scan3A_358 : i32 to index
        %swap3A_777 = arith.constant 736 : index
        %swap3A_778 = tpu.vector_load %arg7[%swap3A_776, %swap3A_777] {strides = array<i32>} : memref<32x1024xf32, #tpu.memory_space<vmem>>, vector<1x16xf32>,
        %swap3A_779 = vector.shape_cast %swap3A_778 : vector<1x16xf32> to vector<16xf32>
        %swap3A_780 = vector.shape_cast %get3A_775 : vector<16xf32> to vector<1x16xf32>
        tpu.vector_store %arg7[%swap3A_776, %swap3A_777], %swap3A_780 {add = true, strides = array<i32>} : memref<32x1024xf32, #tpu.memory_space<vmem>>, vector<1x16xf32>,
        %get3A_781 = arith.index_cast %scan3A_358 : i32 to index
        %get3A_782 = arith.constant 752 : index
        %get3A_783 = tpu.vector_load %arg9[%get3A_781, %get3A_782] {strides = array<i32>} : memref<32x1024xf32, #tpu.memory_space<vmem>>, vector<1x16xf32>,
        %get3A_784 = vector.shape_cast %get3A_783 : vector<1x16xf32> to vector<16xf32>
        %swap3A_785 = arith.index_cast %scan3A_358 : i32 to index
        %swap3A_786 = arith.constant 752 : index
        %swap3A_787 = tpu.vector_load %arg7[%swap3A_785, %swap3A_786] {strides = array<i32>} : memref<32x1024xf32, #tpu.memory_space<vmem>>, vector<1x16xf32>,
        %swap3A_788 = vector.shape_cast %swap3A_787 : vector<1x16xf32> to vector<16xf32>
        %swap3A_789 = vector.shape_cast %get3A_784 : vector<16xf32> to vector<1x16xf32>
        tpu.vector_store %arg7[%swap3A_785, %swap3A_786], %swap3A_789 {add = true, strides = array<i32>} : memref<32x1024xf32, #tpu.memory_space<vmem>>, vector<1x16xf32>,
        %get3A_790 = arith.index_cast %scan3A_358 : i32 to index
        %get3A_791 = arith.constant 768 : index
        %get3A_792 = tpu.vector_load %arg9[%get3A_790, %get3A_791] {strides = array<i32>} : memref<32x1024xf32, #tpu.memory_space<vmem>>, vector<1x16xf32>,
        %get3A_793 = vector.shape_cast %get3A_792 : vector<1x16xf32> to vector<16xf32>
        %swap3A_794 = arith.index_cast %scan3A_358 : i32 to index
        %swap3A_795 = arith.constant 768 : index
        %swap3A_796 = tpu.vector_load %arg7[%swap3A_794, %swap3A_795] {strides = array<i32>} : memref<32x1024xf32, #tpu.memory_space<vmem>>, vector<1x16xf32>,
        %swap3A_797 = vector.shape_cast %swap3A_796 : vector<1x16xf32> to vector<16xf32>
        %swap3A_798 = vector.shape_cast %get3A_793 : vector<16xf32> to vector<1x16xf32>
        tpu.vector_store %arg7[%swap3A_794, %swap3A_795], %swap3A_798 {add = true, strides = array<i32>} : memref<32x1024xf32, #tpu.memory_space<vmem>>, vector<1x16xf32>,
        %get3A_799 = arith.index_cast %scan3A_358 : i32 to index
        %get3A_800 = arith.constant 784 : index
        %get3A_801 = tpu.vector_load %arg9[%get3A_799, %get3A_800] {strides = array<i32>} : memref<32x1024xf32, #tpu.memory_space<vmem>>, vector<1x16xf32>,
        %get3A_802 = vector.shape_cast %get3A_801 : vector<1x16xf32> to vector<16xf32>
        %swap3A_803 = arith.index_cast %scan3A_358 : i32 to index
        %swap3A_804 = arith.constant 784 : index
        %swap3A_805 = tpu.vector_load %arg7[%swap3A_803, %swap3A_804] {strides = array<i32>} : memref<32x1024xf32, #tpu.memory_space<vmem>>, vector<1x16xf32>,
        %swap3A_806 = vector.shape_cast %swap3A_805 : vector<1x16xf32> to vector<16xf32>
        %swap3A_807 = vector.shape_cast %get3A_802 : vector<16xf32> to vector<1x16xf32>
        tpu.vector_store %arg7[%swap3A_803, %swap3A_804], %swap3A_807 {add = true, strides = array<i32>} : memref<32x1024xf32, #tpu.memory_space<vmem>>, vector<1x16xf32>,
        %get3A_808 = arith.index_cast %scan3A_358 : i32 to index
        %get3A_809 = arith.constant 800 : index
        %get3A_810 = tpu.vector_load %arg9[%get3A_808, %get3A_809] {strides = array<i32>} : memref<32x1024xf32, #tpu.memory_space<vmem>>, vector<1x16xf32>,
        %get3A_811 = vector.shape_cast %get3A_810 : vector<1x16xf32> to vector<16xf32>
        %swap3A_812 = arith.index_cast %scan3A_358 : i32 to index
        %swap3A_813 = arith.constant 800 : index
        %swap3A_814 = tpu.vector_load %arg7[%swap3A_812, %swap3A_813] {strides = array<i32>} : memref<32x1024xf32, #tpu.memory_space<vmem>>, vector<1x16xf32>,
        %swap3A_815 = vector.shape_cast %swap3A_814 : vector<1x16xf32> to vector<16xf32>
        %swap3A_816 = vector.shape_cast %get3A_811 : vector<16xf32> to vector<1x16xf32>
        tpu.vector_store %arg7[%swap3A_812, %swap3A_813], %swap3A_816 {add = true, strides = array<i32>} : memref<32x1024xf32, #tpu.memory_space<vmem>>, vector<1x16xf32>,
        %get3A_817 = arith.index_cast %scan3A_358 : i32 to index
        %get3A_818 = arith.constant 816 : index
        %get3A_819 = tpu.vector_load %arg9[%get3A_817, %get3A_818] {strides = array<i32>} : memref<32x1024xf32, #tpu.memory_space<vmem>>, vector<1x16xf32>,
        %get3A_820 = vector.shape_cast %get3A_819 : vector<1x16xf32> to vector<16xf32>
        %swap3A_821 = arith.index_cast %scan3A_358 : i32 to index
        %swap3A_822 = arith.constant 816 : index
        %swap3A_823 = tpu.vector_load %arg7[%swap3A_821, %swap3A_822] {strides = array<i32>} : memref<32x1024xf32, #tpu.memory_space<vmem>>, vector<1x16xf32>,
        %swap3A_824 = vector.shape_cast %swap3A_823 : vector<1x16xf32> to vector<16xf32>
        %swap3A_825 = vector.shape_cast %get3A_820 : vector<16xf32> to vector<1x16xf32>
        tpu.vector_store %arg7[%swap3A_821, %swap3A_822], %swap3A_825 {add = true, strides = array<i32>} : memref<32x1024xf32, #tpu.memory_space<vmem>>, vector<1x16xf32>,
        %get3A_826 = arith.index_cast %scan3A_358 : i32 to index
        %get3A_827 = arith.constant 832 : index
        %get3A_828 = tpu.vector_load %arg9[%get3A_826, %get3A_827] {strides = array<i32>} : memref<32x1024xf32, #tpu.memory_space<vmem>>, vector<1x16xf32>,
        %get3A_829 = vector.shape_cast %get3A_828 : vector<1x16xf32> to vector<16xf32>
        %swap3A_830 = arith.index_cast %scan3A_358 : i32 to index
        %swap3A_831 = arith.constant 832 : index
        %swap3A_832 = tpu.vector_load %arg7[%swap3A_830, %swap3A_831] {strides = array<i32>} : memref<32x1024xf32, #tpu.memory_space<vmem>>, vector<1x16xf32>,
        %swap3A_833 = vector.shape_cast %swap3A_832 : vector<1x16xf32> to vector<16xf32>
        %swap3A_834 = vector.shape_cast %get3A_829 : vector<16xf32> to vector<1x16xf32>
        tpu.vector_store %arg7[%swap3A_830, %swap3A_831], %swap3A_834 {add = true, strides = array<i32>} : memref<32x1024xf32, #tpu.memory_space<vmem>>, vector<1x16xf32>,
        %get3A_835 = arith.index_cast %scan3A_358 : i32 to index
        %get3A_836 = arith.constant 848 : index
        %get3A_837 = tpu.vector_load %arg9[%get3A_835, %get3A_836] {strides = array<i32>} : memref<32x1024xf32, #tpu.memory_space<vmem>>, vector<1x16xf32>,
        %get3A_838 = vector.shape_cast %get3A_837 : vector<1x16xf32> to vector<16xf32>
        %swap3A_839 = arith.index_cast %scan3A_358 : i32 to index
        %swap3A_840 = arith.constant 848 : index
        %swap3A_841 = tpu.vector_load %arg7[%swap3A_839, %swap3A_840] {strides = array<i32>} : memref<32x1024xf32, #tpu.memory_space<vmem>>, vector<1x16xf32>,
        %swap3A_842 = vector.shape_cast %swap3A_841 : vector<1x16xf32> to vector<16xf32>
        %swap3A_843 = vector.shape_cast %get3A_838 : vector<16xf32> to vector<1x16xf32>
        tpu.vector_store %arg7[%swap3A_839, %swap3A_840], %swap3A_843 {add = true, strides = array<i32>} : memref<32x1024xf32, #tpu.memory_space<vmem>>, vector<1x16xf32>,
        %get3A_844 = arith.index_cast %scan3A_358 : i32 to index
        %get3A_845 = arith.constant 864 : index
        %get3A_846 = tpu.vector_load %arg9[%get3A_844, %get3A_845] {strides = array<i32>} : memref<32x1024xf32, #tpu.memory_space<vmem>>, vector<1x16xf32>,
        %get3A_847 = vector.shape_cast %get3A_846 : vector<1x16xf32> to vector<16xf32>
        %swap3A_848 = arith.index_cast %scan3A_358 : i32 to index
        %swap3A_849 = arith.constant 864 : index
        %swap3A_850 = tpu.vector_load %arg7[%swap3A_848, %swap3A_849] {strides = array<i32>} : memref<32x1024xf32, #tpu.memory_space<vmem>>, vector<1x16xf32>,
        %swap3A_851 = vector.shape_cast %swap3A_850 : vector<1x16xf32> to vector<16xf32>
        %swap3A_852 = vector.shape_cast %get3A_847 : vector<16xf32> to vector<1x16xf32>
        tpu.vector_store %arg7[%swap3A_848, %swap3A_849], %swap3A_852 {add = true, strides = array<i32>} : memref<32x1024xf32, #tpu.memory_space<vmem>>, vector<1x16xf32>,
        %get3A_853 = arith.index_cast %scan3A_358 : i32 to index
        %get3A_854 = arith.constant 880 : index
        %get3A_855 = tpu.vector_load %arg9[%get3A_853, %get3A_854] {strides = array<i32>} : memref<32x1024xf32, #tpu.memory_space<vmem>>, vector<1x16xf32>,
        %get3A_856 = vector.shape_cast %get3A_855 : vector<1x16xf32> to vector<16xf32>
        %swap3A_857 = arith.index_cast %scan3A_358 : i32 to index
        %swap3A_858 = arith.constant 880 : index
        %swap3A_859 = tpu.vector_load %arg7[%swap3A_857, %swap3A_858] {strides = array<i32>} : memref<32x1024xf32, #tpu.memory_space<vmem>>, vector<1x16xf32>,
        %swap3A_860 = vector.shape_cast %swap3A_859 : vector<1x16xf32> to vector<16xf32>
        %swap3A_861 = vector.shape_cast %get3A_856 : vector<16xf32> to vector<1x16xf32>
        tpu.vector_store %arg7[%swap3A_857, %swap3A_858], %swap3A_861 {add = true, strides = array<i32>} : memref<32x1024xf32, #tpu.memory_space<vmem>>, vector<1x16xf32>,
        %get3A_862 = arith.index_cast %scan3A_358 : i32 to index
        %get3A_863 = arith.constant 896 : index
        %get3A_864 = tpu.vector_load %arg9[%get3A_862, %get3A_863] {strides = array<i32>} : memref<32x1024xf32, #tpu.memory_space<vmem>>, vector<1x16xf32>,
        %get3A_865 = vector.shape_cast %get3A_864 : vector<1x16xf32> to vector<16xf32>
        %swap3A_866 = arith.index_cast %scan3A_358 : i32 to index
        %swap3A_867 = arith.constant 896 : index
        %swap3A_868 = tpu.vector_load %arg7[%swap3A_866, %swap3A_867] {strides = array<i32>} : memref<32x1024xf32, #tpu.memory_space<vmem>>, vector<1x16xf32>,
        %swap3A_869 = vector.shape_cast %swap3A_868 : vector<1x16xf32> to vector<16xf32>
        %swap3A_870 = vector.shape_cast %get3A_865 : vector<16xf32> to vector<1x16xf32>
        tpu.vector_store %arg7[%swap3A_866, %swap3A_867], %swap3A_870 {add = true, strides = array<i32>} : memref<32x1024xf32, #tpu.memory_space<vmem>>, vector<1x16xf32>,
        %get3A_871 = arith.index_cast %scan3A_358 : i32 to index
        %get3A_872 = arith.constant 912 : index
        %get3A_873 = tpu.vector_load %arg9[%get3A_871, %get3A_872] {strides = array<i32>} : memref<32x1024xf32, #tpu.memory_space<vmem>>, vector<1x16xf32>,
        %get3A_874 = vector.shape_cast %get3A_873 : vector<1x16xf32> to vector<16xf32>
        %swap3A_875 = arith.index_cast %scan3A_358 : i32 to index
        %swap3A_876 = arith.constant 912 : index
        %swap3A_877 = tpu.vector_load %arg7[%swap3A_875, %swap3A_876] {strides = array<i32>} : memref<32x1024xf32, #tpu.memory_space<vmem>>, vector<1x16xf32>,
        %swap3A_878 = vector.shape_cast %swap3A_877 : vector<1x16xf32> to vector<16xf32>
        %swap3A_879 = vector.shape_cast %get3A_874 : vector<16xf32> to vector<1x16xf32>
        tpu.vector_store %arg7[%swap3A_875, %swap3A_876], %swap3A_879 {add = true, strides = array<i32>} : memref<32x1024xf32, #tpu.memory_space<vmem>>, vector<1x16xf32>,
        %get3A_880 = arith.index_cast %scan3A_358 : i32 to index
        %get3A_881 = arith.constant 928 : index
        %get3A_882 = tpu.vector_load %arg9[%get3A_880, %get3A_881] {strides = array<i32>} : memref<32x1024xf32, #tpu.memory_space<vmem>>, vector<1x16xf32>,
        %get3A_883 = vector.shape_cast %get3A_882 : vector<1x16xf32> to vector<16xf32>
        %swap3A_884 = arith.index_cast %scan3A_358 : i32 to index
        %swap3A_885 = arith.constant 928 : index
        %swap3A_886 = tpu.vector_load %arg7[%swap3A_884, %swap3A_885] {strides = array<i32>} : memref<32x1024xf32, #tpu.memory_space<vmem>>, vector<1x16xf32>,
        %swap3A_887 = vector.shape_cast %swap3A_886 : vector<1x16xf32> to vector<16xf32>
        %swap3A_888 = vector.shape_cast %get3A_883 : vector<16xf32> to vector<1x16xf32>
        tpu.vector_store %arg7[%swap3A_884, %swap3A_885], %swap3A_888 {add = true, strides = array<i32>} : memref<32x1024xf32, #tpu.memory_space<vmem>>, vector<1x16xf32>,
        %get3A_889 = arith.index_cast %scan3A_358 : i32 to index
        %get3A_890 = arith.constant 944 : index
        %get3A_891 = tpu.vector_load %arg9[%get3A_889, %get3A_890] {strides = array<i32>} : memref<32x1024xf32, #tpu.memory_space<vmem>>, vector<1x16xf32>,
        %get3A_892 = vector.shape_cast %get3A_891 : vector<1x16xf32> to vector<16xf32>
        %swap3A_893 = arith.index_cast %scan3A_358 : i32 to index
        %swap3A_894 = arith.constant 944 : index
        %swap3A_895 = tpu.vector_load %arg7[%swap3A_893, %swap3A_894] {strides = array<i32>} : memref<32x1024xf32, #tpu.memory_space<vmem>>, vector<1x16xf32>,
        %swap3A_896 = vector.shape_cast %swap3A_895 : vector<1x16xf32> to vector<16xf32>
        %swap3A_897 = vector.shape_cast %get3A_892 : vector<16xf32> to vector<1x16xf32>
        tpu.vector_store %arg7[%swap3A_893, %swap3A_894], %swap3A_897 {add = true, strides = array<i32>} : memref<32x1024xf32, #tpu.memory_space<vmem>>, vector<1x16xf32>,
        %get3A_898 = arith.index_cast %scan3A_358 : i32 to index
        %get3A_899 = arith.constant 960 : index
        %get3A_900 = tpu.vector_load %arg9[%get3A_898, %get3A_899] {strides = array<i32>} : memref<32x1024xf32, #tpu.memory_space<vmem>>, vector<1x16xf32>,
        %get3A_901 = vector.shape_cast %get3A_900 : vector<1x16xf32> to vector<16xf32>
        %swap3A_902 = arith.index_cast %scan3A_358 : i32 to index
        %swap3A_903 = arith.constant 960 : index
        %swap3A_904 = tpu.vector_load %arg7[%swap3A_902, %swap3A_903] {strides = array<i32>} : memref<32x1024xf32, #tpu.memory_space<vmem>>, vector<1x16xf32>,
        %swap3A_905 = vector.shape_cast %swap3A_904 : vector<1x16xf32> to vector<16xf32>
        %swap3A_906 = vector.shape_cast %get3A_901 : vector<16xf32> to vector<1x16xf32>
        tpu.vector_store %arg7[%swap3A_902, %swap3A_903], %swap3A_906 {add = true, strides = array<i32>} : memref<32x1024xf32, #tpu.memory_space<vmem>>, vector<1x16xf32>,
        %get3A_907 = arith.index_cast %scan3A_358 : i32 to index
        %get3A_908 = arith.constant 976 : index
        %get3A_909 = tpu.vector_load %arg9[%get3A_907, %get3A_908] {strides = array<i32>} : memref<32x1024xf32, #tpu.memory_space<vmem>>, vector<1x16xf32>,
        %get3A_910 = vector.shape_cast %get3A_909 : vector<1x16xf32> to vector<16xf32>
        %swap3A_911 = arith.index_cast %scan3A_358 : i32 to index
        %swap3A_912 = arith.constant 976 : index
        %swap3A_913 = tpu.vector_load %arg7[%swap3A_911, %swap3A_912] {strides = array<i32>} : memref<32x1024xf32, #tpu.memory_space<vmem>>, vector<1x16xf32>,
        %swap3A_914 = vector.shape_cast %swap3A_913 : vector<1x16xf32> to vector<16xf32>
        %swap3A_915 = vector.shape_cast %get3A_910 : vector<16xf32> to vector<1x16xf32>
        tpu.vector_store %arg7[%swap3A_911, %swap3A_912], %swap3A_915 {add = true, strides = array<i32>} : memref<32x1024xf32, #tpu.memory_space<vmem>>, vector<1x16xf32>,
        %get3A_916 = arith.index_cast %scan3A_358 : i32 to index
        %get3A_917 = arith.constant 992 : index
        %get3A_918 = tpu.vector_load %arg9[%get3A_916, %get3A_917] {strides = array<i32>} : memref<32x1024xf32, #tpu.memory_space<vmem>>, vector<1x16xf32>,
        %get3A_919 = vector.shape_cast %get3A_918 : vector<1x16xf32> to vector<16xf32>
        %swap3A_920 = arith.index_cast %scan3A_358 : i32 to index
        %swap3A_921 = arith.constant 992 : index
        %swap3A_922 = tpu.vector_load %arg7[%swap3A_920, %swap3A_921] {strides = array<i32>} : memref<32x1024xf32, #tpu.memory_space<vmem>>, vector<1x16xf32>,
        %swap3A_923 = vector.shape_cast %swap3A_922 : vector<1x16xf32> to vector<16xf32>
        %swap3A_924 = vector.shape_cast %get3A_919 : vector<16xf32> to vector<1x16xf32>
        tpu.vector_store %arg7[%swap3A_920, %swap3A_921], %swap3A_924 {add = true, strides = array<i32>} : memref<32x1024xf32, #tpu.memory_space<vmem>>, vector<1x16xf32>,
        %get3A_925 = arith.index_cast %scan3A_358 : i32 to index
        %get3A_926 = arith.constant 1008 : index
        %get3A_927 = tpu.vector_load %arg9[%get3A_925, %get3A_926] {strides = array<i32>} : memref<32x1024xf32, #tpu.memory_space<vmem>>, vector<1x16xf32>,
        %get3A_928 = vector.shape_cast %get3A_927 : vector<1x16xf32> to vector<16xf32>
        %swap3A_929 = arith.index_cast %scan3A_358 : i32 to index
        %swap3A_930 = arith.constant 1008 : index
        %swap3A_931 = tpu.vector_load %arg7[%swap3A_929, %swap3A_930] {strides = array<i32>} : memref<32x1024xf32, #tpu.memory_space<vmem>>, vector<1x16xf32>,
        %swap3A_932 = vector.shape_cast %swap3A_931 : vector<1x16xf32> to vector<16xf32>
        %swap3A_933 = vector.shape_cast %get3A_928 : vector<16xf32> to vector<1x16xf32>
        tpu.vector_store %arg7[%swap3A_929, %swap3A_930], %swap3A_933 {add = true, strides = array<i32>} : memref<32x1024xf32, #tpu.memory_space<vmem>>, vector<1x16xf32>,
        %scan3A_934 = arith.constant 0 : i32
        scf.yield %scan3A_934 : i32
      }
      %scan3A_153 = arith.constant 32 : i32
      %jit3A_154 = arith.constant 4 : i32
      %div3A_155 = arith.divsi %add3A_77, %jit3A_154 : i32
      %sign3A_156 = arith.constant 0 : i32
      %sign3A_157 = arith.cmpi sgt, %add3A_77, %sign3A_156 : i32
      %sign3A_158 = arith.extui %sign3A_157 : i1 to i32
      %sign3A_159 = arith.constant 0 : i32
      %sign3A_160 = arith.cmpi slt, %add3A_77, %sign3A_159 : i32
      %sign3A_161 = arith.extui %sign3A_160 : i1 to i32
      %sign3A_162 = arith.subi %sign3A_158, %sign3A_161 : i32
      %sign3A_163 = arith.constant 0 : i32
      %sign3A_164 = arith.cmpi sgt, %jit3A_154, %sign3A_163 : i32
      %sign3A_165 = arith.extui %sign3A_164 : i1 to i32
      %sign3A_166 = arith.constant 0 : i32
      %sign3A_167 = arith.cmpi slt, %jit3A_154, %sign3A_166 : i32
      %sign3A_168 = arith.extui %sign3A_167 : i1 to i32
      %sign3A_169 = arith.subi %sign3A_165, %sign3A_168 : i32
      %ne3A_170 = arith.cmpi ne, %sign3A_162, %sign3A_169 : i32
      %rem3A_171 = arith.remsi %add3A_77, %jit3A_154 : i32
      %ne3A_172 = arith.constant 0 : i32
      %ne3A_173 = arith.cmpi ne, %rem3A_171, %ne3A_172 : i32
      %and3A_174 = arith.andi %ne3A_170, %ne3A_173 : i1
      %sub3A_175 = arith.constant 1 : i32
      %sub3A_176 = arith.subi %div3A_155, %sub3A_175 : i32
      %select_n3A_177 = arith.select %and3A_174, %sub3A_176, %div3A_155 : i32
      %jit3A_178 = arith.constant 4 : i32
      %eq3A_179 = arith.constant 0 : i32
      %eq3A_180 = arith.cmpi eq, %jit3A_178, %eq3A_179 : i32
      %jit3A_181 = arith.constant 1 : i32
      %select_n3A_182 = arith.select %eq3A_180, %jit3A_181, %jit3A_178 : i32
      %rem3A_183 = arith.remsi %add3A_77, %select_n3A_182 : i32
      %ne3A_184 = arith.constant 0 : i32
      %ne3A_185 = arith.cmpi ne, %rem3A_183, %ne3A_184 : i32
      %lt3A_186 = arith.constant 0 : i32
      %lt3A_187 = arith.cmpi slt, %rem3A_183, %lt3A_186 : i32
      %lt3A_188 = arith.constant 0 : i32
      %lt3A_189 = arith.cmpi slt, %select_n3A_182, %lt3A_188 : i32
      %ne3A_190 = arith.xori %lt3A_187, %lt3A_189 : i1
      %and3A_191 = arith.andi %ne3A_190, %ne3A_185 : i1
      %add3A_192 = arith.addi %rem3A_183, %select_n3A_182 : i32
      %select_n3A_193 = arith.select %and3A_191, %add3A_192, %rem3A_183 : i32
      %mul3A_194 = arith.constant 2048 : i32
      %mul3A_195 = arith.muli %select_n3A_193, %mul3A_194 : i32
      %add3A_196 = arith.addi %mul3A_195, %mul3A_2 : i32
      %mul3A_197 = arith.constant 32 : i32
      %mul3A_198 = arith.muli %select_n3A_177, %mul3A_197 : i32
      %add3A_199 = arith.addi %add3A_196, %mul3A_198 : i32
      %dma_start3A_200 = arith.constant 0 : i32
      %dma_start3A_201 = tpu.memref_slice %arg5[%add3A_199, %dma_start3A_200] : memref<8192x1024xf32, #tpu.memory_space<hbm>> -> memref<32x1024xf32, #tpu.memory_space<hbm>>
      %dma_start3A_202 = arith.constant 0 : i32
      %dma_start3A_203 = tpu.memref_slice %arg5[%add3A_199, %dma_start3A_202] : memref<8192x1024xf32, #tpu.memory_space<hbm>> -> memref<32x1024xf32, #tpu.memory_space<hbm>>
      tpu.enqueue_dma source(%arg7 : memref<32x1024xf32, #tpu.memory_space<vmem>>) target(%dma_start3A_203 : memref<32x1024xf32, #tpu.memory_space<hbm>>) target_semaphore(%arg14 : memref<!tpu.dma_semaphore, #tpu.memory_space<semaphore_mem>>)
      %eq3A_204 = arith.constant 3 : i32
      %eq3A_205 = arith.cmpi eq, %add3A_77, %eq3A_204 : i32
      %convert_element_type3A_206 = arith.extui %eq3A_205 : i1 to i32
      %cond3A_207 = arith.constant 0 : i32
      %cond3A_208 = arith.cmpi ne, %convert_element_type3A_206, %cond3A_207 : i32
      scf.if %cond3A_208 {
        %add3A_358 = arith.constant 32 : i32
        %add3A_359 = arith.addi %mul3A_2, %add3A_358 : i32
        %dma_start3A_360 = arith.constant 0 : i32
        %dma_start3A_361 = tpu.memref_slice %arg4[%add3A_359, %dma_start3A_360] : memref<2048x1024xf32, #tpu.memory_space<hbm>> -> memref<32x1024xf32, #tpu.memory_space<hbm>>
        %dma_start3A_362 = arith.constant 0 : i32
        %dma_start3A_363 = tpu.memref_slice %arg4[%add3A_359, %dma_start3A_362] : memref<2048x1024xf32, #tpu.memory_space<hbm>> -> memref<32x1024xf32, #tpu.memory_space<hbm>>
        tpu.enqueue_dma source(%dma_start3A_363 : memref<32x1024xf32, #tpu.memory_space<hbm>>) target(%arg9 : memref<32x1024xf32, #tpu.memory_space<vmem>>) target_semaphore(%arg11 : memref<!tpu.dma_semaphore, #tpu.memory_space<semaphore_mem>>)
      } else {
      }
      %mul3A_209 = arith.constant 2 : i32
      %mul3A_210 = arith.muli %mul3A_209, %scan3A_72 : i32
      %add3A_211 = arith.constant 1 : i32
      %add3A_212 = arith.addi %mul3A_210, %add3A_211 : i32
      %ge3A_213 = arith.constant 1 : i32
      %ge3A_214 = arith.cmpi sge, %add3A_212, %ge3A_213 : i32
      %convert_element_type3A_215 = arith.extui %ge3A_214 : i1 to i32
      %cond3A_216 = arith.constant 0 : i32
      %cond3A_217 = arith.cmpi ne, %convert_element_type3A_215, %cond3A_216 : i32
      scf.if %cond3A_217 {
        %sub3A_358 = arith.constant 1 : i32
        %sub3A_359 = arith.subi %add3A_212, %sub3A_358 : i32
        %jit3A_360 = arith.constant 4 : i32
        %div3A_361 = arith.divsi %sub3A_359, %jit3A_360 : i32
        %sign3A_362 = arith.constant 0 : i32
        %sign3A_363 = arith.cmpi sgt, %sub3A_359, %sign3A_362 : i32
        %sign3A_364 = arith.extui %sign3A_363 : i1 to i32
        %sign3A_365 = arith.constant 0 : i32
        %sign3A_366 = arith.cmpi slt, %sub3A_359, %sign3A_365 : i32
        %sign3A_367 = arith.extui %sign3A_366 : i1 to i32
        %sign3A_368 = arith.subi %sign3A_364, %sign3A_367 : i32
        %sign3A_369 = arith.constant 0 : i32
        %sign3A_370 = arith.cmpi sgt, %jit3A_360, %sign3A_369 : i32
        %sign3A_371 = arith.extui %sign3A_370 : i1 to i32
        %sign3A_372 = arith.constant 0 : i32
        %sign3A_373 = arith.cmpi slt, %jit3A_360, %sign3A_372 : i32
        %sign3A_374 = arith.extui %sign3A_373 : i1 to i32
        %sign3A_375 = arith.subi %sign3A_371, %sign3A_374 : i32
        %ne3A_376 = arith.cmpi ne, %sign3A_368, %sign3A_375 : i32
        %rem3A_377 = arith.remsi %sub3A_359, %jit3A_360 : i32
        %ne3A_378 = arith.constant 0 : i32
        %ne3A_379 = arith.cmpi ne, %rem3A_377, %ne3A_378 : i32
        %and3A_380 = arith.andi %ne3A_376, %ne3A_379 : i1
        %sub3A_381 = arith.constant 1 : i32
        %sub3A_382 = arith.subi %div3A_361, %sub3A_381 : i32
        %select_n3A_383 = arith.select %and3A_380, %sub3A_382, %div3A_361 : i32
        %jit3A_384 = arith.constant 4 : i32
        %eq3A_385 = arith.constant 0 : i32
        %eq3A_386 = arith.cmpi eq, %jit3A_384, %eq3A_385 : i32
        %jit3A_387 = arith.constant 1 : i32
        %select_n3A_388 = arith.select %eq3A_386, %jit3A_387, %jit3A_384 : i32
        %rem3A_389 = arith.remsi %sub3A_359, %select_n3A_388 : i32
        %ne3A_390 = arith.constant 0 : i32
        %ne3A_391 = arith.cmpi ne, %rem3A_389, %ne3A_390 : i32
        %lt3A_392 = arith.constant 0 : i32
        %lt3A_393 = arith.cmpi slt, %rem3A_389, %lt3A_392 : i32
        %lt3A_394 = arith.constant 0 : i32
        %lt3A_395 = arith.cmpi slt, %select_n3A_388, %lt3A_394 : i32
        %ne3A_396 = arith.xori %lt3A_393, %lt3A_395 : i1
        %and3A_397 = arith.andi %ne3A_396, %ne3A_391 : i1
        %add3A_398 = arith.addi %rem3A_389, %select_n3A_388 : i32
        %select_n3A_399 = arith.select %and3A_397, %add3A_398, %rem3A_389 : i32
        %mul3A_400 = arith.constant 2048 : i32
        %mul3A_401 = arith.muli %select_n3A_399, %mul3A_400 : i32
        %add3A_402 = arith.addi %mul3A_401, %mul3A_2 : i32
        %mul3A_403 = arith.constant 32 : i32
        %mul3A_404 = arith.muli %select_n3A_383, %mul3A_403 : i32
        %add3A_405 = arith.addi %add3A_402, %mul3A_404 : i32
        %dma_wait3A_406 = arith.constant 0 : i32
        %dma_wait3A_407 = tpu.memref_slice %arg5[%add3A_405, %dma_wait3A_406] : memref<8192x1024xf32, #tpu.memory_space<hbm>> -> memref<32x1024xf32, #tpu.memory_space<hbm>>
        %dma_wait3A_408 = arith.constant 0 : i32
        %dma_wait3A_409 = tpu.memref_slice %arg5[%add3A_405, %dma_wait3A_408] : memref<8192x1024xf32, #tpu.memory_space<hbm>> -> memref<32x1024xf32, #tpu.memory_space<hbm>>
        tpu.wait_dma2 semaphore(%arg14 : memref<!tpu.dma_semaphore, #tpu.memory_space<semaphore_mem>>) src(%arg7 : memref<32x1024xf32, #tpu.memory_space<vmem>>) dst(%dma_wait3A_409 : memref<32x1024xf32, #tpu.memory_space<hbm>>)
      } else {
      }
      %add3A_218 = arith.constant 1 : i32
      %add3A_219 = arith.addi %add3A_212, %add3A_218 : i32
      %lt3A_220 = arith.constant 8 : i32
      %lt3A_221 = arith.cmpi slt, %add3A_219, %lt3A_220 : i32
      %convert_element_type3A_222 = arith.extui %lt3A_221 : i1 to i32
      %cond3A_223 = arith.constant 0 : i32
      %cond3A_224 = arith.cmpi ne, %convert_element_type3A_222, %cond3A_223 : i32
      scf.if %cond3A_224 {
        %add3A_358 = arith.constant 1 : i32
        %add3A_359 = arith.addi %add3A_212, %add3A_358 : i32
        %jit3A_360 = arith.constant 4 : i32
        %div3A_361 = arith.divsi %add3A_359, %jit3A_360 : i32
        %sign3A_362 = arith.constant 0 : i32
        %sign3A_363 = arith.cmpi sgt, %add3A_359, %sign3A_362 : i32
        %sign3A_364 = arith.extui %sign3A_363 : i1 to i32
        %sign3A_365 = arith.constant 0 : i32
        %sign3A_366 = arith.cmpi slt, %add3A_359, %sign3A_365 : i32
        %sign3A_367 = arith.extui %sign3A_366 : i1 to i32
        %sign3A_368 = arith.subi %sign3A_364, %sign3A_367 : i32
        %sign3A_369 = arith.constant 0 : i32
        %sign3A_370 = arith.cmpi sgt, %jit3A_360, %sign3A_369 : i32
        %sign3A_371 = arith.extui %sign3A_370 : i1 to i32
        %sign3A_372 = arith.constant 0 : i32
        %sign3A_373 = arith.cmpi slt, %jit3A_360, %sign3A_372 : i32
        %sign3A_374 = arith.extui %sign3A_373 : i1 to i32
        %sign3A_375 = arith.subi %sign3A_371, %sign3A_374 : i32
        %ne3A_376 = arith.cmpi ne, %sign3A_368, %sign3A_375 : i32
        %rem3A_377 = arith.remsi %add3A_359, %jit3A_360 : i32
        %ne3A_378 = arith.constant 0 : i32
        %ne3A_379 = arith.cmpi ne, %rem3A_377, %ne3A_378 : i32
        %and3A_380 = arith.andi %ne3A_376, %ne3A_379 : i1
        %sub3A_381 = arith.constant 1 : i32
        %sub3A_382 = arith.subi %div3A_361, %sub3A_381 : i32
        %select_n3A_383 = arith.select %and3A_380, %sub3A_382, %div3A_361 : i32
        %jit3A_384 = arith.constant 4 : i32
        %eq3A_385 = arith.constant 0 : i32
        %eq3A_386 = arith.cmpi eq, %jit3A_384, %eq3A_385 : i32
        %jit3A_387 = arith.constant 1 : i32
        %select_n3A_388 = arith.select %eq3A_386, %jit3A_387, %jit3A_384 : i32
        %rem3A_389 = arith.remsi %add3A_359, %select_n3A_388 : i32
        %ne3A_390 = arith.constant 0 : i32
        %ne3A_391 = arith.cmpi ne, %rem3A_389, %ne3A_390 : i32
        %lt3A_392 = arith.constant 0 : i32
        %lt3A_393 = arith.cmpi slt, %rem3A_389, %lt3A_392 : i32
        %lt3A_394 = arith.constant 0 : i32
        %lt3A_395 = arith.cmpi slt, %select_n3A_388, %lt3A_394 : i32
        %ne3A_396 = arith.xori %lt3A_393, %lt3A_395 : i1
        %and3A_397 = arith.andi %ne3A_396, %ne3A_391 : i1
        %add3A_398 = arith.addi %rem3A_389, %select_n3A_388 : i32
        %select_n3A_399 = arith.select %and3A_397, %add3A_398, %rem3A_389 : i32
        %mul3A_400 = arith.constant 64 : i32
        %mul3A_401 = arith.muli %select_n3A_399, %mul3A_400 : i32
        %mul3A_402 = arith.constant 32 : i32
        %mul3A_403 = arith.muli %select_n3A_383, %mul3A_402 : i32
        %add3A_404 = arith.addi %mul3A_401, %mul3A_403 : i32
        %dma_start3A_405 = tpu.memref_slice %arg6[%add3A_404] : memref<256xi32, #tpu.memory_space<vmem>> -> memref<32xi32, #tpu.memory_space<vmem>>
        %dma_start3A_406 = arith.constant 0 : i32
        %dma_start3A_407 = arith.constant 0 : i32
        %dma_start3A_408 = tpu.memref_slice %arg3[%dma_start3A_406, %dma_start3A_407] : memref<50257x1024xf32, #tpu.memory_space<hbm>> -> memref<50257x1024xf32, #tpu.memory_space<hbm>>
        tpu.enqueue_indirect_dma source(%dma_start3A_408 : memref<50257x1024xf32, #tpu.memory_space<hbm>>) target(%arg7 : memref<32x1024xf32, #tpu.memory_space<vmem>>) offsets(%dma_start3A_405 : memref<32xi32, #tpu.memory_space<vmem>>) semaphore(%arg12 : memref<!tpu.dma_semaphore, #tpu.memory_space<semaphore_mem>>)
      } else {
      }
      %jit3A_225 = arith.constant 4 : i32
      %div3A_226 = arith.divsi %add3A_212, %jit3A_225 : i32
      %sign3A_227 = arith.constant 0 : i32
      %sign3A_228 = arith.cmpi sgt, %add3A_212, %sign3A_227 : i32
      %sign3A_229 = arith.extui %sign3A_228 : i1 to i32
      %sign3A_230 = arith.constant 0 : i32
      %sign3A_231 = arith.cmpi slt, %add3A_212, %sign3A_230 : i32
      %sign3A_232 = arith.extui %sign3A_231 : i1 to i32
      %sign3A_233 = arith.subi %sign3A_229, %sign3A_232 : i32
      %sign3A_234 = arith.constant 0 : i32
      %sign3A_235 = arith.cmpi sgt, %jit3A_225, %sign3A_234 : i32
      %sign3A_236 = arith.extui %sign3A_235 : i1 to i32
      %sign3A_237 = arith.constant 0 : i32
      %sign3A_238 = arith.cmpi slt, %jit3A_225, %sign3A_237 : i32
      %sign3A_239 = arith.extui %sign3A_238 : i1 to i32
      %sign3A_240 = arith.subi %sign3A_236, %sign3A_239 : i32
      %ne3A_241 = arith.cmpi ne, %sign3A_233, %sign3A_240 : i32
      %rem3A_242 = arith.remsi %add3A_212, %jit3A_225 : i32
      %ne3A_243 = arith.constant 0 : i32
      %ne3A_244 = arith.cmpi ne, %rem3A_242, %ne3A_243 : i32
      %and3A_245 = arith.andi %ne3A_241, %ne3A_244 : i1
      %sub3A_246 = arith.constant 1 : i32
      %sub3A_247 = arith.subi %div3A_226, %sub3A_246 : i32
      %select_n3A_248 = arith.select %and3A_245, %sub3A_247, %div3A_226 : i32
      %jit3A_249 = arith.constant 4 : i32
      %eq3A_250 = arith.constant 0 : i32
      %eq3A_251 = arith.cmpi eq, %jit3A_249, %eq3A_250 : i32
      %jit3A_252 = arith.constant 1 : i32
      %select_n3A_253 = arith.select %eq3A_251, %jit3A_252, %jit3A_249 : i32
      %rem3A_254 = arith.remsi %add3A_212, %select_n3A_253 : i32
      %ne3A_255 = arith.constant 0 : i32
      %ne3A_256 = arith.cmpi ne, %rem3A_254, %ne3A_255 : i32
      %lt3A_257 = arith.constant 0 : i32
      %lt3A_258 = arith.cmpi slt, %rem3A_254, %lt3A_257 : i32
      %lt3A_259 = arith.constant 0 : i32
      %lt3A_260 = arith.cmpi slt, %select_n3A_253, %lt3A_259 : i32
      %ne3A_261 = arith.xori %lt3A_258, %lt3A_260 : i1
      %and3A_262 = arith.andi %ne3A_261, %ne3A_256 : i1
      %add3A_263 = arith.addi %rem3A_254, %select_n3A_253 : i32
      %select_n3A_264 = arith.select %and3A_262, %add3A_263, %rem3A_254 : i32
      %mul3A_265 = arith.constant 64 : i32
      %mul3A_266 = arith.muli %select_n3A_264, %mul3A_265 : i32
      %mul3A_267 = arith.constant 32 : i32
      %mul3A_268 = arith.muli %select_n3A_248, %mul3A_267 : i32
      %add3A_269 = arith.addi %mul3A_266, %mul3A_268 : i32
      %dma_wait3A_270 = tpu.memref_slice %arg6[%add3A_269] : memref<256xi32, #tpu.memory_space<vmem>> -> memref<32xi32, #tpu.memory_space<vmem>>
      %dma_wait3A_271 = arith.constant 0 : i32
      %dma_wait3A_272 = arith.constant 0 : i32
      %dma_wait3A_273 = tpu.memref_slice %arg3[%dma_wait3A_271, %dma_wait3A_272] : memref<50257x1024xf32, #tpu.memory_space<hbm>> -> memref<50257x1024xf32, #tpu.memory_space<hbm>>
      tpu.wait_indirect_dma semaphore(%arg13 : memref<!tpu.dma_semaphore, #tpu.memory_space<semaphore_mem>>) src(%dma_wait3A_273 : memref<50257x1024xf32, #tpu.memory_space<hbm>>) dst(%arg8 : memref<32x1024xf32, #tpu.memory_space<vmem>>)
      %jit3A_274 = arith.constant 4 : i32
      %eq3A_275 = arith.constant 0 : i32
      %eq3A_276 = arith.cmpi eq, %jit3A_274, %eq3A_275 : i32
      %jit3A_277 = arith.constant 1 : i32
      %select_n3A_278 = arith.select %eq3A_276, %jit3A_277, %jit3A_274 : i32
      %rem3A_279 = arith.remsi %add3A_212, %select_n3A_278 : i32
      %ne3A_280 = arith.constant 0 : i32
      %ne3A_281 = arith.cmpi ne, %rem3A_279, %ne3A_280 : i32
      %lt3A_282 = arith.constant 0 : i32
      %lt3A_283 = arith.cmpi slt, %rem3A_279, %lt3A_282 : i32
      %lt3A_284 = arith.constant 0 : i32
      %lt3A_285 = arith.cmpi slt, %select_n3A_278, %lt3A_284 : i32
      %ne3A_286 = arith.xori %lt3A_283, %lt3A_285 : i1
      %and3A_287 = arith.andi %ne3A_286, %ne3A_281 : i1
      %add3A_288 = arith.addi %rem3A_279, %select_n3A_278 : i32
      %select_n3A_289 = arith.select %and3A_287, %add3A_288, %rem3A_279 : i32
      %eq3A_290 = arith.constant 0 : i32
      %eq3A_291 = arith.cmpi eq, %select_n3A_289, %eq3A_290 : i32
      %convert_element_type3A_292 = arith.extui %eq3A_291 : i1 to i32
      %cond3A_293 = arith.constant 0 : i32
      %cond3A_294 = arith.cmpi ne, %convert_element_type3A_292, %cond3A_293 : i32
      scf.if %cond3A_294 {
        %dma_wait3A_358 = arith.constant 0 : i32
        %dma_wait3A_359 = tpu.memref_slice %arg4[%mul3A_2, %dma_wait3A_358] : memref<2048x1024xf32, #tpu.memory_space<hbm>> -> memref<32x1024xf32, #tpu.memory_space<hbm>>
        %dma_wait3A_360 = arith.constant 0 : i32
        %dma_wait3A_361 = tpu.memref_slice %arg4[%mul3A_2, %dma_wait3A_360] : memref<2048x1024xf32, #tpu.memory_space<hbm>> -> memref<32x1024xf32, #tpu.memory_space<hbm>>
        tpu.wait_dma2 semaphore(%arg11 : memref<!tpu.dma_semaphore, #tpu.memory_space<semaphore_mem>>) src(%dma_wait3A_361 : memref<32x1024xf32, #tpu.memory_space<hbm>>) dst(%arg9 : memref<32x1024xf32, #tpu.memory_space<vmem>>)
      } else {
      }
      %scan3A_295 = arith.constant 0 : i32
      %scan3A_296 = arith.constant 0 : i32
      %scan3A_297 = arith.constant 32 : i32
      %scan3A_298 = arith.addi %scan3A_296, %scan3A_297 : i32
      %scan3A_299 = arith.constant 1 : i32
      %scan3A_300 = scf.for %scan3A_358 = %scan3A_296 to %scan3A_298 step %scan3A_299 iter_args(%scan3A_359 = %scan3A_295) -> (i32)  : i32 {
        %get3A = arith.index_cast %scan3A_358 : i32 to index
        %get3A_360 = arith.constant 0 : index
        %get3A_361 = tpu.vector_load %arg9[%get3A, %get3A_360] {strides = array<i32>} : memref<32x1024xf32, #tpu.memory_space<vmem>>, vector<1x16xf32>,
        %get3A_362 = vector.shape_cast %get3A_361 : vector<1x16xf32> to vector<16xf32>
        %swap3A = arith.index_cast %scan3A_358 : i32 to index
        %swap3A_363 = arith.constant 0 : index
        %swap3A_364 = tpu.vector_load %arg8[%swap3A, %swap3A_363] {strides = array<i32>} : memref<32x1024xf32, #tpu.memory_space<vmem>>, vector<1x16xf32>,
        %swap3A_365 = vector.shape_cast %swap3A_364 : vector<1x16xf32> to vector<16xf32>
        %swap3A_366 = vector.shape_cast %get3A_362 : vector<16xf32> to vector<1x16xf32>
        tpu.vector_store %arg8[%swap3A, %swap3A_363], %swap3A_366 {add = true, strides = array<i32>} : memref<32x1024xf32, #tpu.memory_space<vmem>>, vector<1x16xf32>,
        %get3A_367 = arith.index_cast %scan3A_358 : i32 to index
        %get3A_368 = arith.constant 16 : index
        %get3A_369 = tpu.vector_load %arg9[%get3A_367, %get3A_368] {strides = array<i32>} : memref<32x1024xf32, #tpu.memory_space<vmem>>, vector<1x16xf32>,
        %get3A_370 = vector.shape_cast %get3A_369 : vector<1x16xf32> to vector<16xf32>
        %swap3A_371 = arith.index_cast %scan3A_358 : i32 to index
        %swap3A_372 = arith.constant 16 : index
        %swap3A_373 = tpu.vector_load %arg8[%swap3A_371, %swap3A_372] {strides = array<i32>} : memref<32x1024xf32, #tpu.memory_space<vmem>>, vector<1x16xf32>,
        %swap3A_374 = vector.shape_cast %swap3A_373 : vector<1x16xf32> to vector<16xf32>
        %swap3A_375 = vector.shape_cast %get3A_370 : vector<16xf32> to vector<1x16xf32>
        tpu.vector_store %arg8[%swap3A_371, %swap3A_372], %swap3A_375 {add = true, strides = array<i32>} : memref<32x1024xf32, #tpu.memory_space<vmem>>, vector<1x16xf32>,
        %get3A_376 = arith.index_cast %scan3A_358 : i32 to index
        %get3A_377 = arith.constant 32 : index
        %get3A_378 = tpu.vector_load %arg9[%get3A_376, %get3A_377] {strides = array<i32>} : memref<32x1024xf32, #tpu.memory_space<vmem>>, vector<1x16xf32>,
        %get3A_379 = vector.shape_cast %get3A_378 : vector<1x16xf32> to vector<16xf32>
        %swap3A_380 = arith.index_cast %scan3A_358 : i32 to index
        %swap3A_381 = arith.constant 32 : index
        %swap3A_382 = tpu.vector_load %arg8[%swap3A_380, %swap3A_381] {strides = array<i32>} : memref<32x1024xf32, #tpu.memory_space<vmem>>, vector<1x16xf32>,
        %swap3A_383 = vector.shape_cast %swap3A_382 : vector<1x16xf32> to vector<16xf32>
        %swap3A_384 = vector.shape_cast %get3A_379 : vector<16xf32> to vector<1x16xf32>
        tpu.vector_store %arg8[%swap3A_380, %swap3A_381], %swap3A_384 {add = true, strides = array<i32>} : memref<32x1024xf32, #tpu.memory_space<vmem>>, vector<1x16xf32>,
        %get3A_385 = arith.index_cast %scan3A_358 : i32 to index
        %get3A_386 = arith.constant 48 : index
        %get3A_387 = tpu.vector_load %arg9[%get3A_385, %get3A_386] {strides = array<i32>} : memref<32x1024xf32, #tpu.memory_space<vmem>>, vector<1x16xf32>,
        %get3A_388 = vector.shape_cast %get3A_387 : vector<1x16xf32> to vector<16xf32>
        %swap3A_389 = arith.index_cast %scan3A_358 : i32 to index
        %swap3A_390 = arith.constant 48 : index
        %swap3A_391 = tpu.vector_load %arg8[%swap3A_389, %swap3A_390] {strides = array<i32>} : memref<32x1024xf32, #tpu.memory_space<vmem>>, vector<1x16xf32>,
        %swap3A_392 = vector.shape_cast %swap3A_391 : vector<1x16xf32> to vector<16xf32>
        %swap3A_393 = vector.shape_cast %get3A_388 : vector<16xf32> to vector<1x16xf32>
        tpu.vector_store %arg8[%swap3A_389, %swap3A_390], %swap3A_393 {add = true, strides = array<i32>} : memref<32x1024xf32, #tpu.memory_space<vmem>>, vector<1x16xf32>,
        %get3A_394 = arith.index_cast %scan3A_358 : i32 to index
        %get3A_395 = arith.constant 64 : index
        %get3A_396 = tpu.vector_load %arg9[%get3A_394, %get3A_395] {strides = array<i32>} : memref<32x1024xf32, #tpu.memory_space<vmem>>, vector<1x16xf32>,
        %get3A_397 = vector.shape_cast %get3A_396 : vector<1x16xf32> to vector<16xf32>
        %swap3A_398 = arith.index_cast %scan3A_358 : i32 to index
        %swap3A_399 = arith.constant 64 : index
        %swap3A_400 = tpu.vector_load %arg8[%swap3A_398, %swap3A_399] {strides = array<i32>} : memref<32x1024xf32, #tpu.memory_space<vmem>>, vector<1x16xf32>,
        %swap3A_401 = vector.shape_cast %swap3A_400 : vector<1x16xf32> to vector<16xf32>
        %swap3A_402 = vector.shape_cast %get3A_397 : vector<16xf32> to vector<1x16xf32>
        tpu.vector_store %arg8[%swap3A_398, %swap3A_399], %swap3A_402 {add = true, strides = array<i32>} : memref<32x1024xf32, #tpu.memory_space<vmem>>, vector<1x16xf32>,
        %get3A_403 = arith.index_cast %scan3A_358 : i32 to index
        %get3A_404 = arith.constant 80 : index
        %get3A_405 = tpu.vector_load %arg9[%get3A_403, %get3A_404] {strides = array<i32>} : memref<32x1024xf32, #tpu.memory_space<vmem>>, vector<1x16xf32>,
        %get3A_406 = vector.shape_cast %get3A_405 : vector<1x16xf32> to vector<16xf32>
        %swap3A_407 = arith.index_cast %scan3A_358 : i32 to index
        %swap3A_408 = arith.constant 80 : index
        %swap3A_409 = tpu.vector_load %arg8[%swap3A_407, %swap3A_408] {strides = array<i32>} : memref<32x1024xf32, #tpu.memory_space<vmem>>, vector<1x16xf32>,
        %swap3A_410 = vector.shape_cast %swap3A_409 : vector<1x16xf32> to vector<16xf32>
        %swap3A_411 = vector.shape_cast %get3A_406 : vector<16xf32> to vector<1x16xf32>
        tpu.vector_store %arg8[%swap3A_407, %swap3A_408], %swap3A_411 {add = true, strides = array<i32>} : memref<32x1024xf32, #tpu.memory_space<vmem>>, vector<1x16xf32>,
        %get3A_412 = arith.index_cast %scan3A_358 : i32 to index
        %get3A_413 = arith.constant 96 : index
        %get3A_414 = tpu.vector_load %arg9[%get3A_412, %get3A_413] {strides = array<i32>} : memref<32x1024xf32, #tpu.memory_space<vmem>>, vector<1x16xf32>,
        %get3A_415 = vector.shape_cast %get3A_414 : vector<1x16xf32> to vector<16xf32>
        %swap3A_416 = arith.index_cast %scan3A_358 : i32 to index
        %swap3A_417 = arith.constant 96 : index
        %swap3A_418 = tpu.vector_load %arg8[%swap3A_416, %swap3A_417] {strides = array<i32>} : memref<32x1024xf32, #tpu.memory_space<vmem>>, vector<1x16xf32>,
        %swap3A_419 = vector.shape_cast %swap3A_418 : vector<1x16xf32> to vector<16xf32>
        %swap3A_420 = vector.shape_cast %get3A_415 : vector<16xf32> to vector<1x16xf32>
        tpu.vector_store %arg8[%swap3A_416, %swap3A_417], %swap3A_420 {add = true, strides = array<i32>} : memref<32x1024xf32, #tpu.memory_space<vmem>>, vector<1x16xf32>,
        %get3A_421 = arith.index_cast %scan3A_358 : i32 to index
        %get3A_422 = arith.constant 112 : index
        %get3A_423 = tpu.vector_load %arg9[%get3A_421, %get3A_422] {strides = array<i32>} : memref<32x1024xf32, #tpu.memory_space<vmem>>, vector<1x16xf32>,
        %get3A_424 = vector.shape_cast %get3A_423 : vector<1x16xf32> to vector<16xf32>
        %swap3A_425 = arith.index_cast %scan3A_358 : i32 to index
        %swap3A_426 = arith.constant 112 : index
        %swap3A_427 = tpu.vector_load %arg8[%swap3A_425, %swap3A_426] {strides = array<i32>} : memref<32x1024xf32, #tpu.memory_space<vmem>>, vector<1x16xf32>,
        %swap3A_428 = vector.shape_cast %swap3A_427 : vector<1x16xf32> to vector<16xf32>
        %swap3A_429 = vector.shape_cast %get3A_424 : vector<16xf32> to vector<1x16xf32>
        tpu.vector_store %arg8[%swap3A_425, %swap3A_426], %swap3A_429 {add = true, strides = array<i32>} : memref<32x1024xf32, #tpu.memory_space<vmem>>, vector<1x16xf32>,
        %get3A_430 = arith.index_cast %scan3A_358 : i32 to index
        %get3A_431 = arith.constant 128 : index
        %get3A_432 = tpu.vector_load %arg9[%get3A_430, %get3A_431] {strides = array<i32>} : memref<32x1024xf32, #tpu.memory_space<vmem>>, vector<1x16xf32>,
        %get3A_433 = vector.shape_cast %get3A_432 : vector<1x16xf32> to vector<16xf32>
        %swap3A_434 = arith.index_cast %scan3A_358 : i32 to index
        %swap3A_435 = arith.constant 128 : index
        %swap3A_436 = tpu.vector_load %arg8[%swap3A_434, %swap3A_435] {strides = array<i32>} : memref<32x1024xf32, #tpu.memory_space<vmem>>, vector<1x16xf32>,
        %swap3A_437 = vector.shape_cast %swap3A_436 : vector<1x16xf32> to vector<16xf32>
        %swap3A_438 = vector.shape_cast %get3A_433 : vector<16xf32> to vector<1x16xf32>
        tpu.vector_store %arg8[%swap3A_434, %swap3A_435], %swap3A_438 {add = true, strides = array<i32>} : memref<32x1024xf32, #tpu.memory_space<vmem>>, vector<1x16xf32>,
        %get3A_439 = arith.index_cast %scan3A_358 : i32 to index
        %get3A_440 = arith.constant 144 : index
        %get3A_441 = tpu.vector_load %arg9[%get3A_439, %get3A_440] {strides = array<i32>} : memref<32x1024xf32, #tpu.memory_space<vmem>>, vector<1x16xf32>,
        %get3A_442 = vector.shape_cast %get3A_441 : vector<1x16xf32> to vector<16xf32>
        %swap3A_443 = arith.index_cast %scan3A_358 : i32 to index
        %swap3A_444 = arith.constant 144 : index
        %swap3A_445 = tpu.vector_load %arg8[%swap3A_443, %swap3A_444] {strides = array<i32>} : memref<32x1024xf32, #tpu.memory_space<vmem>>, vector<1x16xf32>,
        %swap3A_446 = vector.shape_cast %swap3A_445 : vector<1x16xf32> to vector<16xf32>
        %swap3A_447 = vector.shape_cast %get3A_442 : vector<16xf32> to vector<1x16xf32>
        tpu.vector_store %arg8[%swap3A_443, %swap3A_444], %swap3A_447 {add = true, strides = array<i32>} : memref<32x1024xf32, #tpu.memory_space<vmem>>, vector<1x16xf32>,
        %get3A_448 = arith.index_cast %scan3A_358 : i32 to index
        %get3A_449 = arith.constant 160 : index
        %get3A_450 = tpu.vector_load %arg9[%get3A_448, %get3A_449] {strides = array<i32>} : memref<32x1024xf32, #tpu.memory_space<vmem>>, vector<1x16xf32>,
        %get3A_451 = vector.shape_cast %get3A_450 : vector<1x16xf32> to vector<16xf32>
        %swap3A_452 = arith.index_cast %scan3A_358 : i32 to index
        %swap3A_453 = arith.constant 160 : index
        %swap3A_454 = tpu.vector_load %arg8[%swap3A_452, %swap3A_453] {strides = array<i32>} : memref<32x1024xf32, #tpu.memory_space<vmem>>, vector<1x16xf32>,
        %swap3A_455 = vector.shape_cast %swap3A_454 : vector<1x16xf32> to vector<16xf32>
        %swap3A_456 = vector.shape_cast %get3A_451 : vector<16xf32> to vector<1x16xf32>
        tpu.vector_store %arg8[%swap3A_452, %swap3A_453], %swap3A_456 {add = true, strides = array<i32>} : memref<32x1024xf32, #tpu.memory_space<vmem>>, vector<1x16xf32>,
        %get3A_457 = arith.index_cast %scan3A_358 : i32 to index
        %get3A_458 = arith.constant 176 : index
        %get3A_459 = tpu.vector_load %arg9[%get3A_457, %get3A_458] {strides = array<i32>} : memref<32x1024xf32, #tpu.memory_space<vmem>>, vector<1x16xf32>,
        %get3A_460 = vector.shape_cast %get3A_459 : vector<1x16xf32> to vector<16xf32>
        %swap3A_461 = arith.index_cast %scan3A_358 : i32 to index
        %swap3A_462 = arith.constant 176 : index
        %swap3A_463 = tpu.vector_load %arg8[%swap3A_461, %swap3A_462] {strides = array<i32>} : memref<32x1024xf32, #tpu.memory_space<vmem>>, vector<1x16xf32>,
        %swap3A_464 = vector.shape_cast %swap3A_463 : vector<1x16xf32> to vector<16xf32>
        %swap3A_465 = vector.shape_cast %get3A_460 : vector<16xf32> to vector<1x16xf32>
        tpu.vector_store %arg8[%swap3A_461, %swap3A_462], %swap3A_465 {add = true, strides = array<i32>} : memref<32x1024xf32, #tpu.memory_space<vmem>>, vector<1x16xf32>,
        %get3A_466 = arith.index_cast %scan3A_358 : i32 to index
        %get3A_467 = arith.constant 192 : index
        %get3A_468 = tpu.vector_load %arg9[%get3A_466, %get3A_467] {strides = array<i32>} : memref<32x1024xf32, #tpu.memory_space<vmem>>, vector<1x16xf32>,
        %get3A_469 = vector.shape_cast %get3A_468 : vector<1x16xf32> to vector<16xf32>
        %swap3A_470 = arith.index_cast %scan3A_358 : i32 to index
        %swap3A_471 = arith.constant 192 : index
        %swap3A_472 = tpu.vector_load %arg8[%swap3A_470, %swap3A_471] {strides = array<i32>} : memref<32x1024xf32, #tpu.memory_space<vmem>>, vector<1x16xf32>,
        %swap3A_473 = vector.shape_cast %swap3A_472 : vector<1x16xf32> to vector<16xf32>
        %swap3A_474 = vector.shape_cast %get3A_469 : vector<16xf32> to vector<1x16xf32>
        tpu.vector_store %arg8[%swap3A_470, %swap3A_471], %swap3A_474 {add = true, strides = array<i32>} : memref<32x1024xf32, #tpu.memory_space<vmem>>, vector<1x16xf32>,
        %get3A_475 = arith.index_cast %scan3A_358 : i32 to index
        %get3A_476 = arith.constant 208 : index
        %get3A_477 = tpu.vector_load %arg9[%get3A_475, %get3A_476] {strides = array<i32>} : memref<32x1024xf32, #tpu.memory_space<vmem>>, vector<1x16xf32>,
        %get3A_478 = vector.shape_cast %get3A_477 : vector<1x16xf32> to vector<16xf32>
        %swap3A_479 = arith.index_cast %scan3A_358 : i32 to index
        %swap3A_480 = arith.constant 208 : index
        %swap3A_481 = tpu.vector_load %arg8[%swap3A_479, %swap3A_480] {strides = array<i32>} : memref<32x1024xf32, #tpu.memory_space<vmem>>, vector<1x16xf32>,
        %swap3A_482 = vector.shape_cast %swap3A_481 : vector<1x16xf32> to vector<16xf32>
        %swap3A_483 = vector.shape_cast %get3A_478 : vector<16xf32> to vector<1x16xf32>
        tpu.vector_store %arg8[%swap3A_479, %swap3A_480], %swap3A_483 {add = true, strides = array<i32>} : memref<32x1024xf32, #tpu.memory_space<vmem>>, vector<1x16xf32>,
        %get3A_484 = arith.index_cast %scan3A_358 : i32 to index
        %get3A_485 = arith.constant 224 : index
        %get3A_486 = tpu.vector_load %arg9[%get3A_484, %get3A_485] {strides = array<i32>} : memref<32x1024xf32, #tpu.memory_space<vmem>>, vector<1x16xf32>,
        %get3A_487 = vector.shape_cast %get3A_486 : vector<1x16xf32> to vector<16xf32>
        %swap3A_488 = arith.index_cast %scan3A_358 : i32 to index
        %swap3A_489 = arith.constant 224 : index
        %swap3A_490 = tpu.vector_load %arg8[%swap3A_488, %swap3A_489] {strides = array<i32>} : memref<32x1024xf32, #tpu.memory_space<vmem>>, vector<1x16xf32>,
        %swap3A_491 = vector.shape_cast %swap3A_490 : vector<1x16xf32> to vector<16xf32>
        %swap3A_492 = vector.shape_cast %get3A_487 : vector<16xf32> to vector<1x16xf32>
        tpu.vector_store %arg8[%swap3A_488, %swap3A_489], %swap3A_492 {add = true, strides = array<i32>} : memref<32x1024xf32, #tpu.memory_space<vmem>>, vector<1x16xf32>,
        %get3A_493 = arith.index_cast %scan3A_358 : i32 to index
        %get3A_494 = arith.constant 240 : index
        %get3A_495 = tpu.vector_load %arg9[%get3A_493, %get3A_494] {strides = array<i32>} : memref<32x1024xf32, #tpu.memory_space<vmem>>, vector<1x16xf32>,
        %get3A_496 = vector.shape_cast %get3A_495 : vector<1x16xf32> to vector<16xf32>
        %swap3A_497 = arith.index_cast %scan3A_358 : i32 to index
        %swap3A_498 = arith.constant 240 : index
        %swap3A_499 = tpu.vector_load %arg8[%swap3A_497, %swap3A_498] {strides = array<i32>} : memref<32x1024xf32, #tpu.memory_space<vmem>>, vector<1x16xf32>,
        %swap3A_500 = vector.shape_cast %swap3A_499 : vector<1x16xf32> to vector<16xf32>
        %swap3A_501 = vector.shape_cast %get3A_496 : vector<16xf32> to vector<1x16xf32>
        tpu.vector_store %arg8[%swap3A_497, %swap3A_498], %swap3A_501 {add = true, strides = array<i32>} : memref<32x1024xf32, #tpu.memory_space<vmem>>, vector<1x16xf32>,
        %get3A_502 = arith.index_cast %scan3A_358 : i32 to index
        %get3A_503 = arith.constant 256 : index
        %get3A_504 = tpu.vector_load %arg9[%get3A_502, %get3A_503] {strides = array<i32>} : memref<32x1024xf32, #tpu.memory_space<vmem>>, vector<1x16xf32>,
        %get3A_505 = vector.shape_cast %get3A_504 : vector<1x16xf32> to vector<16xf32>
        %swap3A_506 = arith.index_cast %scan3A_358 : i32 to index
        %swap3A_507 = arith.constant 256 : index
        %swap3A_508 = tpu.vector_load %arg8[%swap3A_506, %swap3A_507] {strides = array<i32>} : memref<32x1024xf32, #tpu.memory_space<vmem>>, vector<1x16xf32>,
        %swap3A_509 = vector.shape_cast %swap3A_508 : vector<1x16xf32> to vector<16xf32>
        %swap3A_510 = vector.shape_cast %get3A_505 : vector<16xf32> to vector<1x16xf32>
        tpu.vector_store %arg8[%swap3A_506, %swap3A_507], %swap3A_510 {add = true, strides = array<i32>} : memref<32x1024xf32, #tpu.memory_space<vmem>>, vector<1x16xf32>,
        %get3A_511 = arith.index_cast %scan3A_358 : i32 to index
        %get3A_512 = arith.constant 272 : index
        %get3A_513 = tpu.vector_load %arg9[%get3A_511, %get3A_512] {strides = array<i32>} : memref<32x1024xf32, #tpu.memory_space<vmem>>, vector<1x16xf32>,
        %get3A_514 = vector.shape_cast %get3A_513 : vector<1x16xf32> to vector<16xf32>
        %swap3A_515 = arith.index_cast %scan3A_358 : i32 to index
        %swap3A_516 = arith.constant 272 : index
        %swap3A_517 = tpu.vector_load %arg8[%swap3A_515, %swap3A_516] {strides = array<i32>} : memref<32x1024xf32, #tpu.memory_space<vmem>>, vector<1x16xf32>,
        %swap3A_518 = vector.shape_cast %swap3A_517 : vector<1x16xf32> to vector<16xf32>
        %swap3A_519 = vector.shape_cast %get3A_514 : vector<16xf32> to vector<1x16xf32>
        tpu.vector_store %arg8[%swap3A_515, %swap3A_516], %swap3A_519 {add = true, strides = array<i32>} : memref<32x1024xf32, #tpu.memory_space<vmem>>, vector<1x16xf32>,
        %get3A_520 = arith.index_cast %scan3A_358 : i32 to index
        %get3A_521 = arith.constant 288 : index
        %get3A_522 = tpu.vector_load %arg9[%get3A_520, %get3A_521] {strides = array<i32>} : memref<32x1024xf32, #tpu.memory_space<vmem>>, vector<1x16xf32>,
        %get3A_523 = vector.shape_cast %get3A_522 : vector<1x16xf32> to vector<16xf32>
        %swap3A_524 = arith.index_cast %scan3A_358 : i32 to index
        %swap3A_525 = arith.constant 288 : index
        %swap3A_526 = tpu.vector_load %arg8[%swap3A_524, %swap3A_525] {strides = array<i32>} : memref<32x1024xf32, #tpu.memory_space<vmem>>, vector<1x16xf32>,
        %swap3A_527 = vector.shape_cast %swap3A_526 : vector<1x16xf32> to vector<16xf32>
        %swap3A_528 = vector.shape_cast %get3A_523 : vector<16xf32> to vector<1x16xf32>
        tpu.vector_store %arg8[%swap3A_524, %swap3A_525], %swap3A_528 {add = true, strides = array<i32>} : memref<32x1024xf32, #tpu.memory_space<vmem>>, vector<1x16xf32>,
        %get3A_529 = arith.index_cast %scan3A_358 : i32 to index
        %get3A_530 = arith.constant 304 : index
        %get3A_531 = tpu.vector_load %arg9[%get3A_529, %get3A_530] {strides = array<i32>} : memref<32x1024xf32, #tpu.memory_space<vmem>>, vector<1x16xf32>,
        %get3A_532 = vector.shape_cast %get3A_531 : vector<1x16xf32> to vector<16xf32>
        %swap3A_533 = arith.index_cast %scan3A_358 : i32 to index
        %swap3A_534 = arith.constant 304 : index
        %swap3A_535 = tpu.vector_load %arg8[%swap3A_533, %swap3A_534] {strides = array<i32>} : memref<32x1024xf32, #tpu.memory_space<vmem>>, vector<1x16xf32>,
        %swap3A_536 = vector.shape_cast %swap3A_535 : vector<1x16xf32> to vector<16xf32>
        %swap3A_537 = vector.shape_cast %get3A_532 : vector<16xf32> to vector<1x16xf32>
        tpu.vector_store %arg8[%swap3A_533, %swap3A_534], %swap3A_537 {add = true, strides = array<i32>} : memref<32x1024xf32, #tpu.memory_space<vmem>>, vector<1x16xf32>,
        %get3A_538 = arith.index_cast %scan3A_358 : i32 to index
        %get3A_539 = arith.constant 320 : index
        %get3A_540 = tpu.vector_load %arg9[%get3A_538, %get3A_539] {strides = array<i32>} : memref<32x1024xf32, #tpu.memory_space<vmem>>, vector<1x16xf32>,
        %get3A_541 = vector.shape_cast %get3A_540 : vector<1x16xf32> to vector<16xf32>
        %swap3A_542 = arith.index_cast %scan3A_358 : i32 to index
        %swap3A_543 = arith.constant 320 : index
        %swap3A_544 = tpu.vector_load %arg8[%swap3A_542, %swap3A_543] {strides = array<i32>} : memref<32x1024xf32, #tpu.memory_space<vmem>>, vector<1x16xf32>,
        %swap3A_545 = vector.shape_cast %swap3A_544 : vector<1x16xf32> to vector<16xf32>
        %swap3A_546 = vector.shape_cast %get3A_541 : vector<16xf32> to vector<1x16xf32>
        tpu.vector_store %arg8[%swap3A_542, %swap3A_543], %swap3A_546 {add = true, strides = array<i32>} : memref<32x1024xf32, #tpu.memory_space<vmem>>, vector<1x16xf32>,
        %get3A_547 = arith.index_cast %scan3A_358 : i32 to index
        %get3A_548 = arith.constant 336 : index
        %get3A_549 = tpu.vector_load %arg9[%get3A_547, %get3A_548] {strides = array<i32>} : memref<32x1024xf32, #tpu.memory_space<vmem>>, vector<1x16xf32>,
        %get3A_550 = vector.shape_cast %get3A_549 : vector<1x16xf32> to vector<16xf32>
        %swap3A_551 = arith.index_cast %scan3A_358 : i32 to index
        %swap3A_552 = arith.constant 336 : index
        %swap3A_553 = tpu.vector_load %arg8[%swap3A_551, %swap3A_552] {strides = array<i32>} : memref<32x1024xf32, #tpu.memory_space<vmem>>, vector<1x16xf32>,
        %swap3A_554 = vector.shape_cast %swap3A_553 : vector<1x16xf32> to vector<16xf32>
        %swap3A_555 = vector.shape_cast %get3A_550 : vector<16xf32> to vector<1x16xf32>
        tpu.vector_store %arg8[%swap3A_551, %swap3A_552], %swap3A_555 {add = true, strides = array<i32>} : memref<32x1024xf32, #tpu.memory_space<vmem>>, vector<1x16xf32>,
        %get3A_556 = arith.index_cast %scan3A_358 : i32 to index
        %get3A_557 = arith.constant 352 : index
        %get3A_558 = tpu.vector_load %arg9[%get3A_556, %get3A_557] {strides = array<i32>} : memref<32x1024xf32, #tpu.memory_space<vmem>>, vector<1x16xf32>,
        %get3A_559 = vector.shape_cast %get3A_558 : vector<1x16xf32> to vector<16xf32>
        %swap3A_560 = arith.index_cast %scan3A_358 : i32 to index
        %swap3A_561 = arith.constant 352 : index
        %swap3A_562 = tpu.vector_load %arg8[%swap3A_560, %swap3A_561] {strides = array<i32>} : memref<32x1024xf32, #tpu.memory_space<vmem>>, vector<1x16xf32>,
        %swap3A_563 = vector.shape_cast %swap3A_562 : vector<1x16xf32> to vector<16xf32>
        %swap3A_564 = vector.shape_cast %get3A_559 : vector<16xf32> to vector<1x16xf32>
        tpu.vector_store %arg8[%swap3A_560, %swap3A_561], %swap3A_564 {add = true, strides = array<i32>} : memref<32x1024xf32, #tpu.memory_space<vmem>>, vector<1x16xf32>,
        %get3A_565 = arith.index_cast %scan3A_358 : i32 to index
        %get3A_566 = arith.constant 368 : index
        %get3A_567 = tpu.vector_load %arg9[%get3A_565, %get3A_566] {strides = array<i32>} : memref<32x1024xf32, #tpu.memory_space<vmem>>, vector<1x16xf32>,
        %get3A_568 = vector.shape_cast %get3A_567 : vector<1x16xf32> to vector<16xf32>
        %swap3A_569 = arith.index_cast %scan3A_358 : i32 to index
        %swap3A_570 = arith.constant 368 : index
        %swap3A_571 = tpu.vector_load %arg8[%swap3A_569, %swap3A_570] {strides = array<i32>} : memref<32x1024xf32, #tpu.memory_space<vmem>>, vector<1x16xf32>,
        %swap3A_572 = vector.shape_cast %swap3A_571 : vector<1x16xf32> to vector<16xf32>
        %swap3A_573 = vector.shape_cast %get3A_568 : vector<16xf32> to vector<1x16xf32>
        tpu.vector_store %arg8[%swap3A_569, %swap3A_570], %swap3A_573 {add = true, strides = array<i32>} : memref<32x1024xf32, #tpu.memory_space<vmem>>, vector<1x16xf32>,
        %get3A_574 = arith.index_cast %scan3A_358 : i32 to index
        %get3A_575 = arith.constant 384 : index
        %get3A_576 = tpu.vector_load %arg9[%get3A_574, %get3A_575] {strides = array<i32>} : memref<32x1024xf32, #tpu.memory_space<vmem>>, vector<1x16xf32>,
        %get3A_577 = vector.shape_cast %get3A_576 : vector<1x16xf32> to vector<16xf32>
        %swap3A_578 = arith.index_cast %scan3A_358 : i32 to index
        %swap3A_579 = arith.constant 384 : index
        %swap3A_580 = tpu.vector_load %arg8[%swap3A_578, %swap3A_579] {strides = array<i32>} : memref<32x1024xf32, #tpu.memory_space<vmem>>, vector<1x16xf32>,
        %swap3A_581 = vector.shape_cast %swap3A_580 : vector<1x16xf32> to vector<16xf32>
        %swap3A_582 = vector.shape_cast %get3A_577 : vector<16xf32> to vector<1x16xf32>
        tpu.vector_store %arg8[%swap3A_578, %swap3A_579], %swap3A_582 {add = true, strides = array<i32>} : memref<32x1024xf32, #tpu.memory_space<vmem>>, vector<1x16xf32>,
        %get3A_583 = arith.index_cast %scan3A_358 : i32 to index
        %get3A_584 = arith.constant 400 : index
        %get3A_585 = tpu.vector_load %arg9[%get3A_583, %get3A_584] {strides = array<i32>} : memref<32x1024xf32, #tpu.memory_space<vmem>>, vector<1x16xf32>,
        %get3A_586 = vector.shape_cast %get3A_585 : vector<1x16xf32> to vector<16xf32>
        %swap3A_587 = arith.index_cast %scan3A_358 : i32 to index
        %swap3A_588 = arith.constant 400 : index
        %swap3A_589 = tpu.vector_load %arg8[%swap3A_587, %swap3A_588] {strides = array<i32>} : memref<32x1024xf32, #tpu.memory_space<vmem>>, vector<1x16xf32>,
        %swap3A_590 = vector.shape_cast %swap3A_589 : vector<1x16xf32> to vector<16xf32>
        %swap3A_591 = vector.shape_cast %get3A_586 : vector<16xf32> to vector<1x16xf32>
        tpu.vector_store %arg8[%swap3A_587, %swap3A_588], %swap3A_591 {add = true, strides = array<i32>} : memref<32x1024xf32, #tpu.memory_space<vmem>>, vector<1x16xf32>,
        %get3A_592 = arith.index_cast %scan3A_358 : i32 to index
        %get3A_593 = arith.constant 416 : index
        %get3A_594 = tpu.vector_load %arg9[%get3A_592, %get3A_593] {strides = array<i32>} : memref<32x1024xf32, #tpu.memory_space<vmem>>, vector<1x16xf32>,
        %get3A_595 = vector.shape_cast %get3A_594 : vector<1x16xf32> to vector<16xf32>
        %swap3A_596 = arith.index_cast %scan3A_358 : i32 to index
        %swap3A_597 = arith.constant 416 : index
        %swap3A_598 = tpu.vector_load %arg8[%swap3A_596, %swap3A_597] {strides = array<i32>} : memref<32x1024xf32, #tpu.memory_space<vmem>>, vector<1x16xf32>,
        %swap3A_599 = vector.shape_cast %swap3A_598 : vector<1x16xf32> to vector<16xf32>
        %swap3A_600 = vector.shape_cast %get3A_595 : vector<16xf32> to vector<1x16xf32>
        tpu.vector_store %arg8[%swap3A_596, %swap3A_597], %swap3A_600 {add = true, strides = array<i32>} : memref<32x1024xf32, #tpu.memory_space<vmem>>, vector<1x16xf32>,
        %get3A_601 = arith.index_cast %scan3A_358 : i32 to index
        %get3A_602 = arith.constant 432 : index
        %get3A_603 = tpu.vector_load %arg9[%get3A_601, %get3A_602] {strides = array<i32>} : memref<32x1024xf32, #tpu.memory_space<vmem>>, vector<1x16xf32>,
        %get3A_604 = vector.shape_cast %get3A_603 : vector<1x16xf32> to vector<16xf32>
        %swap3A_605 = arith.index_cast %scan3A_358 : i32 to index
        %swap3A_606 = arith.constant 432 : index
        %swap3A_607 = tpu.vector_load %arg8[%swap3A_605, %swap3A_606] {strides = array<i32>} : memref<32x1024xf32, #tpu.memory_space<vmem>>, vector<1x16xf32>,
        %swap3A_608 = vector.shape_cast %swap3A_607 : vector<1x16xf32> to vector<16xf32>
        %swap3A_609 = vector.shape_cast %get3A_604 : vector<16xf32> to vector<1x16xf32>
        tpu.vector_store %arg8[%swap3A_605, %swap3A_606], %swap3A_609 {add = true, strides = array<i32>} : memref<32x1024xf32, #tpu.memory_space<vmem>>, vector<1x16xf32>,
        %get3A_610 = arith.index_cast %scan3A_358 : i32 to index
        %get3A_611 = arith.constant 448 : index
        %get3A_612 = tpu.vector_load %arg9[%get3A_610, %get3A_611] {strides = array<i32>} : memref<32x1024xf32, #tpu.memory_space<vmem>>, vector<1x16xf32>,
        %get3A_613 = vector.shape_cast %get3A_612 : vector<1x16xf32> to vector<16xf32>
        %swap3A_614 = arith.index_cast %scan3A_358 : i32 to index
        %swap3A_615 = arith.constant 448 : index
        %swap3A_616 = tpu.vector_load %arg8[%swap3A_614, %swap3A_615] {strides = array<i32>} : memref<32x1024xf32, #tpu.memory_space<vmem>>, vector<1x16xf32>,
        %swap3A_617 = vector.shape_cast %swap3A_616 : vector<1x16xf32> to vector<16xf32>
        %swap3A_618 = vector.shape_cast %get3A_613 : vector<16xf32> to vector<1x16xf32>
        tpu.vector_store %arg8[%swap3A_614, %swap3A_615], %swap3A_618 {add = true, strides = array<i32>} : memref<32x1024xf32, #tpu.memory_space<vmem>>, vector<1x16xf32>,
        %get3A_619 = arith.index_cast %scan3A_358 : i32 to index
        %get3A_620 = arith.constant 464 : index
        %get3A_621 = tpu.vector_load %arg9[%get3A_619, %get3A_620] {strides = array<i32>} : memref<32x1024xf32, #tpu.memory_space<vmem>>, vector<1x16xf32>,
        %get3A_622 = vector.shape_cast %get3A_621 : vector<1x16xf32> to vector<16xf32>
        %swap3A_623 = arith.index_cast %scan3A_358 : i32 to index
        %swap3A_624 = arith.constant 464 : index
        %swap3A_625 = tpu.vector_load %arg8[%swap3A_623, %swap3A_624] {strides = array<i32>} : memref<32x1024xf32, #tpu.memory_space<vmem>>, vector<1x16xf32>,
        %swap3A_626 = vector.shape_cast %swap3A_625 : vector<1x16xf32> to vector<16xf32>
        %swap3A_627 = vector.shape_cast %get3A_622 : vector<16xf32> to vector<1x16xf32>
        tpu.vector_store %arg8[%swap3A_623, %swap3A_624], %swap3A_627 {add = true, strides = array<i32>} : memref<32x1024xf32, #tpu.memory_space<vmem>>, vector<1x16xf32>,
        %get3A_628 = arith.index_cast %scan3A_358 : i32 to index
        %get3A_629 = arith.constant 480 : index
        %get3A_630 = tpu.vector_load %arg9[%get3A_628, %get3A_629] {strides = array<i32>} : memref<32x1024xf32, #tpu.memory_space<vmem>>, vector<1x16xf32>,
        %get3A_631 = vector.shape_cast %get3A_630 : vector<1x16xf32> to vector<16xf32>
        %swap3A_632 = arith.index_cast %scan3A_358 : i32 to index
        %swap3A_633 = arith.constant 480 : index
        %swap3A_634 = tpu.vector_load %arg8[%swap3A_632, %swap3A_633] {strides = array<i32>} : memref<32x1024xf32, #tpu.memory_space<vmem>>, vector<1x16xf32>,
        %swap3A_635 = vector.shape_cast %swap3A_634 : vector<1x16xf32> to vector<16xf32>
        %swap3A_636 = vector.shape_cast %get3A_631 : vector<16xf32> to vector<1x16xf32>
        tpu.vector_store %arg8[%swap3A_632, %swap3A_633], %swap3A_636 {add = true, strides = array<i32>} : memref<32x1024xf32, #tpu.memory_space<vmem>>, vector<1x16xf32>,
        %get3A_637 = arith.index_cast %scan3A_358 : i32 to index
        %get3A_638 = arith.constant 496 : index
        %get3A_639 = tpu.vector_load %arg9[%get3A_637, %get3A_638] {strides = array<i32>} : memref<32x1024xf32, #tpu.memory_space<vmem>>, vector<1x16xf32>,
        %get3A_640 = vector.shape_cast %get3A_639 : vector<1x16xf32> to vector<16xf32>
        %swap3A_641 = arith.index_cast %scan3A_358 : i32 to index
        %swap3A_642 = arith.constant 496 : index
        %swap3A_643 = tpu.vector_load %arg8[%swap3A_641, %swap3A_642] {strides = array<i32>} : memref<32x1024xf32, #tpu.memory_space<vmem>>, vector<1x16xf32>,
        %swap3A_644 = vector.shape_cast %swap3A_643 : vector<1x16xf32> to vector<16xf32>
        %swap3A_645 = vector.shape_cast %get3A_640 : vector<16xf32> to vector<1x16xf32>
        tpu.vector_store %arg8[%swap3A_641, %swap3A_642], %swap3A_645 {add = true, strides = array<i32>} : memref<32x1024xf32, #tpu.memory_space<vmem>>, vector<1x16xf32>,
        %get3A_646 = arith.index_cast %scan3A_358 : i32 to index
        %get3A_647 = arith.constant 512 : index
        %get3A_648 = tpu.vector_load %arg9[%get3A_646, %get3A_647] {strides = array<i32>} : memref<32x1024xf32, #tpu.memory_space<vmem>>, vector<1x16xf32>,
        %get3A_649 = vector.shape_cast %get3A_648 : vector<1x16xf32> to vector<16xf32>
        %swap3A_650 = arith.index_cast %scan3A_358 : i32 to index
        %swap3A_651 = arith.constant 512 : index
        %swap3A_652 = tpu.vector_load %arg8[%swap3A_650, %swap3A_651] {strides = array<i32>} : memref<32x1024xf32, #tpu.memory_space<vmem>>, vector<1x16xf32>,
        %swap3A_653 = vector.shape_cast %swap3A_652 : vector<1x16xf32> to vector<16xf32>
        %swap3A_654 = vector.shape_cast %get3A_649 : vector<16xf32> to vector<1x16xf32>
        tpu.vector_store %arg8[%swap3A_650, %swap3A_651], %swap3A_654 {add = true, strides = array<i32>} : memref<32x1024xf32, #tpu.memory_space<vmem>>, vector<1x16xf32>,
        %get3A_655 = arith.index_cast %scan3A_358 : i32 to index
        %get3A_656 = arith.constant 528 : index
        %get3A_657 = tpu.vector_load %arg9[%get3A_655, %get3A_656] {strides = array<i32>} : memref<32x1024xf32, #tpu.memory_space<vmem>>, vector<1x16xf32>,
        %get3A_658 = vector.shape_cast %get3A_657 : vector<1x16xf32> to vector<16xf32>
        %swap3A_659 = arith.index_cast %scan3A_358 : i32 to index
        %swap3A_660 = arith.constant 528 : index
        %swap3A_661 = tpu.vector_load %arg8[%swap3A_659, %swap3A_660] {strides = array<i32>} : memref<32x1024xf32, #tpu.memory_space<vmem>>, vector<1x16xf32>,
        %swap3A_662 = vector.shape_cast %swap3A_661 : vector<1x16xf32> to vector<16xf32>
        %swap3A_663 = vector.shape_cast %get3A_658 : vector<16xf32> to vector<1x16xf32>
        tpu.vector_store %arg8[%swap3A_659, %swap3A_660], %swap3A_663 {add = true, strides = array<i32>} : memref<32x1024xf32, #tpu.memory_space<vmem>>, vector<1x16xf32>,
        %get3A_664 = arith.index_cast %scan3A_358 : i32 to index
        %get3A_665 = arith.constant 544 : index
        %get3A_666 = tpu.vector_load %arg9[%get3A_664, %get3A_665] {strides = array<i32>} : memref<32x1024xf32, #tpu.memory_space<vmem>>, vector<1x16xf32>,
        %get3A_667 = vector.shape_cast %get3A_666 : vector<1x16xf32> to vector<16xf32>
        %swap3A_668 = arith.index_cast %scan3A_358 : i32 to index
        %swap3A_669 = arith.constant 544 : index
        %swap3A_670 = tpu.vector_load %arg8[%swap3A_668, %swap3A_669] {strides = array<i32>} : memref<32x1024xf32, #tpu.memory_space<vmem>>, vector<1x16xf32>,
        %swap3A_671 = vector.shape_cast %swap3A_670 : vector<1x16xf32> to vector<16xf32>
        %swap3A_672 = vector.shape_cast %get3A_667 : vector<16xf32> to vector<1x16xf32>
        tpu.vector_store %arg8[%swap3A_668, %swap3A_669], %swap3A_672 {add = true, strides = array<i32>} : memref<32x1024xf32, #tpu.memory_space<vmem>>, vector<1x16xf32>,
        %get3A_673 = arith.index_cast %scan3A_358 : i32 to index
        %get3A_674 = arith.constant 560 : index
        %get3A_675 = tpu.vector_load %arg9[%get3A_673, %get3A_674] {strides = array<i32>} : memref<32x1024xf32, #tpu.memory_space<vmem>>, vector<1x16xf32>,
        %get3A_676 = vector.shape_cast %get3A_675 : vector<1x16xf32> to vector<16xf32>
        %swap3A_677 = arith.index_cast %scan3A_358 : i32 to index
        %swap3A_678 = arith.constant 560 : index
        %swap3A_679 = tpu.vector_load %arg8[%swap3A_677, %swap3A_678] {strides = array<i32>} : memref<32x1024xf32, #tpu.memory_space<vmem>>, vector<1x16xf32>,
        %swap3A_680 = vector.shape_cast %swap3A_679 : vector<1x16xf32> to vector<16xf32>
        %swap3A_681 = vector.shape_cast %get3A_676 : vector<16xf32> to vector<1x16xf32>
        tpu.vector_store %arg8[%swap3A_677, %swap3A_678], %swap3A_681 {add = true, strides = array<i32>} : memref<32x1024xf32, #tpu.memory_space<vmem>>, vector<1x16xf32>,
        %get3A_682 = arith.index_cast %scan3A_358 : i32 to index
        %get3A_683 = arith.constant 576 : index
        %get3A_684 = tpu.vector_load %arg9[%get3A_682, %get3A_683] {strides = array<i32>} : memref<32x1024xf32, #tpu.memory_space<vmem>>, vector<1x16xf32>,
        %get3A_685 = vector.shape_cast %get3A_684 : vector<1x16xf32> to vector<16xf32>
        %swap3A_686 = arith.index_cast %scan3A_358 : i32 to index
        %swap3A_687 = arith.constant 576 : index
        %swap3A_688 = tpu.vector_load %arg8[%swap3A_686, %swap3A_687] {strides = array<i32>} : memref<32x1024xf32, #tpu.memory_space<vmem>>, vector<1x16xf32>,
        %swap3A_689 = vector.shape_cast %swap3A_688 : vector<1x16xf32> to vector<16xf32>
        %swap3A_690 = vector.shape_cast %get3A_685 : vector<16xf32> to vector<1x16xf32>
        tpu.vector_store %arg8[%swap3A_686, %swap3A_687], %swap3A_690 {add = true, strides = array<i32>} : memref<32x1024xf32, #tpu.memory_space<vmem>>, vector<1x16xf32>,
        %get3A_691 = arith.index_cast %scan3A_358 : i32 to index
        %get3A_692 = arith.constant 592 : index
        %get3A_693 = tpu.vector_load %arg9[%get3A_691, %get3A_692] {strides = array<i32>} : memref<32x1024xf32, #tpu.memory_space<vmem>>, vector<1x16xf32>,
        %get3A_694 = vector.shape_cast %get3A_693 : vector<1x16xf32> to vector<16xf32>
        %swap3A_695 = arith.index_cast %scan3A_358 : i32 to index
        %swap3A_696 = arith.constant 592 : index
        %swap3A_697 = tpu.vector_load %arg8[%swap3A_695, %swap3A_696] {strides = array<i32>} : memref<32x1024xf32, #tpu.memory_space<vmem>>, vector<1x16xf32>,
        %swap3A_698 = vector.shape_cast %swap3A_697 : vector<1x16xf32> to vector<16xf32>
        %swap3A_699 = vector.shape_cast %get3A_694 : vector<16xf32> to vector<1x16xf32>
        tpu.vector_store %arg8[%swap3A_695, %swap3A_696], %swap3A_699 {add = true, strides = array<i32>} : memref<32x1024xf32, #tpu.memory_space<vmem>>, vector<1x16xf32>,
        %get3A_700 = arith.index_cast %scan3A_358 : i32 to index
        %get3A_701 = arith.constant 608 : index
        %get3A_702 = tpu.vector_load %arg9[%get3A_700, %get3A_701] {strides = array<i32>} : memref<32x1024xf32, #tpu.memory_space<vmem>>, vector<1x16xf32>,
        %get3A_703 = vector.shape_cast %get3A_702 : vector<1x16xf32> to vector<16xf32>
        %swap3A_704 = arith.index_cast %scan3A_358 : i32 to index
        %swap3A_705 = arith.constant 608 : index
        %swap3A_706 = tpu.vector_load %arg8[%swap3A_704, %swap3A_705] {strides = array<i32>} : memref<32x1024xf32, #tpu.memory_space<vmem>>, vector<1x16xf32>,
        %swap3A_707 = vector.shape_cast %swap3A_706 : vector<1x16xf32> to vector<16xf32>
        %swap3A_708 = vector.shape_cast %get3A_703 : vector<16xf32> to vector<1x16xf32>
        tpu.vector_store %arg8[%swap3A_704, %swap3A_705], %swap3A_708 {add = true, strides = array<i32>} : memref<32x1024xf32, #tpu.memory_space<vmem>>, vector<1x16xf32>,
        %get3A_709 = arith.index_cast %scan3A_358 : i32 to index
        %get3A_710 = arith.constant 624 : index
        %get3A_711 = tpu.vector_load %arg9[%get3A_709, %get3A_710] {strides = array<i32>} : memref<32x1024xf32, #tpu.memory_space<vmem>>, vector<1x16xf32>,
        %get3A_712 = vector.shape_cast %get3A_711 : vector<1x16xf32> to vector<16xf32>
        %swap3A_713 = arith.index_cast %scan3A_358 : i32 to index
        %swap3A_714 = arith.constant 624 : index
        %swap3A_715 = tpu.vector_load %arg8[%swap3A_713, %swap3A_714] {strides = array<i32>} : memref<32x1024xf32, #tpu.memory_space<vmem>>, vector<1x16xf32>,
        %swap3A_716 = vector.shape_cast %swap3A_715 : vector<1x16xf32> to vector<16xf32>
        %swap3A_717 = vector.shape_cast %get3A_712 : vector<16xf32> to vector<1x16xf32>
        tpu.vector_store %arg8[%swap3A_713, %swap3A_714], %swap3A_717 {add = true, strides = array<i32>} : memref<32x1024xf32, #tpu.memory_space<vmem>>, vector<1x16xf32>,
        %get3A_718 = arith.index_cast %scan3A_358 : i32 to index
        %get3A_719 = arith.constant 640 : index
        %get3A_720 = tpu.vector_load %arg9[%get3A_718, %get3A_719] {strides = array<i32>} : memref<32x1024xf32, #tpu.memory_space<vmem>>, vector<1x16xf32>,
        %get3A_721 = vector.shape_cast %get3A_720 : vector<1x16xf32> to vector<16xf32>
        %swap3A_722 = arith.index_cast %scan3A_358 : i32 to index
        %swap3A_723 = arith.constant 640 : index
        %swap3A_724 = tpu.vector_load %arg8[%swap3A_722, %swap3A_723] {strides = array<i32>} : memref<32x1024xf32, #tpu.memory_space<vmem>>, vector<1x16xf32>,
        %swap3A_725 = vector.shape_cast %swap3A_724 : vector<1x16xf32> to vector<16xf32>
        %swap3A_726 = vector.shape_cast %get3A_721 : vector<16xf32> to vector<1x16xf32>
        tpu.vector_store %arg8[%swap3A_722, %swap3A_723], %swap3A_726 {add = true, strides = array<i32>} : memref<32x1024xf32, #tpu.memory_space<vmem>>, vector<1x16xf32>,
        %get3A_727 = arith.index_cast %scan3A_358 : i32 to index
        %get3A_728 = arith.constant 656 : index
        %get3A_729 = tpu.vector_load %arg9[%get3A_727, %get3A_728] {strides = array<i32>} : memref<32x1024xf32, #tpu.memory_space<vmem>>, vector<1x16xf32>,
        %get3A_730 = vector.shape_cast %get3A_729 : vector<1x16xf32> to vector<16xf32>
        %swap3A_731 = arith.index_cast %scan3A_358 : i32 to index
        %swap3A_732 = arith.constant 656 : index
        %swap3A_733 = tpu.vector_load %arg8[%swap3A_731, %swap3A_732] {strides = array<i32>} : memref<32x1024xf32, #tpu.memory_space<vmem>>, vector<1x16xf32>,
        %swap3A_734 = vector.shape_cast %swap3A_733 : vector<1x16xf32> to vector<16xf32>
        %swap3A_735 = vector.shape_cast %get3A_730 : vector<16xf32> to vector<1x16xf32>
        tpu.vector_store %arg8[%swap3A_731, %swap3A_732], %swap3A_735 {add = true, strides = array<i32>} : memref<32x1024xf32, #tpu.memory_space<vmem>>, vector<1x16xf32>,
        %get3A_736 = arith.index_cast %scan3A_358 : i32 to index
        %get3A_737 = arith.constant 672 : index
        %get3A_738 = tpu.vector_load %arg9[%get3A_736, %get3A_737] {strides = array<i32>} : memref<32x1024xf32, #tpu.memory_space<vmem>>, vector<1x16xf32>,
        %get3A_739 = vector.shape_cast %get3A_738 : vector<1x16xf32> to vector<16xf32>
        %swap3A_740 = arith.index_cast %scan3A_358 : i32 to index
        %swap3A_741 = arith.constant 672 : index
        %swap3A_742 = tpu.vector_load %arg8[%swap3A_740, %swap3A_741] {strides = array<i32>} : memref<32x1024xf32, #tpu.memory_space<vmem>>, vector<1x16xf32>,
        %swap3A_743 = vector.shape_cast %swap3A_742 : vector<1x16xf32> to vector<16xf32>
        %swap3A_744 = vector.shape_cast %get3A_739 : vector<16xf32> to vector<1x16xf32>
        tpu.vector_store %arg8[%swap3A_740, %swap3A_741], %swap3A_744 {add = true, strides = array<i32>} : memref<32x1024xf32, #tpu.memory_space<vmem>>, vector<1x16xf32>,
        %get3A_745 = arith.index_cast %scan3A_358 : i32 to index
        %get3A_746 = arith.constant 688 : index
        %get3A_747 = tpu.vector_load %arg9[%get3A_745, %get3A_746] {strides = array<i32>} : memref<32x1024xf32, #tpu.memory_space<vmem>>, vector<1x16xf32>,
        %get3A_748 = vector.shape_cast %get3A_747 : vector<1x16xf32> to vector<16xf32>
        %swap3A_749 = arith.index_cast %scan3A_358 : i32 to index
        %swap3A_750 = arith.constant 688 : index
        %swap3A_751 = tpu.vector_load %arg8[%swap3A_749, %swap3A_750] {strides = array<i32>} : memref<32x1024xf32, #tpu.memory_space<vmem>>, vector<1x16xf32>,
        %swap3A_752 = vector.shape_cast %swap3A_751 : vector<1x16xf32> to vector<16xf32>
        %swap3A_753 = vector.shape_cast %get3A_748 : vector<16xf32> to vector<1x16xf32>
        tpu.vector_store %arg8[%swap3A_749, %swap3A_750], %swap3A_753 {add = true, strides = array<i32>} : memref<32x1024xf32, #tpu.memory_space<vmem>>, vector<1x16xf32>,
        %get3A_754 = arith.index_cast %scan3A_358 : i32 to index
        %get3A_755 = arith.constant 704 : index
        %get3A_756 = tpu.vector_load %arg9[%get3A_754, %get3A_755] {strides = array<i32>} : memref<32x1024xf32, #tpu.memory_space<vmem>>, vector<1x16xf32>,
        %get3A_757 = vector.shape_cast %get3A_756 : vector<1x16xf32> to vector<16xf32>
        %swap3A_758 = arith.index_cast %scan3A_358 : i32 to index
        %swap3A_759 = arith.constant 704 : index
        %swap3A_760 = tpu.vector_load %arg8[%swap3A_758, %swap3A_759] {strides = array<i32>} : memref<32x1024xf32, #tpu.memory_space<vmem>>, vector<1x16xf32>,
        %swap3A_761 = vector.shape_cast %swap3A_760 : vector<1x16xf32> to vector<16xf32>
        %swap3A_762 = vector.shape_cast %get3A_757 : vector<16xf32> to vector<1x16xf32>
        tpu.vector_store %arg8[%swap3A_758, %swap3A_759], %swap3A_762 {add = true, strides = array<i32>} : memref<32x1024xf32, #tpu.memory_space<vmem>>, vector<1x16xf32>,
        %get3A_763 = arith.index_cast %scan3A_358 : i32 to index
        %get3A_764 = arith.constant 720 : index
        %get3A_765 = tpu.vector_load %arg9[%get3A_763, %get3A_764] {strides = array<i32>} : memref<32x1024xf32, #tpu.memory_space<vmem>>, vector<1x16xf32>,
        %get3A_766 = vector.shape_cast %get3A_765 : vector<1x16xf32> to vector<16xf32>
        %swap3A_767 = arith.index_cast %scan3A_358 : i32 to index
        %swap3A_768 = arith.constant 720 : index
        %swap3A_769 = tpu.vector_load %arg8[%swap3A_767, %swap3A_768] {strides = array<i32>} : memref<32x1024xf32, #tpu.memory_space<vmem>>, vector<1x16xf32>,
        %swap3A_770 = vector.shape_cast %swap3A_769 : vector<1x16xf32> to vector<16xf32>
        %swap3A_771 = vector.shape_cast %get3A_766 : vector<16xf32> to vector<1x16xf32>
        tpu.vector_store %arg8[%swap3A_767, %swap3A_768], %swap3A_771 {add = true, strides = array<i32>} : memref<32x1024xf32, #tpu.memory_space<vmem>>, vector<1x16xf32>,
        %get3A_772 = arith.index_cast %scan3A_358 : i32 to index
        %get3A_773 = arith.constant 736 : index
        %get3A_774 = tpu.vector_load %arg9[%get3A_772, %get3A_773] {strides = array<i32>} : memref<32x1024xf32, #tpu.memory_space<vmem>>, vector<1x16xf32>,
        %get3A_775 = vector.shape_cast %get3A_774 : vector<1x16xf32> to vector<16xf32>
        %swap3A_776 = arith.index_cast %scan3A_358 : i32 to index
        %swap3A_777 = arith.constant 736 : index
        %swap3A_778 = tpu.vector_load %arg8[%swap3A_776, %swap3A_777] {strides = array<i32>} : memref<32x1024xf32, #tpu.memory_space<vmem>>, vector<1x16xf32>,
        %swap3A_779 = vector.shape_cast %swap3A_778 : vector<1x16xf32> to vector<16xf32>
        %swap3A_780 = vector.shape_cast %get3A_775 : vector<16xf32> to vector<1x16xf32>
        tpu.vector_store %arg8[%swap3A_776, %swap3A_777], %swap3A_780 {add = true, strides = array<i32>} : memref<32x1024xf32, #tpu.memory_space<vmem>>, vector<1x16xf32>,
        %get3A_781 = arith.index_cast %scan3A_358 : i32 to index
        %get3A_782 = arith.constant 752 : index
        %get3A_783 = tpu.vector_load %arg9[%get3A_781, %get3A_782] {strides = array<i32>} : memref<32x1024xf32, #tpu.memory_space<vmem>>, vector<1x16xf32>,
        %get3A_784 = vector.shape_cast %get3A_783 : vector<1x16xf32> to vector<16xf32>
        %swap3A_785 = arith.index_cast %scan3A_358 : i32 to index
        %swap3A_786 = arith.constant 752 : index
        %swap3A_787 = tpu.vector_load %arg8[%swap3A_785, %swap3A_786] {strides = array<i32>} : memref<32x1024xf32, #tpu.memory_space<vmem>>, vector<1x16xf32>,
        %swap3A_788 = vector.shape_cast %swap3A_787 : vector<1x16xf32> to vector<16xf32>
        %swap3A_789 = vector.shape_cast %get3A_784 : vector<16xf32> to vector<1x16xf32>
        tpu.vector_store %arg8[%swap3A_785, %swap3A_786], %swap3A_789 {add = true, strides = array<i32>} : memref<32x1024xf32, #tpu.memory_space<vmem>>, vector<1x16xf32>,
        %get3A_790 = arith.index_cast %scan3A_358 : i32 to index
        %get3A_791 = arith.constant 768 : index
        %get3A_792 = tpu.vector_load %arg9[%get3A_790, %get3A_791] {strides = array<i32>} : memref<32x1024xf32, #tpu.memory_space<vmem>>, vector<1x16xf32>,
        %get3A_793 = vector.shape_cast %get3A_792 : vector<1x16xf32> to vector<16xf32>
        %swap3A_794 = arith.index_cast %scan3A_358 : i32 to index
        %swap3A_795 = arith.constant 768 : index
        %swap3A_796 = tpu.vector_load %arg8[%swap3A_794, %swap3A_795] {strides = array<i32>} : memref<32x1024xf32, #tpu.memory_space<vmem>>, vector<1x16xf32>,
        %swap3A_797 = vector.shape_cast %swap3A_796 : vector<1x16xf32> to vector<16xf32>
        %swap3A_798 = vector.shape_cast %get3A_793 : vector<16xf32> to vector<1x16xf32>
        tpu.vector_store %arg8[%swap3A_794, %swap3A_795], %swap3A_798 {add = true, strides = array<i32>} : memref<32x1024xf32, #tpu.memory_space<vmem>>, vector<1x16xf32>,
        %get3A_799 = arith.index_cast %scan3A_358 : i32 to index
        %get3A_800 = arith.constant 784 : index
        %get3A_801 = tpu.vector_load %arg9[%get3A_799, %get3A_800] {strides = array<i32>} : memref<32x1024xf32, #tpu.memory_space<vmem>>, vector<1x16xf32>,
        %get3A_802 = vector.shape_cast %get3A_801 : vector<1x16xf32> to vector<16xf32>
        %swap3A_803 = arith.index_cast %scan3A_358 : i32 to index
        %swap3A_804 = arith.constant 784 : index
        %swap3A_805 = tpu.vector_load %arg8[%swap3A_803, %swap3A_804] {strides = array<i32>} : memref<32x1024xf32, #tpu.memory_space<vmem>>, vector<1x16xf32>,
        %swap3A_806 = vector.shape_cast %swap3A_805 : vector<1x16xf32> to vector<16xf32>
        %swap3A_807 = vector.shape_cast %get3A_802 : vector<16xf32> to vector<1x16xf32>
        tpu.vector_store %arg8[%swap3A_803, %swap3A_804], %swap3A_807 {add = true, strides = array<i32>} : memref<32x1024xf32, #tpu.memory_space<vmem>>, vector<1x16xf32>,
        %get3A_808 = arith.index_cast %scan3A_358 : i32 to index
        %get3A_809 = arith.constant 800 : index
        %get3A_810 = tpu.vector_load %arg9[%get3A_808, %get3A_809] {strides = array<i32>} : memref<32x1024xf32, #tpu.memory_space<vmem>>, vector<1x16xf32>,
        %get3A_811 = vector.shape_cast %get3A_810 : vector<1x16xf32> to vector<16xf32>
        %swap3A_812 = arith.index_cast %scan3A_358 : i32 to index
        %swap3A_813 = arith.constant 800 : index
        %swap3A_814 = tpu.vector_load %arg8[%swap3A_812, %swap3A_813] {strides = array<i32>} : memref<32x1024xf32, #tpu.memory_space<vmem>>, vector<1x16xf32>,
        %swap3A_815 = vector.shape_cast %swap3A_814 : vector<1x16xf32> to vector<16xf32>
        %swap3A_816 = vector.shape_cast %get3A_811 : vector<16xf32> to vector<1x16xf32>
        tpu.vector_store %arg8[%swap3A_812, %swap3A_813], %swap3A_816 {add = true, strides = array<i32>} : memref<32x1024xf32, #tpu.memory_space<vmem>>, vector<1x16xf32>,
        %get3A_817 = arith.index_cast %scan3A_358 : i32 to index
        %get3A_818 = arith.constant 816 : index
        %get3A_819 = tpu.vector_load %arg9[%get3A_817, %get3A_818] {strides = array<i32>} : memref<32x1024xf32, #tpu.memory_space<vmem>>, vector<1x16xf32>,
        %get3A_820 = vector.shape_cast %get3A_819 : vector<1x16xf32> to vector<16xf32>
        %swap3A_821 = arith.index_cast %scan3A_358 : i32 to index
        %swap3A_822 = arith.constant 816 : index
        %swap3A_823 = tpu.vector_load %arg8[%swap3A_821, %swap3A_822] {strides = array<i32>} : memref<32x1024xf32, #tpu.memory_space<vmem>>, vector<1x16xf32>,
        %swap3A_824 = vector.shape_cast %swap3A_823 : vector<1x16xf32> to vector<16xf32>
        %swap3A_825 = vector.shape_cast %get3A_820 : vector<16xf32> to vector<1x16xf32>
        tpu.vector_store %arg8[%swap3A_821, %swap3A_822], %swap3A_825 {add = true, strides = array<i32>} : memref<32x1024xf32, #tpu.memory_space<vmem>>, vector<1x16xf32>,
        %get3A_826 = arith.index_cast %scan3A_358 : i32 to index
        %get3A_827 = arith.constant 832 : index
        %get3A_828 = tpu.vector_load %arg9[%get3A_826, %get3A_827] {strides = array<i32>} : memref<32x1024xf32, #tpu.memory_space<vmem>>, vector<1x16xf32>,
        %get3A_829 = vector.shape_cast %get3A_828 : vector<1x16xf32> to vector<16xf32>
        %swap3A_830 = arith.index_cast %scan3A_358 : i32 to index
        %swap3A_831 = arith.constant 832 : index
        %swap3A_832 = tpu.vector_load %arg8[%swap3A_830, %swap3A_831] {strides = array<i32>} : memref<32x1024xf32, #tpu.memory_space<vmem>>, vector<1x16xf32>,
        %swap3A_833 = vector.shape_cast %swap3A_832 : vector<1x16xf32> to vector<16xf32>
        %swap3A_834 = vector.shape_cast %get3A_829 : vector<16xf32> to vector<1x16xf32>
        tpu.vector_store %arg8[%swap3A_830, %swap3A_831], %swap3A_834 {add = true, strides = array<i32>} : memref<32x1024xf32, #tpu.memory_space<vmem>>, vector<1x16xf32>,
        %get3A_835 = arith.index_cast %scan3A_358 : i32 to index
        %get3A_836 = arith.constant 848 : index
        %get3A_837 = tpu.vector_load %arg9[%get3A_835, %get3A_836] {strides = array<i32>} : memref<32x1024xf32, #tpu.memory_space<vmem>>, vector<1x16xf32>,
        %get3A_838 = vector.shape_cast %get3A_837 : vector<1x16xf32> to vector<16xf32>
        %swap3A_839 = arith.index_cast %scan3A_358 : i32 to index
        %swap3A_840 = arith.constant 848 : index
        %swap3A_841 = tpu.vector_load %arg8[%swap3A_839, %swap3A_840] {strides = array<i32>} : memref<32x1024xf32, #tpu.memory_space<vmem>>, vector<1x16xf32>,
        %swap3A_842 = vector.shape_cast %swap3A_841 : vector<1x16xf32> to vector<16xf32>
        %swap3A_843 = vector.shape_cast %get3A_838 : vector<16xf32> to vector<1x16xf32>
        tpu.vector_store %arg8[%swap3A_839, %swap3A_840], %swap3A_843 {add = true, strides = array<i32>} : memref<32x1024xf32, #tpu.memory_space<vmem>>, vector<1x16xf32>,
        %get3A_844 = arith.index_cast %scan3A_358 : i32 to index
        %get3A_845 = arith.constant 864 : index
        %get3A_846 = tpu.vector_load %arg9[%get3A_844, %get3A_845] {strides = array<i32>} : memref<32x1024xf32, #tpu.memory_space<vmem>>, vector<1x16xf32>,
        %get3A_847 = vector.shape_cast %get3A_846 : vector<1x16xf32> to vector<16xf32>
        %swap3A_848 = arith.index_cast %scan3A_358 : i32 to index
        %swap3A_849 = arith.constant 864 : index
        %swap3A_850 = tpu.vector_load %arg8[%swap3A_848, %swap3A_849] {strides = array<i32>} : memref<32x1024xf32, #tpu.memory_space<vmem>>, vector<1x16xf32>,
        %swap3A_851 = vector.shape_cast %swap3A_850 : vector<1x16xf32> to vector<16xf32>
        %swap3A_852 = vector.shape_cast %get3A_847 : vector<16xf32> to vector<1x16xf32>
        tpu.vector_store %arg8[%swap3A_848, %swap3A_849], %swap3A_852 {add = true, strides = array<i32>} : memref<32x1024xf32, #tpu.memory_space<vmem>>, vector<1x16xf32>,
        %get3A_853 = arith.index_cast %scan3A_358 : i32 to index
        %get3A_854 = arith.constant 880 : index
        %get3A_855 = tpu.vector_load %arg9[%get3A_853, %get3A_854] {strides = array<i32>} : memref<32x1024xf32, #tpu.memory_space<vmem>>, vector<1x16xf32>,
        %get3A_856 = vector.shape_cast %get3A_855 : vector<1x16xf32> to vector<16xf32>
        %swap3A_857 = arith.index_cast %scan3A_358 : i32 to index
        %swap3A_858 = arith.constant 880 : index
        %swap3A_859 = tpu.vector_load %arg8[%swap3A_857, %swap3A_858] {strides = array<i32>} : memref<32x1024xf32, #tpu.memory_space<vmem>>, vector<1x16xf32>,
        %swap3A_860 = vector.shape_cast %swap3A_859 : vector<1x16xf32> to vector<16xf32>
        %swap3A_861 = vector.shape_cast %get3A_856 : vector<16xf32> to vector<1x16xf32>
        tpu.vector_store %arg8[%swap3A_857, %swap3A_858], %swap3A_861 {add = true, strides = array<i32>} : memref<32x1024xf32, #tpu.memory_space<vmem>>, vector<1x16xf32>,
        %get3A_862 = arith.index_cast %scan3A_358 : i32 to index
        %get3A_863 = arith.constant 896 : index
        %get3A_864 = tpu.vector_load %arg9[%get3A_862, %get3A_863] {strides = array<i32>} : memref<32x1024xf32, #tpu.memory_space<vmem>>, vector<1x16xf32>,
        %get3A_865 = vector.shape_cast %get3A_864 : vector<1x16xf32> to vector<16xf32>
        %swap3A_866 = arith.index_cast %scan3A_358 : i32 to index
        %swap3A_867 = arith.constant 896 : index
        %swap3A_868 = tpu.vector_load %arg8[%swap3A_866, %swap3A_867] {strides = array<i32>} : memref<32x1024xf32, #tpu.memory_space<vmem>>, vector<1x16xf32>,
        %swap3A_869 = vector.shape_cast %swap3A_868 : vector<1x16xf32> to vector<16xf32>
        %swap3A_870 = vector.shape_cast %get3A_865 : vector<16xf32> to vector<1x16xf32>
        tpu.vector_store %arg8[%swap3A_866, %swap3A_867], %swap3A_870 {add = true, strides = array<i32>} : memref<32x1024xf32, #tpu.memory_space<vmem>>, vector<1x16xf32>,
        %get3A_871 = arith.index_cast %scan3A_358 : i32 to index
        %get3A_872 = arith.constant 912 : index
        %get3A_873 = tpu.vector_load %arg9[%get3A_871, %get3A_872] {strides = array<i32>} : memref<32x1024xf32, #tpu.memory_space<vmem>>, vector<1x16xf32>,
        %get3A_874 = vector.shape_cast %get3A_873 : vector<1x16xf32> to vector<16xf32>
        %swap3A_875 = arith.index_cast %scan3A_358 : i32 to index
        %swap3A_876 = arith.constant 912 : index
        %swap3A_877 = tpu.vector_load %arg8[%swap3A_875, %swap3A_876] {strides = array<i32>} : memref<32x1024xf32, #tpu.memory_space<vmem>>, vector<1x16xf32>,
        %swap3A_878 = vector.shape_cast %swap3A_877 : vector<1x16xf32> to vector<16xf32>
        %swap3A_879 = vector.shape_cast %get3A_874 : vector<16xf32> to vector<1x16xf32>
        tpu.vector_store %arg8[%swap3A_875, %swap3A_876], %swap3A_879 {add = true, strides = array<i32>} : memref<32x1024xf32, #tpu.memory_space<vmem>>, vector<1x16xf32>,
        %get3A_880 = arith.index_cast %scan3A_358 : i32 to index
        %get3A_881 = arith.constant 928 : index
        %get3A_882 = tpu.vector_load %arg9[%get3A_880, %get3A_881] {strides = array<i32>} : memref<32x1024xf32, #tpu.memory_space<vmem>>, vector<1x16xf32>,
        %get3A_883 = vector.shape_cast %get3A_882 : vector<1x16xf32> to vector<16xf32>
        %swap3A_884 = arith.index_cast %scan3A_358 : i32 to index
        %swap3A_885 = arith.constant 928 : index
        %swap3A_886 = tpu.vector_load %arg8[%swap3A_884, %swap3A_885] {strides = array<i32>} : memref<32x1024xf32, #tpu.memory_space<vmem>>, vector<1x16xf32>,
        %swap3A_887 = vector.shape_cast %swap3A_886 : vector<1x16xf32> to vector<16xf32>
        %swap3A_888 = vector.shape_cast %get3A_883 : vector<16xf32> to vector<1x16xf32>
        tpu.vector_store %arg8[%swap3A_884, %swap3A_885], %swap3A_888 {add = true, strides = array<i32>} : memref<32x1024xf32, #tpu.memory_space<vmem>>, vector<1x16xf32>,
        %get3A_889 = arith.index_cast %scan3A_358 : i32 to index
        %get3A_890 = arith.constant 944 : index
        %get3A_891 = tpu.vector_load %arg9[%get3A_889, %get3A_890] {strides = array<i32>} : memref<32x1024xf32, #tpu.memory_space<vmem>>, vector<1x16xf32>,
        %get3A_892 = vector.shape_cast %get3A_891 : vector<1x16xf32> to vector<16xf32>
        %swap3A_893 = arith.index_cast %scan3A_358 : i32 to index
        %swap3A_894 = arith.constant 944 : index
        %swap3A_895 = tpu.vector_load %arg8[%swap3A_893, %swap3A_894] {strides = array<i32>} : memref<32x1024xf32, #tpu.memory_space<vmem>>, vector<1x16xf32>,
        %swap3A_896 = vector.shape_cast %swap3A_895 : vector<1x16xf32> to vector<16xf32>
        %swap3A_897 = vector.shape_cast %get3A_892 : vector<16xf32> to vector<1x16xf32>
        tpu.vector_store %arg8[%swap3A_893, %swap3A_894], %swap3A_897 {add = true, strides = array<i32>} : memref<32x1024xf32, #tpu.memory_space<vmem>>, vector<1x16xf32>,
        %get3A_898 = arith.index_cast %scan3A_358 : i32 to index
        %get3A_899 = arith.constant 960 : index
        %get3A_900 = tpu.vector_load %arg9[%get3A_898, %get3A_899] {strides = array<i32>} : memref<32x1024xf32, #tpu.memory_space<vmem>>, vector<1x16xf32>,
        %get3A_901 = vector.shape_cast %get3A_900 : vector<1x16xf32> to vector<16xf32>
        %swap3A_902 = arith.index_cast %scan3A_358 : i32 to index
        %swap3A_903 = arith.constant 960 : index
        %swap3A_904 = tpu.vector_load %arg8[%swap3A_902, %swap3A_903] {strides = array<i32>} : memref<32x1024xf32, #tpu.memory_space<vmem>>, vector<1x16xf32>,
        %swap3A_905 = vector.shape_cast %swap3A_904 : vector<1x16xf32> to vector<16xf32>
        %swap3A_906 = vector.shape_cast %get3A_901 : vector<16xf32> to vector<1x16xf32>
        tpu.vector_store %arg8[%swap3A_902, %swap3A_903], %swap3A_906 {add = true, strides = array<i32>} : memref<32x1024xf32, #tpu.memory_space<vmem>>, vector<1x16xf32>,
        %get3A_907 = arith.index_cast %scan3A_358 : i32 to index
        %get3A_908 = arith.constant 976 : index
        %get3A_909 = tpu.vector_load %arg9[%get3A_907, %get3A_908] {strides = array<i32>} : memref<32x1024xf32, #tpu.memory_space<vmem>>, vector<1x16xf32>,
        %get3A_910 = vector.shape_cast %get3A_909 : vector<1x16xf32> to vector<16xf32>
        %swap3A_911 = arith.index_cast %scan3A_358 : i32 to index
        %swap3A_912 = arith.constant 976 : index
        %swap3A_913 = tpu.vector_load %arg8[%swap3A_911, %swap3A_912] {strides = array<i32>} : memref<32x1024xf32, #tpu.memory_space<vmem>>, vector<1x16xf32>,
        %swap3A_914 = vector.shape_cast %swap3A_913 : vector<1x16xf32> to vector<16xf32>
        %swap3A_915 = vector.shape_cast %get3A_910 : vector<16xf32> to vector<1x16xf32>
        tpu.vector_store %arg8[%swap3A_911, %swap3A_912], %swap3A_915 {add = true, strides = array<i32>} : memref<32x1024xf32, #tpu.memory_space<vmem>>, vector<1x16xf32>,
        %get3A_916 = arith.index_cast %scan3A_358 : i32 to index
        %get3A_917 = arith.constant 992 : index
        %get3A_918 = tpu.vector_load %arg9[%get3A_916, %get3A_917] {strides = array<i32>} : memref<32x1024xf32, #tpu.memory_space<vmem>>, vector<1x16xf32>,
        %get3A_919 = vector.shape_cast %get3A_918 : vector<1x16xf32> to vector<16xf32>
        %swap3A_920 = arith.index_cast %scan3A_358 : i32 to index
        %swap3A_921 = arith.constant 992 : index
        %swap3A_922 = tpu.vector_load %arg8[%swap3A_920, %swap3A_921] {strides = array<i32>} : memref<32x1024xf32, #tpu.memory_space<vmem>>, vector<1x16xf32>,
        %swap3A_923 = vector.shape_cast %swap3A_922 : vector<1x16xf32> to vector<16xf32>
        %swap3A_924 = vector.shape_cast %get3A_919 : vector<16xf32> to vector<1x16xf32>
        tpu.vector_store %arg8[%swap3A_920, %swap3A_921], %swap3A_924 {add = true, strides = array<i32>} : memref<32x1024xf32, #tpu.memory_space<vmem>>, vector<1x16xf32>,
        %get3A_925 = arith.index_cast %scan3A_358 : i32 to index
        %get3A_926 = arith.constant 1008 : index
        %get3A_927 = tpu.vector_load %arg9[%get3A_925, %get3A_926] {strides = array<i32>} : memref<32x1024xf32, #tpu.memory_space<vmem>>, vector<1x16xf32>,
        %get3A_928 = vector.shape_cast %get3A_927 : vector<1x16xf32> to vector<16xf32>
        %swap3A_929 = arith.index_cast %scan3A_358 : i32 to index
        %swap3A_930 = arith.constant 1008 : index
        %swap3A_931 = tpu.vector_load %arg8[%swap3A_929, %swap3A_930] {strides = array<i32>} : memref<32x1024xf32, #tpu.memory_space<vmem>>, vector<1x16xf32>,
        %swap3A_932 = vector.shape_cast %swap3A_931 : vector<1x16xf32> to vector<16xf32>
        %swap3A_933 = vector.shape_cast %get3A_928 : vector<16xf32> to vector<1x16xf32>
        tpu.vector_store %arg8[%swap3A_929, %swap3A_930], %swap3A_933 {add = true, strides = array<i32>} : memref<32x1024xf32, #tpu.memory_space<vmem>>, vector<1x16xf32>,
        %scan3A_934 = arith.constant 0 : i32
        scf.yield %scan3A_934 : i32
      }
      %scan3A_301 = arith.constant 32 : i32
      %jit3A_302 = arith.constant 4 : i32
      %div3A_303 = arith.divsi %add3A_212, %jit3A_302 : i32
      %sign3A_304 = arith.constant 0 : i32
      %sign3A_305 = arith.cmpi sgt, %add3A_212, %sign3A_304 : i32
      %sign3A_306 = arith.extui %sign3A_305 : i1 to i32
      %sign3A_307 = arith.constant 0 : i32
      %sign3A_308 = arith.cmpi slt, %add3A_212, %sign3A_307 : i32
      %sign3A_309 = arith.extui %sign3A_308 : i1 to i32
      %sign3A_310 = arith.subi %sign3A_306, %sign3A_309 : i32
      %sign3A_311 = arith.constant 0 : i32
      %sign3A_312 = arith.cmpi sgt, %jit3A_302, %sign3A_311 : i32
      %sign3A_313 = arith.extui %sign3A_312 : i1 to i32
      %sign3A_314 = arith.constant 0 : i32
      %sign3A_315 = arith.cmpi slt, %jit3A_302, %sign3A_314 : i32
      %sign3A_316 = arith.extui %sign3A_315 : i1 to i32
      %sign3A_317 = arith.subi %sign3A_313, %sign3A_316 : i32
      %ne3A_318 = arith.cmpi ne, %sign3A_310, %sign3A_317 : i32
      %rem3A_319 = arith.remsi %add3A_212, %jit3A_302 : i32
      %ne3A_320 = arith.constant 0 : i32
      %ne3A_321 = arith.cmpi ne, %rem3A_319, %ne3A_320 : i32
      %and3A_322 = arith.andi %ne3A_318, %ne3A_321 : i1
      %sub3A_323 = arith.constant 1 : i32
      %sub3A_324 = arith.subi %div3A_303, %sub3A_323 : i32
      %select_n3A_325 = arith.select %and3A_322, %sub3A_324, %div3A_303 : i32
      %jit3A_326 = arith.constant 4 : i32
      %eq3A_327 = arith.constant 0 : i32
      %eq3A_328 = arith.cmpi eq, %jit3A_326, %eq3A_327 : i32
      %jit3A_329 = arith.constant 1 : i32
      %select_n3A_330 = arith.select %eq3A_328, %jit3A_329, %jit3A_326 : i32
      %rem3A_331 = arith.remsi %add3A_212, %select_n3A_330 : i32
      %ne3A_332 = arith.constant 0 : i32
      %ne3A_333 = arith.cmpi ne, %rem3A_331, %ne3A_332 : i32
      %lt3A_334 = arith.constant 0 : i32
      %lt3A_335 = arith.cmpi slt, %rem3A_331, %lt3A_334 : i32
      %lt3A_336 = arith.constant 0 : i32
      %lt3A_337 = arith.cmpi slt, %select_n3A_330, %lt3A_336 : i32
      %ne3A_338 = arith.xori %lt3A_335, %lt3A_337 : i1
      %and3A_339 = arith.andi %ne3A_338, %ne3A_333 : i1
      %add3A_340 = arith.addi %rem3A_331, %select_n3A_330 : i32
      %select_n3A_341 = arith.select %and3A_339, %add3A_340, %rem3A_331 : i32
      %mul3A_342 = arith.constant 2048 : i32
      %mul3A_343 = arith.muli %select_n3A_341, %mul3A_342 : i32
      %add3A_344 = arith.addi %mul3A_343, %mul3A_2 : i32
      %mul3A_345 = arith.constant 32 : i32
      %mul3A_346 = arith.muli %select_n3A_325, %mul3A_345 : i32
      %add3A_347 = arith.addi %add3A_344, %mul3A_346 : i32
      %dma_start3A_348 = arith.constant 0 : i32
      %dma_start3A_349 = tpu.memref_slice %arg5[%add3A_347, %dma_start3A_348] : memref<8192x1024xf32, #tpu.memory_space<hbm>> -> memref<32x1024xf32, #tpu.memory_space<hbm>>
      %dma_start3A_350 = arith.constant 0 : i32
      %dma_start3A_351 = tpu.memref_slice %arg5[%add3A_347, %dma_start3A_350] : memref<8192x1024xf32, #tpu.memory_space<hbm>> -> memref<32x1024xf32, #tpu.memory_space<hbm>>
      tpu.enqueue_dma source(%arg8 : memref<32x1024xf32, #tpu.memory_space<vmem>>) target(%dma_start3A_351 : memref<32x1024xf32, #tpu.memory_space<hbm>>) target_semaphore(%arg15 : memref<!tpu.dma_semaphore, #tpu.memory_space<semaphore_mem>>)
      %eq3A_352 = arith.constant 3 : i32
      %eq3A_353 = arith.cmpi eq, %add3A_212, %eq3A_352 : i32
      %convert_element_type3A_354 = arith.extui %eq3A_353 : i1 to i32
      %cond3A_355 = arith.constant 0 : i32
      %cond3A_356 = arith.cmpi ne, %convert_element_type3A_354, %cond3A_355 : i32
      scf.if %cond3A_356 {
        %add3A_358 = arith.constant 32 : i32
        %add3A_359 = arith.addi %mul3A_2, %add3A_358 : i32
        %dma_start3A_360 = arith.constant 0 : i32
        %dma_start3A_361 = tpu.memref_slice %arg4[%add3A_359, %dma_start3A_360] : memref<2048x1024xf32, #tpu.memory_space<hbm>> -> memref<32x1024xf32, #tpu.memory_space<hbm>>
        %dma_start3A_362 = arith.constant 0 : i32
        %dma_start3A_363 = tpu.memref_slice %arg4[%add3A_359, %dma_start3A_362] : memref<2048x1024xf32, #tpu.memory_space<hbm>> -> memref<32x1024xf32, #tpu.memory_space<hbm>>
        tpu.enqueue_dma source(%dma_start3A_363 : memref<32x1024xf32, #tpu.memory_space<hbm>>) target(%arg9 : memref<32x1024xf32, #tpu.memory_space<vmem>>) target_semaphore(%arg11 : memref<!tpu.dma_semaphore, #tpu.memory_space<semaphore_mem>>)
      } else {
      }
      %scan3A_357 = arith.constant 0 : i32
      scf.yield %scan3A_357 : i32
    }
    %scan3A_63 = arith.constant 4 : i32
    %add3A_64 = arith.constant 6144 : i32
    %add3A_65 = arith.addi %add3A_64, %mul3A_2 : i32
    %add3A_66 = arith.constant 32 : i32
    %add3A_67 = arith.addi %add3A_65, %add3A_66 : i32
    %dma_wait3A_68 = arith.constant 0 : i32
    %dma_wait3A_69 = tpu.memref_slice %arg5[%add3A_67, %dma_wait3A_68] : memref<8192x1024xf32, #tpu.memory_space<hbm>> -> memref<32x1024xf32, #tpu.memory_space<hbm>>
    %dma_wait3A_70 = arith.constant 0 : i32
    %dma_wait3A_71 = tpu.memref_slice %arg5[%add3A_67, %dma_wait3A_70] : memref<8192x1024xf32, #tpu.memory_space<hbm>> -> memref<32x1024xf32, #tpu.memory_space<hbm>>
    tpu.wait_dma2 semaphore(%arg15 : memref<!tpu.dma_semaphore, #tpu.memory_space<semaphore_mem>>) src(%arg8 : memref<32x1024xf32, #tpu.memory_space<vmem>>) dst(%dma_wait3A_71 : memref<32x1024xf32, #tpu.memory_space<hbm>>)
    return
  }
}

</mosaic_0001>

<sc_bundles>
// kernel: kernel.3.cloned.1.call-start
scs
__scs_entry_jumppad:
0x0: {  	(pc) =	sbr.rel $0x88, $3  }
0x1: {  	(tag) =	ssettag $0x0;
	lr =	simm.s32 $0x1  }
0x2: {  	[smem:$0x3F9E] =	sst lr;
	_ =	strace $0xD0000000  }
0x3: {  	_ = 	snop  }
0x4: {  	_ = 	snop  }
0x5: {  	_ = 	snop  }
0x6: {  	_ = 	snop  }
0x7: {  	_ = 	snop  }
__scs_overlays_trampoline_lowered:
0x8: {  	[smem:$0x3FAD] =	sst s0  }
0x9: {  	[smem:$0x3FAE] =	sst s1  }
0xa: {  	[smem:$0x3FAF] =	sst s2  }
0xb: {  	[smem:$0x3FB0] =	sst s3  }
0xc: {  	[smem:$0x3FB1] =	sst s4  }
0xd: {  	[smem:$0x3FB2] =	sst s5  }
0xe: {  	[smem:$0x3FB3] =	sst s6  }
0xf: {  	[smem:$0x3FB4] =	sst s7  }
0x10: {  	[smem:$0x3FB5] =	sst s8  }
0x11: {  	[smem:$0x3FB6] =	sst s9;
	s0 =	simm.s32 @!p0 $0x0  }
0x12: {  	s1 =	sld [smem:$0x3F9C];
	s0 =	simm.s32 @p0 $0x1  }
0x13: {  	[smem:$0x3FB7] =	sst s0;
	s0 =	simm.s32 @!p1 $0x0  }
0x14: {  	s2 =	sld [smem:$0x3F9B];
	s0 =	simm.s32 @p1 $0x1  }
0x15: {  	[smem:$0x3FB8] =	sst s0;
	s0 =	simm.s32 @!p2 $0x0  }
0x16: {  	s3 =	sld [smem:$0x3FDB];
	s0 =	simm.s32 @p2 $0x1  }
0x17: {  	s4 =	simm.s32 $0x1BF5;
	[smem:$0x3FBA] =	sst s0  }
0x18: {  	s0 =	sld [smem:$0x3F9D];
	_ =	swait.ge [sflag:s4], $0x0  }
0x19: {  	s7 =	sld [smem:$0x3F9E]  }
0x1a: {  	s8 =	sadd.s32 $0xFFFFE003, lr  }
0x1b: {  	s9 =	sadd.s32 $0xFFFFFEF7, lr;
	s5 =	simm.s32 $0xFFFFFFFF;
	p2 =	slt.u32 s8, $0xFFFFF086  }
0x1c: {  	p1 =	slt.u32 s9, $0xF7A;
	s5 =	simm.s32 @!p2 $0x0  }
0x1d: {  	s5 =	simm.s32 @p1 $0x1;
	p0 =	seq.s32 s7, s2  }
0x1e: {  	s7 =	smul.u32 @!p0 $0xF7A, s2;
	p2 =	seq.s32 @!p0 s5, $0x0  }
0x1f: {  	s9 =	smul.u32 $0xF7A, s1;
	s8 =	simm.s32 @!p0 $0x1BF5;
	p2 =	por !p2, p0  }
0x20: {  	[sflag:s8] =	ssyncset.s32 @!p0 $0xFFFFF086;
	s6 =	sadd.s32 @!p0 s3, s7;
	s7 =	simm.s32 @!p0 $0x108  }
0x21: {  	s3 =	sadd.s32 s3, s9;
	s6 =	sadd.s32 @!p0 $0x88, s6;
	s7 =	simm.s32 @p2 $0x1082  }
0x22: {  	[simem:s7], [sflag:s8] =	dma.local @!p0 [hbm:s6], $0xF7A  }
0x23: {  	s9 =	sor.u32 $0xD0000000, s2;
	s6 =	simm.s32 $0x108;
	_ =	swait.ge @!p0 [sflag:s8], $0x0  }
0x24: {  	s3 =	sadd.s32 $0x88, s3;
	s6 =	simm.s32 @!p1 $0x1082;
	[sflag:s4] =	ssyncset.s32 $0xFFFFF086  }
0x25: {  	[simem:s6], [sflag:s4] =	dma.local [hbm:s3], $0xF7A  }
0x26: {  	[smem:$0x3F9E] =	sst s1;
	(tag) =	ssettag s2;
	_ =	strace s9  }
0x27: {  	s1 =	sld [smem:$0x3FAE]  }
0x28: {  	s2 =	sld [smem:$0x3FAF]  }
0x29: {  	s4 =	sld [smem:$0x3FB1]  }
0x2a: {  	p0 =	seq.s32 s5, $0x0;
	s5 =	sld [smem:$0x3FB2]  }
0x2b: {  	s6 =	sld [smem:$0x3FB3]  }
0x2c: {  	s7 =	sld [smem:$0x3FB4]  }
0x2d: {  	s3 =	simm.s32 $0x108;
	s8 =	sld [smem:$0x3FB5]  }
0x2e: {  	s3 =	simm.s32 @!p0 $0x1082;
	s9 =	sld [smem:$0x3FB6]  }
0x2f: {  	lr =	sadd.s32 s0, s3;
	s0 =	sld [smem:$0x3FAD]  }
0x30: {  	s3 =	sld [smem:$0x3FB0]  }
0x31: {  	[smem:$0x3FB9] =	sst s10  }
0x32: {  	s10 =	sld [smem:$0x3FB7];
	_ =	sdelay $0x3  }
0x33: {  	p0 =	seq.s32 s10, $0x1;
	s10 =	sld [smem:$0x3FB9];
	_ =	sdelay $0x3  }
0x34: {  	[smem:$0x3FB9] =	sst s10  }
0x35: {  	s10 =	sld [smem:$0x3FB8];
	_ =	sdelay $0x3  }
0x36: {  	p1 =	seq.s32 s10, $0x1;
	s10 =	sld [smem:$0x3FB9];
	_ =	sdelay $0x3  }
0x37: {  	[smem:$0x3FB9] =	sst s10  }
0x38: {  	s10 =	sld [smem:$0x3FBA]  }
0x39: {  	_ = 	snop;
	(pc) =	sbr.ind lr, $3  }
0x3a: {  	_ = 	snop  }
0x3b: {  	_ = 	snop  }
0x3c: {  	p2 =	seq.s32 s10, $0x1;
	s10 =	sld [smem:$0x3FB9]  }
0x3d: {  	_ =	shalt  }
0x3e: {  	_ =	shalt  }
0x3f: {  	_ =	shalt  }
0x40: {  	_ =	shalt  }
0x41: {  	_ =	shalt  }
0x42: {  	_ =	shalt  }
0x43: {  	_ =	shalt  }
0x44: {  	_ =	shalt  }
0x45: {  	_ =	shalt  }
0x46: {  	_ =	shalt  }
0x47: {  	_ =	shalt  }
0x48: {  	_ =	shalt  }
0x49: {  	_ =	shalt  }
0x4a: {  	_ =	shalt  }
0x4b: {  	_ =	shalt  }
0x4c: {  	_ =	shalt  }
0x4d: {  	_ =	shalt  }
0x4e: {  	_ =	shalt  }
0x4f: {  	_ =	shalt  }
0x50: {  	_ =	shalt  }
0x51: {  	_ =	shalt  }
0x52: {  	_ =	shalt  }
0x53: {  	_ =	shalt  }
0x54: {  	_ =	shalt  }
0x55: {  	_ =	shalt  }
0x56: {  	_ =	shalt  }
0x57: {  	_ =	shalt  }
0x58: {  	_ =	shalt  }
0x59: {  	_ =	shalt  }
0x5a: {  	_ =	shalt  }
0x5b: {  	_ =	shalt  }
0x5c: {  	_ =	shalt  }
0x5d: {  	_ =	shalt  }
0x5e: {  	_ =	shalt  }
0x5f: {  	_ =	shalt  }
0x60: {  	_ =	shalt  }
0x61: {  	_ =	shalt  }
0x62: {  	_ =	shalt  }
0x63: {  	_ =	shalt  }
0x64: {  	_ =	shalt  }
0x65: {  	_ =	shalt  }
0x66: {  	_ =	shalt  }
0x67: {  	_ =	shalt  }
0x68: {  	_ =	shalt  }
0x69: {  	_ =	shalt  }
0x6a: {  	_ =	shalt  }
0x6b: {  	_ =	shalt  }
0x6c: {  	_ =	shalt  }
0x6d: {  	_ =	shalt  }
0x6e: {  	_ =	shalt  }
0x6f: {  	_ =	shalt  }
0x70: {  	_ =	shalt  }
0x71: {  	_ =	shalt  }
0x72: {  	_ =	shalt  }
0x73: {  	_ =	shalt  }
0x74: {  	_ =	shalt  }
0x75: {  	_ =	shalt  }
0x76: {  	_ =	shalt  }
0x77: {  	_ =	shalt  }
0x78: {  	_ =	shalt  }
0x79: {  	_ =	shalt  }
0x7a: {  	_ =	shalt  }
0x7b: {  	_ =	shalt  }
0x7c: {  	_ =	shalt  }
0x7d: {  	_ =	shalt  }
0x7e: {  	_ =	shalt  }
0x7f: {  	_ =	shalt  }
0x80: {  	_ =	shalt  }
0x81: {  	_ =	shalt  }
0x82: {  	_ =	shalt  }
0x83: {  	_ =	shalt  }
0x84: {  	_ =	shalt  }
0x85: {  	_ =	shalt  }
0x86: {  	_ =	shalt  }
0x87: {  	_ =	shalt  }
.Lfunc_end0:
.L_simem_size_0:
called_computation_lowered:
.L_overlay_start_0:
0x88: {  	s2 =	sld [smem:$0x3FD9]  }
0x89: {  	s3 =	sld [smem:$0x3FFE];
	_ =	sdelay $0x1  }
0x8a: {  	s1 =	srdreg.scid  }
0x8b: {  	s0 =	sand.u32 $0x1, s1  }
0x8c: {  	s17 =	sshll.u32 s0, $0xA;
	s2 =	sadd.s32 s3, s2  }
0x8d: {  	s2 =	sadd.s32 s2, s17  }
0x8e: {  	[smem:$0x3FC5] =	sst s2  }
0x8f: {  	_ = 	snop  }
0x90: {  	s2 =	sld [smem:$0x3FC8]  }
0x91: {  	s18 =	sld [smem:$0x3FC7]  }
0x92: {  	s4 =	sld [smem:$0x3FD0];
	(tm) =	ssettm $0x1  }
0x93: {  	s5 =	sld [smem:$0x3FFB];
	_ =	sdelay $0x3  }
0x94: {  	_ =	strace s5  }
0x95: {  	s5 =	sld [smem:$0x3FFC];
	_ =	sdelay $0x3  }
0x96: {  	_ =	strace s5  }
0x97: {  	s5 =	sld [smem:$0x3FFD];
	_ =	sdelay $0x3  }
0x98: {  	_ =	strace s5  }
0x99: {  	_ =	strace $0x8FFFFFFF  }
0x9a: {  	s19 =	sld [smem:$0x3FDB];
	_ =	sdelay $0x1  }
0x9b: {  	s6 =	simm.s32 $_scs_section_size  }
0x9c: {  	s7 =	simm.s32 $_size__tile_overlayer_lowered;
	s8 =	simm.s32 $_tile_overlayer_lowered  }
0x9d: {  	s22 =	simm.s32 $0x1BFF;
	s21 =	sshll.u32 s8, $0x1;
	s5 =	sadd.s32 s6, s19  }
0x9e: {  	s9 =	simm.s32 $0x0;
	s20 =	sshll.u32 s7, $0x1;
	s7 =	sadd.s32 s21, s5  }
0x9f: {  	[timem:s9], [sflag:s22] =	dma.local [hbm:s7], s20  }
0xa0: {  	_ =	swait.ge [sflag:s22], s20  }
0xa1: {  	s6 =	ssub.s32 $0x0, s20;
	[sflag:s22] =	ssyncset.done $0x0  }
0xa2: {  	[sflag:s22] =	ssyncadd.s32 s6;
	_ =	sdelay $0x1  }
0xa3: {  	s23 =	simm.s32 $0x1B8B  }
0xa4: {  	_ =	swait.ge [sflag:s23], $0x1  }
0xa5: {  	[sflag:s23] =	ssyncset.done $0x0  }
0xa6: {  	s25 =	simm.s32 $0x1B8E;
	s24 =	sld [smem:$0x3FFE];
	[sflag:s23] =	ssyncadd.s32 $0xFFFFFFFF  }
0xa7: {  	s26 =	simm.s32 $execute0_lowered;
	[smem:$0x3FD2] =	sst s25  }
0xa8: {  	s7 =	sshll.u32 s26, $0x1;
	_ =	strace $0x80000046;
	[dreg:$0x1] =	wrdreg $0xFFFFFFFF  }
0xa9: {  	s28 =	simm.s32 $_size_execute0_lowered;
	s5 =	sadd.s32 s5, s7;
	[dreg:$0x0] =	wrdreg $0x0  }
0xaa: {  	s7 =	sshll.u32 s28, $0x1;
	[dreg:$0x2] =	wrdreg s5  }
0xab: {  	[dreg:$0x3] =	wrdreg s7  }
0xac: {  	[dreg:$0x4] =	wrdreg $0xC0  }
0xad: {  	_ =	task [dreg:s9], $0x5FFFF  }
0xae: {  	[dreg:$0x1] =	wrdreg $0xFFFFFFFF  }
0xaf: {  	[dreg:$0x0] =	wrdreg $0x60  }
0xb0: {  	[dreg:$0x2] =	wrdreg s24  }
0xb1: {  	[dreg:$0x3] =	wrdreg s2  }
0xb2: {  	[dreg:$0x4] =	wrdreg s18  }
0xb3: {  	[dreg:$0x5] =	wrdreg s4  }
0xb4: {  	[dreg:$0x6] =	wrdreg $0x9  }
0xb5: {  	_ =	task.clear_ibuf [dreg:s9], $0x7FFFF;
	_ =	strace $0x90000046  }
0xb6: {  	s29 =	simm.s32 $0x9;
	_ =	strace $0x80000048  }
0xb7: {  	_ =	swait.ge [sflag:s29], $0x1  }
0xb8: {  	[sflag:s29] =	ssyncadd.s32 $0xFFFFFFFF  }
0xb9: {  	_ =	strace $0x90000048  }
0xba: {  	_ =	sfence  }
0xbb: {  	s30 =	sld [smem:$0x0];
	_ =	sdelay $0x2  }
0xbc: {  	s31 =	sshll.u32 s1, $0xD;
	s1 =	sshrl.u32 s1, $0x2  }
0xbd: {  	s3 =	sand.u32 $0x4000, s31;
	s1 =	sadd.s32 s1, s30  }
0xbe: {  	s0 =	sor.u32 s3, s0;
	s1 =	sshll.u32 s1, $0x11  }
0xbf: {  	s0 =	sor.u32 s1, s0  }
0xc0: {  	s0 =	sadd.s32 $0x8F2B, s0  }
0xc1: {  	[sflag:s0] =	ssyncadd.remote.s32 $0x1  }
0xc2: {  	_ =	sfence.sel $0xFFFF  }
0xc3: {  	[dreg:$0x0] =	wrdreg $0xFFFFFFFF;
	(pc) =	sbr.abs _section_cstart, $3  }
0xc4: {  	[dreg:$0x1] =	wrdreg $0xFFFFFFFF  }
0xc5: {  	_ =	task.clear_ibuf [dreg:s9], $0x2FFFF;
	_ =	strace $0x9FFFFFFF  }
0xc6: {  	(tm) =	ssettm $0x7FFFFFFF  }
0xc7: {  	_ =	shalt  }
tec
execute0_lowered:
.L_overlay_start_1:
0x0: {  	(tag) =	ssettag $0x1  }
0x1: {  	s0 =	rddreg [dreg:$0x0]  }
0x2: {  	s2 =	rddreg [dreg:$0x1]  }
0x3: {  	s1 =	rddreg [dreg:$0x2]  }
0x4: {  	s3 =	srdreg.scid;
	s10 =	rddreg [dreg:$0x3]  }
0x5: {  	s4 =	stileid.u32;
	s24 =	simm.s32 $0x8100;
	s19 =	simm.s32 $0xC900  }
0x6: {  	s20 =	simm.s32 $0xD100;
	s21 =	simm.s32 $0xD900;
	s22 =	simm.s32 $0xE100  }
0x7: {  	s23 =	simm.s32 $0xE900;
	s12 =	simm.s32 $0x3;
	s13 =	simm.s32 $0x5  }
0x8: {  	s16 =	simm.s32 $0x4;
	s17 =	simm.s32 $0x0;
	s3 =	sand.u32 $0x1, s3  }
0x9: {  	s5 =	sshll.u32 s4, $0x7;
	s4 =	simm.s32 $0x0;
	s6 =	sshll.u32 s3, $0x6  }
0xa: {  	s3 =	ssub.s32 $0x2, s3;
	[smem:$0x7FF] =	sst s4;
	s5 =	sor.u32 s6, s5  }
0xb: {  	s7 =	sshrl.u32 s3, $0x1;
	_ =	strace $0x80000047;
	s29 =	sshll.u32 s5, $0x7  }
0xc: {  	s6 =	sshrl.u32 s5, $0x3;
	s3 =	ssub.s32 s3, s7;
	s1 =	sadd.s32 s1, s29  }
0xd: {  	s0 =	sadd.s32 s6, s0;
	s31 =	smax.u32 s3, $0x1;
	[dreg:$0x6] =	wrdreg s1  }
0xe: {  	s8 =	sadd.s32 $0x200, s2;
	s6 =	sadd.s32 $0x400, s0;
	[dreg:$0xa] =	wrdreg s31  }
0xf: {  	s9 =	sadd.s32 $0x300, s2;
	s11 =	sadd.s32 $0x500, s0;
	[dreg:$0x5] =	wrdreg s6  }
0x10: {  	s7 =	sadd.s32 $0x100, s2;
	s30 =	sadd.s32 $0x600, s0;
	[dreg:$0x7] =	wrdreg s11  }
0x11: {  	v2 =	vlaneseq.u32;
	s14 =	sadd.s32 s10, s29;
	s0 =	sadd.s32 $0x700, s0;
	[dreg:$0x8] =	wrdreg s30  }
0x12: {  	vm0 =	vmmov $0xffff;
	v1 =	vshrl.u32 v2, $0x3;
	s15 =	sadd.s32 $0x1000, s1;
	s1 =	simm.s32 $0xC100;
	[dreg:$0x9] =	wrdreg s0  }
0x13: {  	v0 =	vand.u32 $0x7, v2;
	v2 =	vor.u32 $0x8, v2;
	v1 =	vmul.u32 $0x8, v1;
	s0 =	simm.s32 $0xB900;
	s6 =	simm.s32 $0xF100;
	s11 =	simm.s32 $0xF900  }
.LBB2_1:
0x14: {  	[dreg:$0xb] =	wrdreg s17  }
0x15: {  	s3 =	rddreg [dreg:$0x5];
	s10 =	simm.s32 $0x1  }
0x16: {  	[tilespmem:s4], [sflag:$0x1] =	stream.linear.gather [hbm4b:s3+s4], $0x40, $0x38;
	[tilespmem:$0x18100] =	vst v63  }
0x17: {  	_ =	swait.ge [sflag:s10], $0x40  }
0x18: {  	[sflag:s10] =	ssyncset.done $0x0  }
0x19: {  	[sflag:s10] =	ssyncadd.s32 $0xFFFFFFC0  }
0x1a: {  	v3 =	vld [tilespmem:$0x0];
	_ =	sdelay $0x4  }
0x1b: {  	v4 =	vshll.u32 v3, $0x3  }
0x1c: {  	v3 =	vand.u32 $0x7, v3;
	v4 =	vand.u32 $0xFFFFFFC0, v4  }
0x1d: {  	v3 =	vor.u32 v3, v4  }
0x1e: {  	v4 =	vperm.xlane v3, v0;
	_ =	sdelay $0x1  }
0x1f: {  	v4 =	vadd.s32 v1, v4;
	_ =	sdelay $0x3  }
0x20: {  	s17 =	simm.s32 $0x100  }
0x21: {  	[tilespmem:s17], [sflag:$0x3] =	stream.indirect_vreg.gather [hbm4b:s2+s4], $0x80, v4, vm0, $0xb8;
	[tilespmem:$0x18100] =	vst v63  }
0x22: {  	s18 =	simm.s32 $0x900;
	v3 =	vperm.xlane v3, v2  }
0x23: {  	[tilespmem:s18], [sflag:$0x3] =	stream.indirect_vreg.gather [hbm4b:s7+s4], $0x80, v4, vm0, $0xb8;
	[tilespmem:$0x18100] =	vst v63  }
0x24: {  	s25 =	simm.s32 $0x1100;
	v3 =	vadd.s32 v1, v3  }
0x25: {  	[tilespmem:s25], [sflag:$0x3] =	stream.indirect_vreg.gather [hbm4b:s8+s4], $0x80, v4, vm0, $0xb8;
	[tilespmem:$0x18100] =	vst v63  }
0x26: {  	s26 =	simm.s32 $0x1900  }
0x27: {  	[tilespmem:s26], [sflag:$0x3] =	stream.indirect_vreg.gather [hbm4b:s9+s4], $0x80, v4, vm0, $0xb8;
	[tilespmem:$0x18100] =	vst v63  }
0x28: {  	s28 =	simm.s32 $0x2100  }
0x29: {  	[tilespmem:s28], [sflag:$0x3] =	stream.indirect_vreg.gather [hbm4b:s2+s4], $0x80, v3, vm0, $0xb8;
	[tilespmem:$0x18100] =	vst v63  }
0x2a: {  	s29 =	simm.s32 $0x2900  }
0x2b: {  	[tilespmem:s29], [sflag:$0x3] =	stream.indirect_vreg.gather [hbm4b:s7+s4], $0x80, v3, vm0, $0xb8;
	[tilespmem:$0x18100] =	vst v63  }
0x2c: {  	s30 =	simm.s32 $0x3100  }
0x2d: {  	[tilespmem:s30], [sflag:$0x3] =	stream.indirect_vreg.gather [hbm4b:s8+s4], $0x80, v3, vm0, $0xb8;
	[tilespmem:$0x18100] =	vst v63  }
0x2e: {  	s31 =	simm.s32 $0x3900  }
0x2f: {  	[tilespmem:s31], [sflag:$0x3] =	stream.indirect_vreg.gather [hbm4b:s9+s4], $0x80, v3, vm0, $0xb8;
	[tilespmem:$0x18100] =	vst v63  }
0x30: {  	v3 =	vld [tilespmem:$0x10];
	_ =	sdelay $0x4  }
0x31: {  	v63 =	vshll.u32 v3, $0x3  }
0x32: {  	v3 =	vand.u32 $0x7, v3;
	v4 =	vand.u32 $0xFFFFFFC0, v63  }
0x33: {  	v3 =	vor.u32 v3, v4  }
0x34: {  	v4 =	vperm.xlane v3, v0;
	_ =	sdelay $0x1  }
0x35: {  	v4 =	vadd.s32 v1, v4;
	_ =	sdelay $0x3  }
0x36: {  	s17 =	simm.s32 $0x4100  }
0x37: {  	[tilespmem:s17], [sflag:$0x3] =	stream.indirect_vreg.gather [hbm4b:s2+s4], $0x80, v4, vm0, $0xb8;
	[tilespmem:$0x18100] =	vst v63  }
0x38: {  	s18 =	simm.s32 $0x4900;
	v3 =	vperm.xlane v3, v2  }
0x39: {  	[tilespmem:s18], [sflag:$0x3] =	stream.indirect_vreg.gather [hbm4b:s7+s4], $0x80, v4, vm0, $0xb8;
	[tilespmem:$0x18100] =	vst v63  }
0x3a: {  	s25 =	simm.s32 $0x5100;
	v3 =	vadd.s32 v1, v3  }
0x3b: {  	[tilespmem:s25], [sflag:$0x3] =	stream.indirect_vreg.gather [hbm4b:s8+s4], $0x80, v4, vm0, $0xb8;
	[tilespmem:$0x18100] =	vst v63  }
0x3c: {  	s26 =	simm.s32 $0x5900  }
0x3d: {  	[tilespmem:s26], [sflag:$0x3] =	stream.indirect_vreg.gather [hbm4b:s9+s4], $0x80, v4, vm0, $0xb8;
	[tilespmem:$0x18100] =	vst v63  }
0x3e: {  	s28 =	simm.s32 $0x6100  }
0x3f: {  	[tilespmem:s28], [sflag:$0x3] =	stream.indirect_vreg.gather [hbm4b:s2+s4], $0x80, v3, vm0, $0xb8;
	[tilespmem:$0x18100] =	vst v63  }
0x40: {  	s29 =	simm.s32 $0x6900  }
0x41: {  	[tilespmem:s29], [sflag:$0x3] =	stream.indirect_vreg.gather [hbm4b:s7+s4], $0x80, v3, vm0, $0xb8;
	[tilespmem:$0x18100] =	vst v63  }
0x42: {  	s30 =	simm.s32 $0x7100  }
0x43: {  	[tilespmem:s30], [sflag:$0x3] =	stream.indirect_vreg.gather [hbm4b:s8+s4], $0x80, v3, vm0, $0xb8;
	[tilespmem:$0x18100] =	vst v63  }
0x44: {  	s31 =	simm.s32 $0x7900  }
0x45: {  	[tilespmem:s31], [sflag:$0x3] =	stream.indirect_vreg.gather [hbm4b:s9+s4], $0x80, v3, vm0, $0xb8;
	[tilespmem:$0x18100] =	vst v63  }
0x46: {  	s17 =	rddreg [dreg:$0x6];
	s18 =	simm.s32 $0x10100  }
0x47: {  	[tilespmem:s18], [sflag:$0x2] =	stream.linear.gather [hbm4b:s17+s4], $0x8000, $0x38;
	[tilespmem:$0x18100] =	vst v63  }
0x48: {  	s25 =	rddreg [dreg:$0x7];
	s26 =	simm.s32 $0x40  }
0x49: {  	[tilespmem:s26], [sflag:$0x1] =	stream.linear.gather [hbm4b:s25+s4], $0x40, $0x38;
	[tilespmem:$0x18100] =	vst v63  }
0x4a: {  	s28 =	rddreg [dreg:$0x8];
	s29 =	simm.s32 $0x80  }
0x4b: {  	[tilespmem:s29], [sflag:$0x1] =	stream.linear.gather [hbm4b:s28+s4], $0x40, $0x38;
	[tilespmem:$0x18100] =	vst v63  }
0x4c: {  	s30 =	rddreg [dreg:$0x9];
	s31 =	simm.s32 $0xC0  }
0x4d: {  	[tilespmem:s31], [sflag:$0x1] =	stream.linear.gather [hbm4b:s30+s4], $0x40, $0x38;
	[tilespmem:$0x18100] =	vst v63  }
0x4e: {  	_ =	swait.ge [sflag:s10], $0xC0  }
0x4f: {  	[sflag:s10] =	ssyncset.done $0x0  }
0x50: {  	s17 =	simm.s32 $0x0;
	[sflag:s10] =	ssyncadd.s32 $0xFFFFFF40  }
.LBB2_2:
0x51: {  	s18 =	sshll.u32 s17, $0x1;
	p0 =	seq.s32 s17, $0x0  }
0x52: {  	s3 =	simm.s32 @!p0 $0x6;
	s10 =	sor.u32 $0x1, s18  }
0x53: {  	s26 =	sshll.u32 s17, $0x4;
	_ =	swait.ge @!p0 [sflag:s3], $0x8000;
	s25 =	sshll.u32 s10, $0x6  }
0x54: {  	s26 =	sand.u32 $0x20, s26;
	[sflag:s3] =	ssyncset.done @!p0 $0x0;
	s25 =	sand.u32 $0xC0, s25  }
0x55: {  	[sflag:s3] =	ssyncadd.s32 @!p0 $0xFFFF8000;
	s3 =	sor.u32 s26, s25  }
0x56: {  	v3 =	vld [tilespmem:s3+$0x0];
	_ =	sdelay $0x4  }
0x57: {  	v4 =	vshll.u32 v3, $0x3  }
0x58: {  	v3 =	vand.u32 $0x7, v3;
	v4 =	vand.u32 $0xFFFFFFC0, v4  }
0x59: {  	v3 =	vor.u32 v3, v4  }
0x5a: {  	v4 =	vperm.xlane v3, v0;
	_ =	sdelay $0x1  }
0x5b: {  	v4 =	vadd.s32 v1, v4;
	_ =	sdelay $0x4  }
0x5c: {  	[tilespmem:s24], [sflag:$0x4] =	stream.indirect_vreg.gather [hbm4b:s2+s4], $0x80, v4, vm0, $0xb8;
	[tilespmem:$0x18100] =	vst v63  }
0x5d: {  	s26 =	simm.s32 $0x8900;
	v3 =	vperm.xlane v3, v2  }
0x5e: {  	[tilespmem:s26], [sflag:$0x4] =	stream.indirect_vreg.gather [hbm4b:s7+s4], $0x80, v4, vm0, $0xb8;
	[tilespmem:$0x18100] =	vst v63  }
0x5f: {  	s30 =	simm.s32 $0x9100;
	v3 =	vadd.s32 v1, v3  }
0x60: {  	[tilespmem:s30], [sflag:$0x4] =	stream.indirect_vreg.gather [hbm4b:s8+s4], $0x80, v4, vm0, $0xb8;
	[tilespmem:$0x18100] =	vst v63  }
0x61: {  	s31 =	simm.s32 $0x9900  }
0x62: {  	[tilespmem:s31], [sflag:$0x4] =	stream.indirect_vreg.gather [hbm4b:s9+s4], $0x80, v4, vm0, $0xb8;
	[tilespmem:$0x18100] =	vst v63  }
0x63: {  	s26 =	simm.s32 $0xA100  }
0x64: {  	[tilespmem:s26], [sflag:$0x4] =	stream.indirect_vreg.gather [hbm4b:s2+s4], $0x80, v3, vm0, $0xb8;
	[tilespmem:$0x18100] =	vst v63  }
0x65: {  	s30 =	simm.s32 $0xA900  }
0x66: {  	[tilespmem:s30], [sflag:$0x4] =	stream.indirect_vreg.gather [hbm4b:s7+s4], $0x80, v3, vm0, $0xb8;
	[tilespmem:$0x18100] =	vst v63  }
0x67: {  	s31 =	simm.s32 $0xB100  }
0x68: {  	[tilespmem:s31], [sflag:$0x4] =	stream.indirect_vreg.gather [hbm4b:s8+s4], $0x80, v3, vm0, $0xb8;
	[tilespmem:$0x18100] =	vst v63  }
0x69: {  	_ = 	snop  }
0x6a: {  	[tilespmem:s0], [sflag:$0x4] =	stream.indirect_vreg.gather [hbm4b:s9+s4], $0x80, v3, vm0, $0xb8;
	[tilespmem:$0x18100] =	vst v63  }
0x6b: {  	v3 =	vld [tilespmem:s3+$0x10];
	_ =	sdelay $0x4  }
0x6c: {  	v63 =	vshll.u32 v3, $0x3  }
0x6d: {  	v3 =	vand.u32 $0x7, v3;
	v4 =	vand.u32 $0xFFFFFFC0, v63  }
0x6e: {  	v3 =	vor.u32 v3, v4  }
0x6f: {  	v4 =	vperm.xlane v3, v0;
	_ =	sdelay $0x1  }
0x70: {  	v4 =	vadd.s32 v1, v4;
	_ =	sdelay $0x4  }
0x71: {  	[tilespmem:s1], [sflag:$0x4] =	stream.indirect_vreg.gather [hbm4b:s2+s4], $0x80, v4, vm0, $0xb8;
	[tilespmem:$0x18100] =	vst v63  }
0x72: {  	v3 =	vperm.xlane v3, v2  }
0x73: {  	[tilespmem:s19], [sflag:$0x4] =	stream.indirect_vreg.gather [hbm4b:s7+s4], $0x80, v4, vm0, $0xb8;
	[tilespmem:$0x18100] =	vst v63  }
0x74: {  	v3 =	vadd.s32 v1, v3  }
0x75: {  	[tilespmem:s20], [sflag:$0x4] =	stream.indirect_vreg.gather [hbm4b:s8+s4], $0x80, v4, vm0, $0xb8;
	[tilespmem:$0x18100] =	vst v63  }
0x76: {  	_ = 	snop  }
0x77: {  	[tilespmem:s21], [sflag:$0x4] =	stream.indirect_vreg.gather [hbm4b:s9+s4], $0x80, v4, vm0, $0xb8;
	[tilespmem:$0x18100] =	vst v63  }
0x78: {  	_ = 	snop  }
0x79: {  	[tilespmem:s22], [sflag:$0x4] =	stream.indirect_vreg.gather [hbm4b:s2+s4], $0x80, v3, vm0, $0xb8;
	[tilespmem:$0x18100] =	vst v63  }
0x7a: {  	_ = 	snop  }
0x7b: {  	[tilespmem:s23], [sflag:$0x4] =	stream.indirect_vreg.gather [hbm4b:s7+s4], $0x80, v3, vm0, $0xb8;
	[tilespmem:$0x18100] =	vst v63  }
0x7c: {  	_ = 	snop  }
0x7d: {  	[tilespmem:s6], [sflag:$0x4] =	stream.indirect_vreg.gather [hbm4b:s8+s4], $0x80, v3, vm0, $0xb8;
	[tilespmem:$0x18100] =	vst v63  }
0x7e: {  	_ = 	snop  }
0x7f: {  	[tilespmem:s11], [sflag:$0x4] =	stream.indirect_vreg.gather [hbm4b:s9+s4], $0x80, v3, vm0, $0xb8;
	[tilespmem:$0x18100] =	vst v63  }
0x80: {  	s25 =	sand.u32 $0x2, s18;
	_ =	swait.ge [sflag:s12], $0x8000  }
0x81: {  	p0 =	sne.s32 s25, $0x0;
	[sflag:s12] =	ssyncset.done $0x0  }
0x82: {  	s3 =	simm.s32 @!p0 $0x2;
	[sflag:s12] =	ssyncadd.s32 $0xFFFF8000  }
0x83: {  	_ =	swait.ge @!p0 [sflag:s3], $0x8000  }
0x84: {  	s28 =	simm.s32 $0x0;
	s29 =	simm.s32 $0x0;
	[sflag:s3] =	ssyncset.done @!p0 $0x0  }
0x85: {  	s26 =	simm.s32 $0xFFFF8000;
	[sflag:s3] =	ssyncadd.s32 @!p0 $0xFFFF8000;
	s3 =	simm.s32 $0x0  }
.LBB2_3:
0x86: {  	s30 =	sadd.s32 $0x8000, s26  }
0x87: {  	s31 =	sand.u32 $0x380, s29;
	s30 =	sand.u32 $0x6000, s30  }
0x88: {  	s30 =	sor.u32 s31, s30  }
0x89: {  	v3 =	vld [tilespmem:s30+$0x10100]  }
0x8a: {  	v4 =	vld [tilespmem:s30+$0x10120]  }
0x8b: {  	v5 =	vld [tilespmem:s30+$0x10130]  }
0x8c: {  	v6 =	vld [tilespmem:s30+$0x10140]  }
0x8d: {  	v7 =	vld [tilespmem:s30+$0x10150]  }
0x8e: {  	v24 =	vld [tilespmem:s30+$0x10170]  }
0x8f: {  	v25 =	vld [tilespmem:s30+$0x10500]  }
0x90: {  	v26 =	vld [tilespmem:s30+$0x10510]  }
0x91: {  	v27 =	vld [tilespmem:s30+$0x10520]  }
0x92: {  	v28 =	vld [tilespmem:s30+$0x10540]  }
0x93: {  	v29 =	vld [tilespmem:s30+$0x10550]  }
0x94: {  	v30 =	vld [tilespmem:s30+$0x10560]  }
0x95: {  	v31 =	vld [tilespmem:s30+$0x10570]  }
0x96: {  	v32 =	vld [tilespmem:s30+$0x10910]  }
0x97: {  	v33 =	vld [tilespmem:s30+$0x10920]  }
0x98: {  	v34 =	vld [tilespmem:s30+$0x10930]  }
0x99: {  	v35 =	vld [tilespmem:s30+$0x10940]  }
0x9a: {  	v36 =	vld [tilespmem:s30+$0x10960]  }
0x9b: {  	v37 =	vld [tilespmem:s30+$0x10970]  }
0x9c: {  	v38 =	vld [tilespmem:s30+$0x10D00]  }
0x9d: {  	v39 =	vld [tilespmem:s30+$0x10D10]  }
0x9e: {  	v40 =	vld [tilespmem:s30+$0x10D30]  }
0x9f: {  	v41 =	vld [tilespmem:s30+$0x10D40]  }
0xa0: {  	v42 =	vld [tilespmem:s30+$0x10D50]  }
0xa1: {  	v43 =	vld [tilespmem:s30+$0x10D60]  }
0xa2: {  	v44 =	vld [tilespmem:s30+$0x11100]  }
0xa3: {  	v45 =	vld [tilespmem:s30+$0x11110]  }
0xa4: {  	v46 =	vld [tilespmem:s30+$0x11120]  }
0xa5: {  	v47 =	vld [tilespmem:s30+$0x11130]  }
0xa6: {  	v48 =	vld [tilespmem:s30+$0x11150]  }
0xa7: {  	v49 =	vld [tilespmem:s30+$0x11160]  }
0xa8: {  	v50 =	vld [tilespmem:s30+$0x11170]  }
0xa9: {  	v51 =	vld [tilespmem:s30+$0x11500]  }
0xaa: {  	v52 =	vld [tilespmem:s30+$0x11520]  }
0xab: {  	v53 =	vld [tilespmem:s30+$0x11530]  }
0xac: {  	v54 =	vld [tilespmem:s30+$0x11540]  }
0xad: {  	v55 =	vld [tilespmem:s30+$0x11550]  }
0xae: {  	v56 =	vld [tilespmem:s30+$0x11570]  }
0xaf: {  	v57 =	vld [tilespmem:s30+$0x11900]  }
0xb0: {  	v58 =	vld [tilespmem:s30+$0x11910]  }
0xb1: {  	v59 =	vld [tilespmem:s30+$0x11920]  }
0xb2: {  	v60 =	vld [tilespmem:s30+$0x11940]  }
0xb3: {  	v61 =	vld [tilespmem:s30+$0x11950]  }
0xb4: {  	v62 =	vld [tilespmem:s30+$0x11960]  }
0xb5: {  	v63 =	vld [tilespmem:s30+$0x11970]  }
0xb6: {  	[tilespmem:s30+$0x100] =	vst.add.f32.msk $0xffff, v3  }
0xb7: {  	v3 =	vld [tilespmem:s30+$0x10110]  }
0xb8: {  	[tilespmem:s30+$0x120] =	vst.add.f32.msk $0xffff, v4  }
0xb9: {  	[tilespmem:s30+$0x130] =	vst.add.f32.msk $0xffff, v5  }
0xba: {  	[tilespmem:s30+$0x140] =	vst.add.f32.msk $0xffff, v6  }
0xbb: {  	[tilespmem:s30+$0x150] =	vst.add.f32.msk $0xffff, v7  }
0xbc: {  	[tilespmem:s30+$0x110] =	vst.add.f32.msk $0xffff, v3  }
0xbd: {  	v3 =	vld [tilespmem:s30+$0x10160]  }
0xbe: {  	[tilespmem:s30+$0x170] =	vst.add.f32.msk $0xffff, v24  }
0xbf: {  	[tilespmem:s30+$0x500] =	vst.add.f32.msk $0xffff, v25  }
0xc0: {  	[tilespmem:s30+$0x510] =	vst.add.f32.msk $0xffff, v26  }
0xc1: {  	[tilespmem:s30+$0x520] =	vst.add.f32.msk $0xffff, v27  }
0xc2: {  	[tilespmem:s30+$0x160] =	vst.add.f32.msk $0xffff, v3  }
0xc3: {  	v3 =	vld [tilespmem:s30+$0x10530]  }
0xc4: {  	[tilespmem:s30+$0x540] =	vst.add.f32.msk $0xffff, v28  }
0xc5: {  	[tilespmem:s30+$0x550] =	vst.add.f32.msk $0xffff, v29  }
0xc6: {  	[tilespmem:s30+$0x560] =	vst.add.f32.msk $0xffff, v30  }
0xc7: {  	[tilespmem:s30+$0x570] =	vst.add.f32.msk $0xffff, v31  }
0xc8: {  	[tilespmem:s30+$0x530] =	vst.add.f32.msk $0xffff, v3  }
0xc9: {  	v3 =	vld [tilespmem:s30+$0x10900]  }
0xca: {  	[tilespmem:s30+$0x910] =	vst.add.f32.msk $0xffff, v32  }
0xcb: {  	[tilespmem:s30+$0x920] =	vst.add.f32.msk $0xffff, v33  }
0xcc: {  	[tilespmem:s30+$0x930] =	vst.add.f32.msk $0xffff, v34  }
0xcd: {  	[tilespmem:s30+$0x940] =	vst.add.f32.msk $0xffff, v35  }
0xce: {  	[tilespmem:s30+$0x900] =	vst.add.f32.msk $0xffff, v3  }
0xcf: {  	v3 =	vld [tilespmem:s30+$0x10950]  }
0xd0: {  	[tilespmem:s30+$0x960] =	vst.add.f32.msk $0xffff, v36  }
0xd1: {  	[tilespmem:s30+$0x970] =	vst.add.f32.msk $0xffff, v37  }
0xd2: {  	[tilespmem:s30+$0xD00] =	vst.add.f32.msk $0xffff, v38  }
0xd3: {  	[tilespmem:s30+$0xD10] =	vst.add.f32.msk $0xffff, v39  }
0xd4: {  	[tilespmem:s30+$0x950] =	vst.add.f32.msk $0xffff, v3  }
0xd5: {  	v3 =	vld [tilespmem:s30+$0x10D20]  }
0xd6: {  	[tilespmem:s30+$0xD30] =	vst.add.f32.msk $0xffff, v40  }
0xd7: {  	[tilespmem:s30+$0xD40] =	vst.add.f32.msk $0xffff, v41  }
0xd8: {  	[tilespmem:s30+$0xD50] =	vst.add.f32.msk $0xffff, v42  }
0xd9: {  	[tilespmem:s30+$0xD60] =	vst.add.f32.msk $0xffff, v43  }
0xda: {  	[tilespmem:s30+$0xD20] =	vst.add.f32.msk $0xffff, v3  }
0xdb: {  	v3 =	vld [tilespmem:s30+$0x10D70]  }
0xdc: {  	[tilespmem:s30+$0x1100] =	vst.add.f32.msk $0xffff, v44  }
0xdd: {  	[tilespmem:s30+$0x1110] =	vst.add.f32.msk $0xffff, v45  }
0xde: {  	[tilespmem:s30+$0x1120] =	vst.add.f32.msk $0xffff, v46  }
0xdf: {  	[tilespmem:s30+$0x1130] =	vst.add.f32.msk $0xffff, v47  }
0xe0: {  	[tilespmem:s30+$0xD70] =	vst.add.f32.msk $0xffff, v3  }
0xe1: {  	v3 =	vld [tilespmem:s30+$0x11140]  }
0xe2: {  	[tilespmem:s30+$0x1150] =	vst.add.f32.msk $0xffff, v48  }
0xe3: {  	[tilespmem:s30+$0x1160] =	vst.add.f32.msk $0xffff, v49  }
0xe4: {  	[tilespmem:s30+$0x1170] =	vst.add.f32.msk $0xffff, v50  }
0xe5: {  	[tilespmem:s30+$0x1500] =	vst.add.f32.msk $0xffff, v51  }
0xe6: {  	[tilespmem:s30+$0x1140] =	vst.add.f32.msk $0xffff, v3  }
0xe7: {  	v3 =	vld [tilespmem:s30+$0x11510]  }
0xe8: {  	[tilespmem:s30+$0x1520] =	vst.add.f32.msk $0xffff, v52  }
0xe9: {  	[tilespmem:s30+$0x1530] =	vst.add.f32.msk $0xffff, v53  }
0xea: {  	[tilespmem:s30+$0x1540] =	vst.add.f32.msk $0xffff, v54  }
0xeb: {  	[tilespmem:s30+$0x1550] =	vst.add.f32.msk $0xffff, v55  }
0xec: {  	[tilespmem:s30+$0x1510] =	vst.add.f32.msk $0xffff, v3  }
0xed: {  	v3 =	vld [tilespmem:s30+$0x11560]  }
0xee: {  	[tilespmem:s30+$0x1570] =	vst.add.f32.msk $0xffff, v56  }
0xef: {  	[tilespmem:s30+$0x1900] =	vst.add.f32.msk $0xffff, v57  }
0xf0: {  	[tilespmem:s30+$0x1910] =	vst.add.f32.msk $0xffff, v58  }
0xf1: {  	[tilespmem:s30+$0x1920] =	vst.add.f32.msk $0xffff, v59  }
0xf2: {  	[tilespmem:s30+$0x1560] =	vst.add.f32.msk $0xffff, v3  }
0xf3: {  	v3 =	vld [tilespmem:s30+$0x11930]  }
0xf4: {  	[tilespmem:s30+$0x1940] =	vst.add.f32.msk $0xffff, v60  }
0xf5: {  	s31 =	sand.u32 $0x7, s3;
	[tilespmem:s30+$0x1950] =	vst.add.f32.msk $0xffff, v61  }
0xf6: {  	s31 =	sshll.u32 s31, $0x7;
	[tilespmem:s30+$0x1960] =	vst.add.f32.msk $0xffff, v62  }
0xf7: {  	s31 =	sadd.s32 s31, s28;
	[tilespmem:s30+$0x1970] =	vst.add.f32.msk $0xffff, v63  }
0xf8: {  	[tilespmem:s30+$0x1930] =	vst.add.f32.msk $0xffff, v3;
	s30 =	sor.u32 $0x1C00, s31  }
0xf9: {  	v3 =	vld [tilespmem:s30+$0x10100];
	_ =	sdelay $0x4  }
0xfa: {  	[tilespmem:s30+$0x100] =	vst.add.f32.msk $0xffff, v3;
	s30 =	sor.u32 $0x1C10, s31  }
0xfb: {  	v3 =	vld [tilespmem:s30+$0x10100];
	_ =	sdelay $0x4  }
0xfc: {  	[tilespmem:s30+$0x100] =	vst.add.f32.msk $0xffff, v3;
	s30 =	sor.u32 $0x1C20, s31  }
0xfd: {  	v3 =	vld [tilespmem:s30+$0x10100];
	_ =	sdelay $0x4  }
0xfe: {  	[tilespmem:s30+$0x100] =	vst.add.f32.msk $0xffff, v3;
	s30 =	sor.u32 $0x1C30, s31  }
0xff: {  	v3 =	vld [tilespmem:s30+$0x10100];
	_ =	sdelay $0x4  }
0x100: {  	[tilespmem:s30+$0x100] =	vst.add.f32.msk $0xffff, v3;
	s30 =	sor.u32 $0x1C40, s31  }
0x101: {  	v3 =	vld [tilespmem:s30+$0x10100];
	_ =	sdelay $0x4  }
0x102: {  	[tilespmem:s30+$0x100] =	vst.add.f32.msk $0xffff, v3;
	s30 =	sor.u32 $0x1C50, s31  }
0x103: {  	v3 =	vld [tilespmem:s30+$0x10100];
	_ =	sdelay $0x4  }
0x104: {  	[tilespmem:s30+$0x100] =	vst.add.f32.msk $0xffff, v3;
	s30 =	sor.u32 $0x1C60, s31  }
0x105: {  	v3 =	vld [tilespmem:s30+$0x10100];
	_ =	sdelay $0x4  }
0x106: {  	s31 =	sor.u32 $0x1C70, s31;
	[tilespmem:s30+$0x100] =	vst.add.f32.msk $0xffff, v3  }
0x107: {  	p0 =	sne.s32 s29, $0xF80;
	v3 =	vld [tilespmem:s31+$0x10100]  }
.Ltmp0:
0x108: {  	_ = 	snop;
	(pc) =	sbr.rel @p0 .LBB2_3-.Ltmp0, $3  }
0x109: {  	_ =	sdelay $0x1  }
0x10a: {  	s26 =	sadd.s32 $0x400, s26  }
0x10b: {  	s29 =	sadd.s32 $0x80, s29;
	s3 =	sadd.s32 $0x1, s3;
	s28 =	sadd.s32 $0x400, s28;
	[tilespmem:s31+$0x100] =	vst.add.f32.msk $0xffff, v3  }
0x10c: {  	s3 =	sshll.u32 s17, $0xB  }
0x10d: {  	s3 =	sand.u32 $0x1000, s3  }
0x10e: {  	s25 =	sshll.u32 s25, $0x12;
	p0 =	seq.s32 s17, $0x3;
	s26 =	sadd.s32 s3, s14  }
0x10f: {  	s31 =	simm.s32 $0x100;
	s18 =	sadd.s32 @!p0 $0x2, s18;
	s25 =	sadd.s32 s25, s26  }
0x110: {  	[hbm4b:s25+s4] =	stream.linear.scatter [tilespmem:s31], [sflag:$0x5], $0x8000, $0x38;
	[tilespmem:$0x18100] =	vst v63  }
0x111: {  	s25 =	sshll.u32 @!p0 s18, $0x6;
	s18 =	sshll.u32 @!p0 s18, $0x3;
	_ =	swait.ge [sflag:s13], $0x8000  }
0x112: {  	s25 =	sand.u32 @!p0 $0x80, s25;
	s18 =	sand.u32 @!p0 $0x60, s18;
	[sflag:s13] =	ssyncset.done $0x0  }
0x113: {  	s18 =	sor.u32 @!p0 s18, s25;
	[sflag:s13] =	ssyncadd.s32 $0xFFFF8000  }
0x114: {  	v3 =	vld @!p0 [tilespmem:s18+$0x0];
	_ =	sdelay $0x4  }
0x115: {  	v4 =	vshll.u32 @!p0 v3, $0x3  }
0x116: {  	v5 =	vlaneseq.u32 @!p0;
	v3 =	vand.u32 @!p0 $0x7, v3;
	v4 =	vand.u32 @!p0 $0xFFFFFFC0, v4  }
0x117: {  	v6 =	vshrl.u32 @!p0 v5, $0x3;
	v3 =	vor.u32 @!p0 v3, v4;
	v4 =	vand.u32 @!p0 $0x7, v5  }
0x118: {  	v6 =	vmul.u32 @!p0 $0x8, v6;
	v7 =	vperm.xlane @!p0 v3, v4;
	_ =	sdelay $0x1  }
0x119: {  	v7 =	vadd.s32 @!p0 v6, v7;
	_ =	sdelay $0x3  }
0x11a: {  	vm1 =	vmmov @!p0 $0xffff;
	s26 =	simm.s32 @!p0 $0x100;
	s25 =	simm.s32 @!p0 $0x0  }
0x11b: {  	v5 =	vor.u32 @!p0 $0x8, v5;
	[tilespmem:s26], [sflag:$0x3] =	stream.indirect_vreg.gather @!p0 [hbm4b:s2+s25], $0x80, v7, vm1, $0xb8;
	[tilespmem:$0x18100] =	vst v63  }
0x11c: {  	v3 =	vperm.xlane @!p0 v3, v5;
	s26 =	simm.s32 @!p0 $0x900  }
0x11d: {  	[tilespmem:s26], [sflag:$0x3] =	stream.indirect_vreg.gather @!p0 [hbm4b:s7+s25], $0x80, v7, vm1, $0xb8;
	[tilespmem:$0x18100] =	vst v63  }
0x11e: {  	v3 =	vadd.s32 @!p0 v6, v3;
	s26 =	simm.s32 @!p0 $0x1100  }
0x11f: {  	[tilespmem:s26], [sflag:$0x3] =	stream.indirect_vreg.gather @!p0 [hbm4b:s8+s25], $0x80, v7, vm1, $0xb8;
	[tilespmem:$0x18100] =	vst v63  }
0x120: {  	s26 =	simm.s32 @!p0 $0x1900  }
0x121: {  	[tilespmem:s26], [sflag:$0x3] =	stream.indirect_vreg.gather @!p0 [hbm4b:s9+s25], $0x80, v7, vm1, $0xb8;
	[tilespmem:$0x18100] =	vst v63  }
0x122: {  	s26 =	simm.s32 @!p0 $0x2100  }
0x123: {  	[tilespmem:s26], [sflag:$0x3] =	stream.indirect_vreg.gather @!p0 [hbm4b:s2+s25], $0x80, v3, vm1, $0xb8;
	[tilespmem:$0x18100] =	vst v63  }
0x124: {  	s26 =	simm.s32 @!p0 $0x2900  }
0x125: {  	[tilespmem:s26], [sflag:$0x3] =	stream.indirect_vreg.gather @!p0 [hbm4b:s7+s25], $0x80, v3, vm1, $0xb8;
	[tilespmem:$0x18100] =	vst v63  }
0x126: {  	s26 =	simm.s32 @!p0 $0x3100  }
0x127: {  	[tilespmem:s26], [sflag:$0x3] =	stream.indirect_vreg.gather @!p0 [hbm4b:s8+s25], $0x80, v3, vm1, $0xb8;
	[tilespmem:$0x18100] =	vst v63  }
0x128: {  	s26 =	simm.s32 @!p0 $0x3900  }
0x129: {  	[tilespmem:s26], [sflag:$0x3] =	stream.indirect_vreg.gather @!p0 [hbm4b:s9+s25], $0x80, v3, vm1, $0xb8;
	[tilespmem:$0x18100] =	vst v63  }
0x12a: {  	v3 =	vld @!p0 [tilespmem:s18+$0x10];
	_ =	sdelay $0x4  }
0x12b: {  	v7 =	vshll.u32 @!p0 v3, $0x3  }
0x12c: {  	v3 =	vand.u32 @!p0 $0x7, v3;
	v7 =	vand.u32 @!p0 $0xFFFFFFC0, v7  }
0x12d: {  	v3 =	vor.u32 @!p0 v3, v7  }
0x12e: {  	v4 =	vperm.xlane @!p0 v3, v4;
	_ =	sdelay $0x1  }
0x12f: {  	v4 =	vadd.s32 @!p0 v6, v4;
	_ =	sdelay $0x3  }
0x130: {  	s18 =	simm.s32 @!p0 $0x4100  }
0x131: {  	[tilespmem:s18], [sflag:$0x3] =	stream.indirect_vreg.gather @!p0 [hbm4b:s2+s25], $0x80, v4, vm1, $0xb8;
	[tilespmem:$0x18100] =	vst v63  }
0x132: {  	v3 =	vperm.xlane @!p0 v3, v5;
	s18 =	simm.s32 @!p0 $0x4900  }
0x133: {  	[tilespmem:s18], [sflag:$0x3] =	stream.indirect_vreg.gather @!p0 [hbm4b:s7+s25], $0x80, v4, vm1, $0xb8;
	[tilespmem:$0x18100] =	vst v63  }
0x134: {  	v3 =	vadd.s32 @!p0 v6, v3;
	s18 =	simm.s32 @!p0 $0x5100  }
0x135: {  	[tilespmem:s18], [sflag:$0x3] =	stream.indirect_vreg.gather @!p0 [hbm4b:s8+s25], $0x80, v4, vm1, $0xb8;
	[tilespmem:$0x18100] =	vst v63  }
0x136: {  	s18 =	simm.s32 @!p0 $0x5900  }
0x137: {  	[tilespmem:s18], [sflag:$0x3] =	stream.indirect_vreg.gather @!p0 [hbm4b:s9+s25], $0x80, v4, vm1, $0xb8;
	[tilespmem:$0x18100] =	vst v63  }
0x138: {  	s18 =	simm.s32 @!p0 $0x6100  }
0x139: {  	[tilespmem:s18], [sflag:$0x3] =	stream.indirect_vreg.gather @!p0 [hbm4b:s2+s25], $0x80, v3, vm1, $0xb8;
	[tilespmem:$0x18100] =	vst v63  }
0x13a: {  	s18 =	simm.s32 @!p0 $0x6900  }
0x13b: {  	[tilespmem:s18], [sflag:$0x3] =	stream.indirect_vreg.gather @!p0 [hbm4b:s7+s25], $0x80, v3, vm1, $0xb8;
	[tilespmem:$0x18100] =	vst v63  }
0x13c: {  	s18 =	simm.s32 @!p0 $0x7100  }
0x13d: {  	[tilespmem:s18], [sflag:$0x3] =	stream.indirect_vreg.gather @!p0 [hbm4b:s8+s25], $0x80, v3, vm1, $0xb8;
	[tilespmem:$0x18100] =	vst v63  }
0x13e: {  	s18 =	simm.s32 @!p0 $0x7900  }
0x13f: {  	[tilespmem:s18], [sflag:$0x3] =	stream.indirect_vreg.gather @!p0 [hbm4b:s9+s25], $0x80, v3, vm1, $0xb8;
	[tilespmem:$0x18100] =	vst v63  }
0x140: {  	_ =	swait.ge [sflag:s16], $0x8000  }
0x141: {  	s28 =	simm.s32 $0x0;
	s26 =	simm.s32 $0x0;
	[sflag:s16] =	ssyncset.done $0x0  }
0x142: {  	s18 =	simm.s32 $0x0;
	s25 =	simm.s32 $0xFFFF8000;
	[sflag:s16] =	ssyncadd.s32 $0xFFFF8000  }
.LBB2_5:
0x143: {  	s29 =	sadd.s32 $0x8000, s25  }
0x144: {  	s30 =	sand.u32 $0x380, s28;
	s29 =	sand.u32 $0x6000, s29  }
0x145: {  	s29 =	sor.u32 s30, s29  }
0x146: {  	v3 =	vld [tilespmem:s29+$0x10100]  }
0x147: {  	v4 =	vld [tilespmem:s29+$0x10120]  }
0x148: {  	v5 =	vld [tilespmem:s29+$0x10130]  }
0x149: {  	v6 =	vld [tilespmem:s29+$0x10140]  }
0x14a: {  	v7 =	vld [tilespmem:s29+$0x10150]  }
0x14b: {  	v24 =	vld [tilespmem:s29+$0x10170]  }
0x14c: {  	v25 =	vld [tilespmem:s29+$0x10500]  }
0x14d: {  	v26 =	vld [tilespmem:s29+$0x10510]  }
0x14e: {  	v27 =	vld [tilespmem:s29+$0x10520]  }
0x14f: {  	v28 =	vld [tilespmem:s29+$0x10540]  }
0x150: {  	v29 =	vld [tilespmem:s29+$0x10550]  }
0x151: {  	v30 =	vld [tilespmem:s29+$0x10560]  }
0x152: {  	v31 =	vld [tilespmem:s29+$0x10570]  }
0x153: {  	v32 =	vld [tilespmem:s29+$0x10910]  }
0x154: {  	v33 =	vld [tilespmem:s29+$0x10920]  }
0x155: {  	v34 =	vld [tilespmem:s29+$0x10930]  }
0x156: {  	v35 =	vld [tilespmem:s29+$0x10940]  }
0x157: {  	v36 =	vld [tilespmem:s29+$0x10960]  }
0x158: {  	v37 =	vld [tilespmem:s29+$0x10970]  }
0x159: {  	v38 =	vld [tilespmem:s29+$0x10D00]  }
0x15a: {  	v39 =	vld [tilespmem:s29+$0x10D10]  }
0x15b: {  	v40 =	vld [tilespmem:s29+$0x10D30]  }
0x15c: {  	v41 =	vld [tilespmem:s29+$0x10D40]  }
0x15d: {  	v42 =	vld [tilespmem:s29+$0x10D50]  }
0x15e: {  	v43 =	vld [tilespmem:s29+$0x10D60]  }
0x15f: {  	v44 =	vld [tilespmem:s29+$0x11100]  }
0x160: {  	v45 =	vld [tilespmem:s29+$0x11110]  }
0x161: {  	v46 =	vld [tilespmem:s29+$0x11120]  }
0x162: {  	v47 =	vld [tilespmem:s29+$0x11130]  }
0x163: {  	v48 =	vld [tilespmem:s29+$0x11150]  }
0x164: {  	v49 =	vld [tilespmem:s29+$0x11160]  }
0x165: {  	v50 =	vld [tilespmem:s29+$0x11170]  }
0x166: {  	v51 =	vld [tilespmem:s29+$0x11500]  }
0x167: {  	v52 =	vld [tilespmem:s29+$0x11520]  }
0x168: {  	v53 =	vld [tilespmem:s29+$0x11530]  }
0x169: {  	v54 =	vld [tilespmem:s29+$0x11540]  }
0x16a: {  	v55 =	vld [tilespmem:s29+$0x11550]  }
0x16b: {  	v56 =	vld [tilespmem:s29+$0x11570]  }
0x16c: {  	v57 =	vld [tilespmem:s29+$0x11900]  }
0x16d: {  	v58 =	vld [tilespmem:s29+$0x11910]  }
0x16e: {  	v59 =	vld [tilespmem:s29+$0x11920]  }
0x16f: {  	v60 =	vld [tilespmem:s29+$0x11940]  }
0x170: {  	v61 =	vld [tilespmem:s29+$0x11950]  }
0x171: {  	v62 =	vld [tilespmem:s29+$0x11960]  }
0x172: {  	v63 =	vld [tilespmem:s29+$0x11970]  }
0x173: {  	[tilespmem:s29+$0x8100] =	vst.add.f32.msk $0xffff, v3  }
0x174: {  	v3 =	vld [tilespmem:s29+$0x10110]  }
0x175: {  	[tilespmem:s29+$0x8120] =	vst.add.f32.msk $0xffff, v4  }
0x176: {  	[tilespmem:s29+$0x8130] =	vst.add.f32.msk $0xffff, v5  }
0x177: {  	[tilespmem:s29+$0x8140] =	vst.add.f32.msk $0xffff, v6  }
0x178: {  	[tilespmem:s29+$0x8150] =	vst.add.f32.msk $0xffff, v7  }
0x179: {  	[tilespmem:s29+$0x8110] =	vst.add.f32.msk $0xffff, v3  }
0x17a: {  	v3 =	vld [tilespmem:s29+$0x10160]  }
0x17b: {  	[tilespmem:s29+$0x8170] =	vst.add.f32.msk $0xffff, v24  }
0x17c: {  	[tilespmem:s29+$0x8500] =	vst.add.f32.msk $0xffff, v25  }
0x17d: {  	[tilespmem:s29+$0x8510] =	vst.add.f32.msk $0xffff, v26  }
0x17e: {  	[tilespmem:s29+$0x8520] =	vst.add.f32.msk $0xffff, v27  }
0x17f: {  	[tilespmem:s29+$0x8160] =	vst.add.f32.msk $0xffff, v3  }
0x180: {  	v3 =	vld [tilespmem:s29+$0x10530]  }
0x181: {  	[tilespmem:s29+$0x8540] =	vst.add.f32.msk $0xffff, v28  }
0x182: {  	[tilespmem:s29+$0x8550] =	vst.add.f32.msk $0xffff, v29  }
0x183: {  	[tilespmem:s29+$0x8560] =	vst.add.f32.msk $0xffff, v30  }
0x184: {  	[tilespmem:s29+$0x8570] =	vst.add.f32.msk $0xffff, v31  }
0x185: {  	[tilespmem:s29+$0x8530] =	vst.add.f32.msk $0xffff, v3  }
0x186: {  	v3 =	vld [tilespmem:s29+$0x10900]  }
0x187: {  	[tilespmem:s29+$0x8910] =	vst.add.f32.msk $0xffff, v32  }
0x188: {  	[tilespmem:s29+$0x8920] =	vst.add.f32.msk $0xffff, v33  }
0x189: {  	[tilespmem:s29+$0x8930] =	vst.add.f32.msk $0xffff, v34  }
0x18a: {  	[tilespmem:s29+$0x8940] =	vst.add.f32.msk $0xffff, v35  }
0x18b: {  	[tilespmem:s29+$0x8900] =	vst.add.f32.msk $0xffff, v3  }
0x18c: {  	v3 =	vld [tilespmem:s29+$0x10950]  }
0x18d: {  	[tilespmem:s29+$0x8960] =	vst.add.f32.msk $0xffff, v36  }
0x18e: {  	[tilespmem:s29+$0x8970] =	vst.add.f32.msk $0xffff, v37  }
0x18f: {  	[tilespmem:s29+$0x8D00] =	vst.add.f32.msk $0xffff, v38  }
0x190: {  	[tilespmem:s29+$0x8D10] =	vst.add.f32.msk $0xffff, v39  }
0x191: {  	[tilespmem:s29+$0x8950] =	vst.add.f32.msk $0xffff, v3  }
0x192: {  	v3 =	vld [tilespmem:s29+$0x10D20]  }
0x193: {  	[tilespmem:s29+$0x8D30] =	vst.add.f32.msk $0xffff, v40  }
0x194: {  	[tilespmem:s29+$0x8D40] =	vst.add.f32.msk $0xffff, v41  }
0x195: {  	[tilespmem:s29+$0x8D50] =	vst.add.f32.msk $0xffff, v42  }
0x196: {  	[tilespmem:s29+$0x8D60] =	vst.add.f32.msk $0xffff, v43  }
0x197: {  	[tilespmem:s29+$0x8D20] =	vst.add.f32.msk $0xffff, v3  }
0x198: {  	v3 =	vld [tilespmem:s29+$0x10D70]  }
0x199: {  	[tilespmem:s29+$0x9100] =	vst.add.f32.msk $0xffff, v44  }
0x19a: {  	[tilespmem:s29+$0x9110] =	vst.add.f32.msk $0xffff, v45  }
0x19b: {  	[tilespmem:s29+$0x9120] =	vst.add.f32.msk $0xffff, v46  }
0x19c: {  	[tilespmem:s29+$0x9130] =	vst.add.f32.msk $0xffff, v47  }
0x19d: {  	[tilespmem:s29+$0x8D70] =	vst.add.f32.msk $0xffff, v3  }
0x19e: {  	v3 =	vld [tilespmem:s29+$0x11140]  }
0x19f: {  	[tilespmem:s29+$0x9150] =	vst.add.f32.msk $0xffff, v48  }
0x1a0: {  	[tilespmem:s29+$0x9160] =	vst.add.f32.msk $0xffff, v49  }
0x1a1: {  	[tilespmem:s29+$0x9170] =	vst.add.f32.msk $0xffff, v50  }
0x1a2: {  	[tilespmem:s29+$0x9500] =	vst.add.f32.msk $0xffff, v51  }
0x1a3: {  	[tilespmem:s29+$0x9140] =	vst.add.f32.msk $0xffff, v3  }
0x1a4: {  	v3 =	vld [tilespmem:s29+$0x11510]  }
0x1a5: {  	[tilespmem:s29+$0x9520] =	vst.add.f32.msk $0xffff, v52  }
0x1a6: {  	[tilespmem:s29+$0x9530] =	vst.add.f32.msk $0xffff, v53  }
0x1a7: {  	[tilespmem:s29+$0x9540] =	vst.add.f32.msk $0xffff, v54  }
0x1a8: {  	[tilespmem:s29+$0x9550] =	vst.add.f32.msk $0xffff, v55  }
0x1a9: {  	[tilespmem:s29+$0x9510] =	vst.add.f32.msk $0xffff, v3  }
0x1aa: {  	v3 =	vld [tilespmem:s29+$0x11560]  }
0x1ab: {  	[tilespmem:s29+$0x9570] =	vst.add.f32.msk $0xffff, v56  }
0x1ac: {  	[tilespmem:s29+$0x9900] =	vst.add.f32.msk $0xffff, v57  }
0x1ad: {  	[tilespmem:s29+$0x9910] =	vst.add.f32.msk $0xffff, v58  }
0x1ae: {  	[tilespmem:s29+$0x9920] =	vst.add.f32.msk $0xffff, v59  }
0x1af: {  	[tilespmem:s29+$0x9560] =	vst.add.f32.msk $0xffff, v3  }
0x1b0: {  	v3 =	vld [tilespmem:s29+$0x11930]  }
0x1b1: {  	[tilespmem:s29+$0x9940] =	vst.add.f32.msk $0xffff, v60  }
0x1b2: {  	s31 =	sand.u32 $0x7, s18;
	[tilespmem:s29+$0x9950] =	vst.add.f32.msk $0xffff, v61  }
0x1b3: {  	s30 =	sshll.u32 s31, $0x7;
	[tilespmem:s29+$0x9960] =	vst.add.f32.msk $0xffff, v62  }
0x1b4: {  	s30 =	sadd.s32 s30, s26;
	[tilespmem:s29+$0x9970] =	vst.add.f32.msk $0xffff, v63  }
0x1b5: {  	s31 =	sor.u32 $0x1C00, s30;
	[tilespmem:s29+$0x9930] =	vst.add.f32.msk $0xffff, v3  }
0x1b6: {  	v3 =	vld [tilespmem:s31+$0x10100];
	_ =	sdelay $0x4  }
0x1b7: {  	[tilespmem:s31+$0x8100] =	vst.add.f32.msk $0xffff, v3;
	s31 =	sor.u32 $0x1C10, s30  }
0x1b8: {  	v3 =	vld [tilespmem:s31+$0x10100];
	_ =	sdelay $0x4  }
0x1b9: {  	[tilespmem:s31+$0x8100] =	vst.add.f32.msk $0xffff, v3;
	s31 =	sor.u32 $0x1C20, s30  }
0x1ba: {  	v3 =	vld [tilespmem:s31+$0x10100];
	_ =	sdelay $0x4  }
0x1bb: {  	[tilespmem:s31+$0x8100] =	vst.add.f32.msk $0xffff, v3;
	s31 =	sor.u32 $0x1C30, s30  }
0x1bc: {  	v3 =	vld [tilespmem:s31+$0x10100];
	_ =	sdelay $0x4  }
0x1bd: {  	[tilespmem:s31+$0x8100] =	vst.add.f32.msk $0xffff, v3;
	s31 =	sor.u32 $0x1C40, s30  }
0x1be: {  	v3 =	vld [tilespmem:s31+$0x10100];
	_ =	sdelay $0x4  }
0x1bf: {  	[tilespmem:s31+$0x8100] =	vst.add.f32.msk $0xffff, v3;
	s31 =	sor.u32 $0x1C50, s30  }
0x1c0: {  	v3 =	vld [tilespmem:s31+$0x10100];
	_ =	sdelay $0x4  }
0x1c1: {  	[tilespmem:s31+$0x8100] =	vst.add.f32.msk $0xffff, v3;
	s31 =	sor.u32 $0x1C60, s30  }
0x1c2: {  	v3 =	vld [tilespmem:s31+$0x10100];
	_ =	sdelay $0x4  }
0x1c3: {  	[tilespmem:s31+$0x8100] =	vst.add.f32.msk $0xffff, v3;
	s31 =	sor.u32 $0x1C70, s30  }
0x1c4: {  	p0 =	sne.s32 s28, $0xF80;
	v3 =	vld [tilespmem:s31+$0x10100]  }
.Ltmp1:
0x1c5: {  	_ = 	snop;
	(pc) =	sbr.rel @p0 .LBB2_5-.Ltmp1, $3  }
0x1c6: {  	_ =	sdelay $0x1  }
0x1c7: {  	s18 =	sadd.s32 $0x1, s18  }
0x1c8: {  	s25 =	sadd.s32 $0x400, s25;
	s28 =	sadd.s32 $0x80, s28;
	s26 =	sadd.s32 $0x400, s26;
	[tilespmem:s31+$0x8100] =	vst.add.f32.msk $0xffff, v3  }
0x1c9: {  	s10 =	sshll.u32 s10, $0xB  }
0x1ca: {  	s10 =	sand.u32 $0x1800, s10  }
0x1cb: {  	s18 =	rddreg [dreg:$0x3];
	s10 =	sor.u32 s5, s10  }
0x1cc: {  	s3 =	sadd.s32 s18, s3;
	s10 =	sshll.u32 s10, $0x7  }
0x1cd: {  	p0 =	sne.s32 s17, $0x1;
	s3 =	sadd.s32 s10, s3  }
0x1ce: {  	[hbm4b:s3+s4] =	stream.linear.scatter [tilespmem:s24], [sflag:$0x6], $0x8000, $0x38;
	[tilespmem:$0x18100] =	vst v63  }
0x1cf: {  	s17 =	sadd.s32 $0x1, s17;
	s10 =	simm.s32 @!p0 $0x10100;
	s3 =	simm.s32 @!p0 $0x0  }
0x1d0: {  	[tilespmem:s10], [sflag:$0x2] =	stream.linear.gather @!p0 [hbm4b:s15+s3], $0x8000, $0x38;
	[tilespmem:$0x18100] =	vst v63  }
0x1d1: {  	p0 =	sne.s32 s17, $0x4  }
.Ltmp2:
0x1d2: {  	_ = 	snop;
	(pc) =	sbr.rel @p0 .LBB2_2-.Ltmp2, $1  }
0x1d3: {  	_ =	sdelay $0x3  }
0x1d4: {  	s10 =	simm.s32 $0x6  }
0x1d5: {  	_ =	swait.ge [sflag:s10], $0x8000  }
0x1d6: {  	s17 =	rddreg [dreg:$0xb]  }
0x1d7: {  	s3 =	rddreg [dreg:$0xa];
	s17 =	sadd.s32 $0x1, s17  }
0x1d8: {  	p0 =	sne.s32 s17, s3  }
.Ltmp3:
0x1d9: {  	_ = 	snop;
	(pc) =	sbr.rel @p0 .LBB2_1-.Ltmp3, $3  }
0x1da: {  	_ =	sdelay $0x1  }
0x1db: {  	[sflag:s10] =	ssyncset.done $0x0  }
0x1dc: {  	[sflag:s10] =	ssyncadd.s32 $0xFFFF8000  }
0x1dd: {  	_ =	sfence.sel $0x180000  }
0x1de: {  	[bflag:$0x0] =	sbarrier.arrive $0xFFFF  }
0x1df: {  	_ =	strace $0x90000047  }
0x1e0: {  	s0 =	stileid.u32;
	[bflag:$0x2] =	sbarrier.arrive $0xFFFF  }
0x1e1: {  	p0 =	sne.s32 s0, $0x0;
	s0 =	rddreg [dreg:$0x4]  }
0x1e2: {  	s0 =	sadd.s32 @!p0 $0x100000, s0  }
0x1e3: {  	[sflag:s0] =	ssyncadd.tile.s32 @!p0 $0x1;
	_ =	shalt  }
.Lfunc_end2:
_tile_overlayer_lowered:
.L_overlay_start_2:
0x1e4: {  	(tag) =	ssettag $0x2  }
0x1e5: {  	s0 =	rddreg [dreg:$0x0];
	s2 =	stileid.u32  }
0x1e6: {  	s1 =	rddreg [dreg:$0x1];
	p0 =	sne.s32 s2, $0x0  }
0x1e7: {  	s3 =	rddreg [dreg:$0x2];
	[bflag:$0x3] =	sbarrier.arrive $0xFFFF;
	s2 =	simm.s32 @!p0 $0x1C07  }
0x1e8: {  	[timem:s3], [sflag:s2] =	dma.local @!p0 [hbm:s0], s1  }
0x1e9: {  	s0 =	simm.s32 @!p0 $0x7  }
0x1ea: {  	_ =	swait.ge @!p0 [sflag:s0], s1  }
0x1eb: {  	s1 =	ssub.s32 @!p0 $0x0, s1;
	[sflag:s0] =	ssyncset.done @!p0 $0x0  }
0x1ec: {  	[sflag:s0] =	ssyncadd.s32 @!p0 s1  }
0x1ed: {  	[bflag:$0x3] =	sbarrier.arrive $0xFFFF  }
0x1ee: {  	_ =	shalt  }

</sc_bundles>
